<compile_context>
chip_gen: v7x
topology: tpu7x:2x2x1
jax: 0.10.2.dev20260603
libtpu: 0.0.44.dev20260713+nightly
codegen_flags: <defaults>
</compile_context>

<pallas_src>
import functools

import jax
import jax.numpy as jnp
from jax import lax
from jax.experimental import pallas as pl
from jax.experimental.pallas import tpu as pltpu
from jax.experimental.pallas import tpu_sc as plsc

NC = 2
NS = 16
NW = NC * NS
D = 8
BN = 2048


NBUF = 2


@functools.lru_cache(maxsize=None)
def _sc_scatter(E, NP, K):
    EW = E // NW
    NCH = EW // K
    assert NCH % NBUF == 0 and NCH >= 2 * NBUF
    SR = NP // NS
    NV = K // 4

    mesh = plsc.VectorSubcoreMesh(core_axis_name="c", subcore_axis_name="s")

    buf_types = []
    for _ in range(NBUF):
        buf_types += [
            pltpu.VMEM((K,), jnp.int32),
            pltpu.VMEM((K,), jnp.int32),
            pltpu.VMEM((K,), jnp.float32),
            pltpu.VMEM((K, D), jnp.float32),
            pltpu.SemaphoreType.DMA,
            pltpu.SemaphoreType.DMA,
        ]

    @functools.partial(
        pl.kernel,
        mesh=mesh,
        compiler_params=pltpu.CompilerParams(
            needs_layout_passes=False, use_tc_tiling_on_sc=False),
        out_type=jax.ShapeDtypeStruct((NC, NP, D), jnp.float32),
        scratch_types=[
            pltpu.VMEM_SHARED((NP, D), jnp.float32),
            pltpu.VMEM_SHARED((NP, D), jnp.float32),
        ] + buf_types,
    )
    def sc_scatter(r_hbm, c_hbm, ew_hbm, tbl_hbm, zero_hbm, out_hbm,
                   tbl_sh, acc_sh, *bufs):
        rbuf = [bufs[6 * b + 0] for b in range(NBUF)]
        cbuf = [bufs[6 * b + 1] for b in range(NBUF)]
        ewbuf = [bufs[6 * b + 2] for b in range(NBUF)]
        rows = [bufs[6 * b + 3] for b in range(NBUF)]
        gsem = [bufs[6 * b + 4] for b in range(NBUF)]
        ssem = [bufs[6 * b + 5] for b in range(NBUF)]

        cid = lax.axis_index("c")
        sid = lax.axis_index("s")
        wid = cid * NS + sid
        e0 = wid * EW
        r0 = sid * SR
        pltpu.sync_copy(tbl_hbm.at[pl.ds(r0, SR)], tbl_sh.at[pl.ds(r0, SR)])
        pltpu.sync_copy(zero_hbm.at[pl.ds(r0, SR)], acc_sh.at[pl.ds(r0, SR)])
        plsc.subcore_barrier()

        lane = lax.iota(jnp.int32, 16)
        eoff = lane >> 2
        coff = lane & 3
        def lin(j, b):
            base = e0 + j * K
            pltpu.sync_copy(r_hbm.at[pl.ds(base, K)], rbuf[b])
            pltpu.sync_copy(c_hbm.at[pl.ds(base, K)], cbuf[b])
            pltpu.sync_copy(ew_hbm.at[pl.ds(base, K)], ewbuf[b])

        def drain(b, sem):
            pltpu.make_async_copy(zero_hbm.at[pl.ds(0, K)], rows[b], sem).wait()

        lin(0, 0)
        pltpu.async_copy(tbl_sh.at[rbuf[0]], rows[0], gsem[0])

        def scale_and_scatter(j, p):
            drain(p, gsem[p])

            def scale(v, c2):
                e16 = eoff + v * 4
                ew16 = plsc.load_gather(ewbuf[p], [e16])
                vals = plsc.load_gather(rows[p], [e16, coff])
                plsc.store_scatter(rows[p], [e16, coff], vals * ew16)
                return c2

            lax.fori_loop(0, NV, scale, 0, unroll=4)
            pltpu.async_copy(rows[p], acc_sh.at[cbuf[p]], ssem[p], add=True)

        def quad(i4, carry):
            for b in range(NBUF):
                j = i4 * NBUF + b
                q = (b + 1) % NBUF

                if b == NBUF - 1:
                    drain(q, ssem[q])
                else:
                    @pl.when(i4 > 0)
                    def _():
                        drain(q, ssem[q])

                if b == NBUF - 1:
                    @pl.when(i4 < NCH // NBUF - 1)
                    def _():
                        lin(j + 1, q)
                        pltpu.async_copy(tbl_sh.at[rbuf[q]], rows[q], gsem[q])
                else:
                    lin(j + 1, q)
                    pltpu.async_copy(tbl_sh.at[rbuf[q]], rows[q], gsem[q])

                scale_and_scatter(j, b)
            return carry

        lax.fori_loop(0, NCH // NBUF, quad, 0)
        for b in range(1, NBUF):
            drain((NCH - NBUF + b) % NBUF, ssem[(NCH - NBUF + b) % NBUF])

        plsc.subcore_barrier()
        pltpu.sync_copy(acc_sh.at[pl.ds(r0, SR)],
                        out_hbm.at[cid, pl.ds(r0, SR)])

    return sc_scatter


@functools.lru_cache(maxsize=None)
def _sc_degree(E, NP, K):
    EW = E // NW
    NCH = EW // K
    assert NCH % 2 == 0 and K % 16 == 0
    NV16 = K // 16

    mesh = plsc.VectorSubcoreMesh(core_axis_name="c", subcore_axis_name="s")

    @functools.partial(
        pl.kernel,
        mesh=mesh,
        compiler_params=pltpu.CompilerParams(
            needs_layout_passes=False, use_tc_tiling_on_sc=False),
        out_type=jax.ShapeDtypeStruct((NW, NP), jnp.float32),
        scratch_types=[
            pltpu.VMEM((NP,), jnp.float32),
            pltpu.VMEM((K,), jnp.int32),
            pltpu.VMEM((K,), jnp.float32),
            pltpu.VMEM((K,), jnp.int32),
            pltpu.VMEM((K,), jnp.float32),
        ],
    )
    def sc_degree(c_hbm, ew_hbm, out_hbm, deg, cb0, eb0, cb1, eb1):
        cid = lax.axis_index("c")
        sid = lax.axis_index("s")
        wid = cid * NS + sid
        e0 = wid * EW
        cbuf = [cb0, cb1]
        ebuf = [eb0, eb1]

        zvec = jnp.zeros((16,), jnp.float32)

        def zero(v, carry):
            deg[pl.ds(v * 16, 16)] = zvec
            return carry

        lax.fori_loop(0, NP // 16, zero, 0, unroll=8)

        def lin(j, b):
            base = e0 + j * K
            pltpu.sync_copy(c_hbm.at[pl.ds(base, K)], cbuf[b])
            pltpu.sync_copy(ew_hbm.at[pl.ds(base, K)], ebuf[b])

        lin(0, 0)

        def pair(i2, carry):
            for b in range(2):
                j = 2 * i2 + b

                @pl.when(j < NCH - 1)
                def _():
                    lin(j + 1, 1 - b)

                def accum(v, c2):
                    c16 = cbuf[b][pl.ds(v * 16, 16)]
                    ew16 = ebuf[b][pl.ds(v * 16, 16)]
                    plsc.addupdate_scatter(deg, [c16], ew16)
                    return c2

                lax.fori_loop(0, NV16, accum, 0, unroll=4)
            return carry

        lax.fori_loop(0, NCH // 2, pair, 0)
        pltpu.sync_copy(deg, out_hbm.at[wid])

    return sc_degree


def _tc1_body(degp_ref, x8_ref, dinv_ref, tp1_ref):
    ones = jnp.ones((NW, 1), jnp.float32)
    deg = lax.dot_general(degp_ref[...], ones, (((0,), (0,)), ((), ())),
                          preferred_element_type=jnp.float32) + 1.0
    dinv = jnp.where(deg > 0, lax.rsqrt(jnp.maximum(deg, 1e-12)), 0.0)
    dinv_ref[...] = dinv
    tp1_ref[...] = x8_ref[...] * dinv


def _tc2_body(p1_ref, dinv_ref, x8_ref, w1_ref, b1_ref, w2_ref, tp2_ref):
    dinv = dinv_ref[...]
    agg = (p1_ref[0] + p1_ref[1]) * dinv + dinv * dinv * x8_ref[...]
    h = jnp.zeros((agg.shape[0], 16), jnp.float32) + b1_ref[...]
    for k in range(4):
        h = h + agg[:, k:k + 1] * w1_ref[k:k + 1, :]
    h = jnp.maximum(h, 0.0)
    t2 = jnp.zeros((agg.shape[0], D), jnp.float32)
    for k in range(16):
        t2 = t2 + h[:, k:k + 1] * w2_ref[k:k + 1, :]
    tp2_ref[...] = t2 * dinv


def _tc3_body(p2_ref, dinv_ref, tp2_ref, b2_ref, out_ref):
    dinv = dinv_ref[...]
    out_ref[...] = ((p2_ref[0, :, 0:4] + p2_ref[1, :, 0:4]) * dinv
                    + tp2_ref[:, 0:4] * dinv + b2_ref[...])


def _full(shape):
    nd = len(shape)
    return pl.BlockSpec(shape, lambda i: (0,) * nd)


def _tc1(degp, x8):
    NP = x8.shape[0]
    return pl.pallas_call(
        _tc1_body,
        grid=(NP // BN,),
        in_specs=[pl.BlockSpec((NW, BN), lambda i: (0, i)),
                  pl.BlockSpec((BN, D), lambda i: (i, 0))],
        out_specs=[pl.BlockSpec((BN, 1), lambda i: (i, 0)),
                   pl.BlockSpec((BN, D), lambda i: (i, 0))],
        out_shape=[jax.ShapeDtypeStruct((NP, 1), jnp.float32),
                   jax.ShapeDtypeStruct((NP, D), jnp.float32)],
    )(degp, x8)


def _tc2(p1, dinv, x8, W1p, b1, W2p):
    NP = x8.shape[0]
    return pl.pallas_call(
        _tc2_body,
        grid=(NP // BN,),
        in_specs=[pl.BlockSpec((2, BN, D), lambda i: (0, i, 0)),
                  pl.BlockSpec((BN, 1), lambda i: (i, 0)),
                  pl.BlockSpec((BN, D), lambda i: (i, 0)),
                  _full((D, 16)), _full((1, 16)), _full((16, D))],
        out_specs=pl.BlockSpec((BN, D), lambda i: (i, 0)),
        out_shape=jax.ShapeDtypeStruct((NP, D), jnp.float32),
    )(p1, dinv, x8, W1p, b1, W2p)


def _tc3(p2, dinv, tp2, b2):
    NP = tp2.shape[0]
    return pl.pallas_call(
        _tc3_body,
        grid=(NP // BN,),
        in_specs=[pl.BlockSpec((2, BN, D), lambda i: (0, i, 0)),
                  pl.BlockSpec((BN, 1), lambda i: (i, 0)),
                  pl.BlockSpec((BN, D), lambda i: (i, 0)),
                  _full((1, 4))],
        out_specs=pl.BlockSpec((BN, 4), lambda i: (i, 0)),
        out_shape=jax.ShapeDtypeStruct((NP, 4), jnp.float32),
    )(p2, dinv, tp2, b2)


def kernel(x, edge_index, edge_attr, W1, b1, W2, b2):
    N = x.shape[0]
    E = edge_attr.shape[0]
    NP = 100352
    K = 1000

    ei = edge_index.astype(jnp.int32)
    r, c = ei[0], ei[1]
    ew = edge_attr.astype(jnp.float32)
    x8 = jnp.pad(x, ((0, NP - N), (0, D - 3)))
    zeros8 = jnp.zeros((NP, D), jnp.float32)
    W1p = jnp.pad(W1, ((0, D - 3), (0, 0)))
    W2p = jnp.pad(W2, ((0, 0), (0, D - 4)))

    sc = _sc_scatter(E, NP, K)
    degp = _sc_degree(E, NP, 2000)(c, ew)
    dinv, tp1 = _tc1(degp, x8)
    p1 = sc(r, c, ew, tp1, zeros8)
    tp2 = _tc2(p1, dinv, x8, W1p, b1.reshape(1, 16), W2p)
    p2 = sc(r, c, ew, tp2, zeros8)
    out = _tc3(p2, dinv, tp2, b2.reshape(1, 4))
    return out[:N]

# --- scband reference (transcript-rebuilt; emitter-appended) ---
"""Pipeline reference for scband-metro-gnn-43731357008588 (READ-ONLY COPY).

The authoritative reference and input builder live on the scoring server;
editing this copy changes nothing except your own understanding.
"""

import jax, jax.numpy as jnp
import numpy as np

N_NODES = 100000
N_EDGES = 3200000


def gcn_conv(x, edge_index, edge_weight, W, b, num_nodes):
    # PyG GCNConv: add self-loops (weight 1), symmetric normalization, linear, aggregate, bias
    row = edge_index[0]
    col = edge_index[1]
    loop = jnp.arange(num_nodes, dtype=edge_index.dtype)
    row = jnp.concatenate([row, loop])
    col = jnp.concatenate([col, loop])
    ew = jnp.concatenate([edge_weight, jnp.ones((num_nodes,), dtype=x.dtype)])
    deg = jnp.zeros((num_nodes,), dtype=x.dtype).at[col].add(ew)
    dinv = jnp.where(deg > 0, jax.lax.rsqrt(jnp.maximum(deg, 1e-12)), 0.0)
    norm = dinv[row] * ew * dinv[col]
    h = x @ W
    msg = jnp.take(h, row, axis=0) * norm[:, None]
    out = jax.ops.segment_sum(msg, col, num_segments=num_nodes)
    return out + b


def setup_inputs(seed: int = 0) -> dict:
    key = jax.random.key(seed)
    k1, k2, k3, k4, k5, k6, k7 = jax.random.split(key, 7)
    x = jax.random.normal(k1, (N_NODES, 3), dtype=jnp.float32)
    edge_index = jax.random.randint(k2, (2, N_EDGES), 0, N_NODES, dtype=jnp.int64)
    edge_attr = jax.random.uniform(k3, (N_EDGES,), dtype=jnp.float32)
    # GCNConv(3, 16) and GCNConv(16, 4) parameters (glorot-ish init)
    W1 = jax.random.normal(k4, (3, 16), dtype=jnp.float32) * (1.0 / np.sqrt(3.0))
    b1 = jnp.zeros((16,), dtype=jnp.float32)
    W2 = jax.random.normal(k5, (16, 4), dtype=jnp.float32) * (1.0 / np.sqrt(16.0))
    b2 = jnp.zeros((4,), dtype=jnp.float32)
    return {"x": x, "edge_index": edge_index, "edge_attr": edge_attr,
            "W1": W1, "b1": b1, "W2": W2, "b2": b2}


def reference(x, edge_index, edge_attr, W1, b1, W2, b2):
    h = gcn_conv(x, edge_index, edge_attr, W1, b1, N_NODES)
    h = jax.nn.relu(h)
    out = gcn_conv(h, edge_index, edge_attr, W2, b2, N_NODES)
    return out

if __name__ == "__main__":
    import jax
    _d = setup_inputs()
    print(jax.jit(kernel)(*tuple(_d.values())))

</pallas_src>

<mosaic_0001>
#map = affine_map<(d0, d1) -> (0)>
#map1 = affine_map<(d0, d1) -> (0, 0)>
module attributes {stable_mosaic.version = 14 : i64} {
  func.func @sc_degree(%arg0: i32, %arg1: i32, %arg2: memref<3200000xi32, #tpu.memory_space<hbm>>, %arg3: memref<3200000xf32, #tpu.memory_space<hbm>>, %arg4: memref<32x100352xf32, #tpu.memory_space<hbm>>, %arg5: memref<100352xf32, #tpu.memory_space<vmem>>, %arg6: memref<2000xi32, #tpu.memory_space<vmem>>, %arg7: memref<2000xf32, #tpu.memory_space<vmem>>, %arg8: memref<2000xi32, #tpu.memory_space<vmem>>, %arg9: memref<2000xf32, #tpu.memory_space<vmem>>) attributes {dimension_semantics = [#tpu.dimension_semantics<core_parallel>, #tpu.dimension_semantics<subcore_parallel>], iteration_bounds = array<i64: 2, 16>, scalar_prefetch = 0 : i64, scratch_operands = 5 : i64, tpu.core_type = #tpu.core_type<sc_vector_subcore>, window_params = [{transform_indices = #map}, {transform_indices = #map}, {transform_indices = #map1}]} {
    %mul3A = arith.constant 16 : i32
    %mul3A_0 = arith.muli %arg0, %mul3A : i32
    %add3A = arith.addi %mul3A_0, %arg1 : i32
    %mul3A_1 = arith.constant 100000 : i32
    %mul3A_2 = arith.muli %add3A, %mul3A_1 : i32
    %broadcast_in_dim3A = arith.constant 0.000000e+00 : f32
    %broadcast_in_dim3A_3 = vector.broadcast %broadcast_in_dim3A : f32 to vector<16xf32>
    %scan3A = arith.constant 0 : i32
    %scan3A_4 = arith.constant 0 : i32
    %scan3A_5 = arith.constant 6272 : i32
    %scan3A_6 = arith.addi %scan3A_4, %scan3A_5 : i32
    %scan3A_7 = arith.constant 8 : i32
    scf.for %scan3A_17 = %scan3A_4 to %scan3A_6 step %scan3A_7  : i32 {
      %mul3A_18 = arith.constant 16 : i32
      %mul3A_19 = arith.muli %scan3A_17, %mul3A_18 : i32
      %swap3A = arith.index_cast %mul3A_19 : i32 to index
      %swap3A_20 = tpu.vector_load %arg5[%swap3A] {strides = array<i32>} : memref<100352xf32, #tpu.memory_space<vmem>>, vector<16xf32>,
      tpu.vector_store %arg5[%swap3A], %broadcast_in_dim3A_3 {strides = array<i32>} : memref<100352xf32, #tpu.memory_space<vmem>>, vector<16xf32>,
      %scan3A_21 = arith.constant 1 : i32
      %scan3A_22 = arith.addi %scan3A_17, %scan3A_21 : i32
      %mul3A_23 = arith.constant 16 : i32
      %mul3A_24 = arith.muli %scan3A_22, %mul3A_23 : i32
      %swap3A_25 = arith.index_cast %mul3A_24 : i32 to index
      %swap3A_26 = tpu.vector_load %arg5[%swap3A_25] {strides = array<i32>} : memref<100352xf32, #tpu.memory_space<vmem>>, vector<16xf32>,
      tpu.vector_store %arg5[%swap3A_25], %broadcast_in_dim3A_3 {strides = array<i32>} : memref<100352xf32, #tpu.memory_space<vmem>>, vector<16xf32>,
      %scan3A_27 = arith.constant 2 : i32
      %scan3A_28 = arith.addi %scan3A_17, %scan3A_27 : i32
      %mul3A_29 = arith.constant 16 : i32
      %mul3A_30 = arith.muli %scan3A_28, %mul3A_29 : i32
      %swap3A_31 = arith.index_cast %mul3A_30 : i32 to index
      %swap3A_32 = tpu.vector_load %arg5[%swap3A_31] {strides = array<i32>} : memref<100352xf32, #tpu.memory_space<vmem>>, vector<16xf32>,
      tpu.vector_store %arg5[%swap3A_31], %broadcast_in_dim3A_3 {strides = array<i32>} : memref<100352xf32, #tpu.memory_space<vmem>>, vector<16xf32>,
      %scan3A_33 = arith.constant 3 : i32
      %scan3A_34 = arith.addi %scan3A_17, %scan3A_33 : i32
      %mul3A_35 = arith.constant 16 : i32
      %mul3A_36 = arith.muli %scan3A_34, %mul3A_35 : i32
      %swap3A_37 = arith.index_cast %mul3A_36 : i32 to index
      %swap3A_38 = tpu.vector_load %arg5[%swap3A_37] {strides = array<i32>} : memref<100352xf32, #tpu.memory_space<vmem>>, vector<16xf32>,
      tpu.vector_store %arg5[%swap3A_37], %broadcast_in_dim3A_3 {strides = array<i32>} : memref<100352xf32, #tpu.memory_space<vmem>>, vector<16xf32>,
      %scan3A_39 = arith.constant 4 : i32
      %scan3A_40 = arith.addi %scan3A_17, %scan3A_39 : i32
      %mul3A_41 = arith.constant 16 : i32
      %mul3A_42 = arith.muli %scan3A_40, %mul3A_41 : i32
      %swap3A_43 = arith.index_cast %mul3A_42 : i32 to index
      %swap3A_44 = tpu.vector_load %arg5[%swap3A_43] {strides = array<i32>} : memref<100352xf32, #tpu.memory_space<vmem>>, vector<16xf32>,
      tpu.vector_store %arg5[%swap3A_43], %broadcast_in_dim3A_3 {strides = array<i32>} : memref<100352xf32, #tpu.memory_space<vmem>>, vector<16xf32>,
      %scan3A_45 = arith.constant 5 : i32
      %scan3A_46 = arith.addi %scan3A_17, %scan3A_45 : i32
      %mul3A_47 = arith.constant 16 : i32
      %mul3A_48 = arith.muli %scan3A_46, %mul3A_47 : i32
      %swap3A_49 = arith.index_cast %mul3A_48 : i32 to index
      %swap3A_50 = tpu.vector_load %arg5[%swap3A_49] {strides = array<i32>} : memref<100352xf32, #tpu.memory_space<vmem>>, vector<16xf32>,
      tpu.vector_store %arg5[%swap3A_49], %broadcast_in_dim3A_3 {strides = array<i32>} : memref<100352xf32, #tpu.memory_space<vmem>>, vector<16xf32>,
      %scan3A_51 = arith.constant 6 : i32
      %scan3A_52 = arith.addi %scan3A_17, %scan3A_51 : i32
      %mul3A_53 = arith.constant 16 : i32
      %mul3A_54 = arith.muli %scan3A_52, %mul3A_53 : i32
      %swap3A_55 = arith.index_cast %mul3A_54 : i32 to index
      %swap3A_56 = tpu.vector_load %arg5[%swap3A_55] {strides = array<i32>} : memref<100352xf32, #tpu.memory_space<vmem>>, vector<16xf32>,
      tpu.vector_store %arg5[%swap3A_55], %broadcast_in_dim3A_3 {strides = array<i32>} : memref<100352xf32, #tpu.memory_space<vmem>>, vector<16xf32>,
      %scan3A_57 = arith.constant 7 : i32
      %scan3A_58 = arith.addi %scan3A_17, %scan3A_57 : i32
      %mul3A_59 = arith.constant 16 : i32
      %mul3A_60 = arith.muli %scan3A_58, %mul3A_59 : i32
      %swap3A_61 = arith.index_cast %mul3A_60 : i32 to index
      %swap3A_62 = tpu.vector_load %arg5[%swap3A_61] {strides = array<i32>} : memref<100352xf32, #tpu.memory_space<vmem>>, vector<16xf32>,
      tpu.vector_store %arg5[%swap3A_61], %broadcast_in_dim3A_3 {strides = array<i32>} : memref<100352xf32, #tpu.memory_space<vmem>>, vector<16xf32>,
    }
    %scan3A_8 = arith.constant 6272 : i32
    %add3A_9 = arith.constant 0 : i32
    %add3A_10 = arith.addi %mul3A_2, %add3A_9 : i32
    "tpu.region"() ({
      %run_scoped3A = tpu.sem_alloc : memref<!tpu.dma_semaphore, #tpu.memory_space<semaphore_mem>>
      %dma_start3A = tpu.memref_slice %arg2[%add3A_10] : memref<3200000xi32, #tpu.memory_space<hbm>> -> memref<2000xi32, #tpu.memory_space<hbm>>
      %dma_start3A_17 = tpu.memref_slice %arg2[%add3A_10] : memref<3200000xi32, #tpu.memory_space<hbm>> -> memref<2000xi32, #tpu.memory_space<hbm>>
      tpu.enqueue_dma source(%dma_start3A_17 : memref<2000xi32, #tpu.memory_space<hbm>>) target(%arg6 : memref<2000xi32, #tpu.memory_space<vmem>>) target_semaphore(%run_scoped3A : memref<!tpu.dma_semaphore, #tpu.memory_space<semaphore_mem>>)
      %dma_wait3A = tpu.memref_slice %arg2[%add3A_10] : memref<3200000xi32, #tpu.memory_space<hbm>> -> memref<2000xi32, #tpu.memory_space<hbm>>
      %dma_wait3A_18 = tpu.memref_slice %arg2[%add3A_10] : memref<3200000xi32, #tpu.memory_space<hbm>> -> memref<2000xi32, #tpu.memory_space<hbm>>
      tpu.wait_dma2 semaphore(%run_scoped3A : memref<!tpu.dma_semaphore, #tpu.memory_space<semaphore_mem>>) src(%dma_wait3A_18 : memref<2000xi32, #tpu.memory_space<hbm>>) dst(%arg6 : memref<2000xi32, #tpu.memory_space<vmem>>)
      tpu.yield
    }) : () -> ()
    "tpu.region"() ({
      %run_scoped3A = tpu.sem_alloc : memref<!tpu.dma_semaphore, #tpu.memory_space<semaphore_mem>>
      %dma_start3A = tpu.memref_slice %arg3[%add3A_10] : memref<3200000xf32, #tpu.memory_space<hbm>> -> memref<2000xf32, #tpu.memory_space<hbm>>
      %dma_start3A_17 = tpu.memref_slice %arg3[%add3A_10] : memref<3200000xf32, #tpu.memory_space<hbm>> -> memref<2000xf32, #tpu.memory_space<hbm>>
      tpu.enqueue_dma source(%dma_start3A_17 : memref<2000xf32, #tpu.memory_space<hbm>>) target(%arg7 : memref<2000xf32, #tpu.memory_space<vmem>>) target_semaphore(%run_scoped3A : memref<!tpu.dma_semaphore, #tpu.memory_space<semaphore_mem>>)
      %dma_wait3A = tpu.memref_slice %arg3[%add3A_10] : memref<3200000xf32, #tpu.memory_space<hbm>> -> memref<2000xf32, #tpu.memory_space<hbm>>
      %dma_wait3A_18 = tpu.memref_slice %arg3[%add3A_10] : memref<3200000xf32, #tpu.memory_space<hbm>> -> memref<2000xf32, #tpu.memory_space<hbm>>
      tpu.wait_dma2 semaphore(%run_scoped3A : memref<!tpu.dma_semaphore, #tpu.memory_space<semaphore_mem>>) src(%dma_wait3A_18 : memref<2000xf32, #tpu.memory_space<hbm>>) dst(%arg7 : memref<2000xf32, #tpu.memory_space<vmem>>)
      tpu.yield
    }) : () -> ()
    %scan3A_11 = arith.constant 0 : i32
    %scan3A_12 = arith.constant 0 : i32
    %scan3A_13 = arith.constant 25 : i32
    %scan3A_14 = arith.addi %scan3A_12, %scan3A_13 : i32
    %scan3A_15 = arith.constant 1 : i32
    scf.for %scan3A_17 = %scan3A_12 to %scan3A_14 step %scan3A_15  : i32 {
      %mul3A_18 = arith.constant 2 : i32
      %mul3A_19 = arith.muli %mul3A_18, %scan3A_17 : i32
      %add3A_20 = arith.constant 0 : i32
      %add3A_21 = arith.addi %mul3A_19, %add3A_20 : i32
      %lt3A = arith.constant 49 : i32
      %lt3A_22 = arith.cmpi slt, %add3A_21, %lt3A : i32
      %convert_element_type3A = arith.extui %lt3A_22 : i1 to i32
      %cond3A = arith.constant 0 : i32
      %cond3A_23 = arith.cmpi ne, %convert_element_type3A, %cond3A : i32
      scf.if %cond3A_23 {
        %add3A_64 = arith.constant 1 : i32
        %add3A_65 = arith.addi %add3A_21, %add3A_64 : i32
        %mul3A_66 = arith.constant 2000 : i32
        %mul3A_67 = arith.muli %add3A_65, %mul3A_66 : i32
        %add3A_68 = arith.addi %mul3A_2, %mul3A_67 : i32
        "tpu.region"() ({
          %run_scoped3A = tpu.sem_alloc : memref<!tpu.dma_semaphore, #tpu.memory_space<semaphore_mem>>
          %dma_start3A = tpu.memref_slice %arg2[%add3A_68] : memref<3200000xi32, #tpu.memory_space<hbm>> -> memref<2000xi32, #tpu.memory_space<hbm>>
          %dma_start3A_69 = tpu.memref_slice %arg2[%add3A_68] : memref<3200000xi32, #tpu.memory_space<hbm>> -> memref<2000xi32, #tpu.memory_space<hbm>>
          tpu.enqueue_dma source(%dma_start3A_69 : memref<2000xi32, #tpu.memory_space<hbm>>) target(%arg8 : memref<2000xi32, #tpu.memory_space<vmem>>) target_semaphore(%run_scoped3A : memref<!tpu.dma_semaphore, #tpu.memory_space<semaphore_mem>>)
          %dma_wait3A = tpu.memref_slice %arg2[%add3A_68] : memref<3200000xi32, #tpu.memory_space<hbm>> -> memref<2000xi32, #tpu.memory_space<hbm>>
          %dma_wait3A_70 = tpu.memref_slice %arg2[%add3A_68] : memref<3200000xi32, #tpu.memory_space<hbm>> -> memref<2000xi32, #tpu.memory_space<hbm>>
          tpu.wait_dma2 semaphore(%run_scoped3A : memref<!tpu.dma_semaphore, #tpu.memory_space<semaphore_mem>>) src(%dma_wait3A_70 : memref<2000xi32, #tpu.memory_space<hbm>>) dst(%arg8 : memref<2000xi32, #tpu.memory_space<vmem>>)
          tpu.yield
        }) : () -> ()
        "tpu.region"() ({
          %run_scoped3A = tpu.sem_alloc : memref<!tpu.dma_semaphore, #tpu.memory_space<semaphore_mem>>
          %dma_start3A = tpu.memref_slice %arg3[%add3A_68] : memref<3200000xf32, #tpu.memory_space<hbm>> -> memref<2000xf32, #tpu.memory_space<hbm>>
          %dma_start3A_69 = tpu.memref_slice %arg3[%add3A_68] : memref<3200000xf32, #tpu.memory_space<hbm>> -> memref<2000xf32, #tpu.memory_space<hbm>>
          tpu.enqueue_dma source(%dma_start3A_69 : memref<2000xf32, #tpu.memory_space<hbm>>) target(%arg9 : memref<2000xf32, #tpu.memory_space<vmem>>) target_semaphore(%run_scoped3A : memref<!tpu.dma_semaphore, #tpu.memory_space<semaphore_mem>>)
          %dma_wait3A = tpu.memref_slice %arg3[%add3A_68] : memref<3200000xf32, #tpu.memory_space<hbm>> -> memref<2000xf32, #tpu.memory_space<hbm>>
          %dma_wait3A_70 = tpu.memref_slice %arg3[%add3A_68] : memref<3200000xf32, #tpu.memory_space<hbm>> -> memref<2000xf32, #tpu.memory_space<hbm>>
          tpu.wait_dma2 semaphore(%run_scoped3A : memref<!tpu.dma_semaphore, #tpu.memory_space<semaphore_mem>>) src(%dma_wait3A_70 : memref<2000xf32, #tpu.memory_space<hbm>>) dst(%arg9 : memref<2000xf32, #tpu.memory_space<vmem>>)
          tpu.yield
        }) : () -> ()
      } else {
      }
      %scan3A_24 = arith.constant 0 : i32
      %scan3A_25 = arith.constant 0 : i32
      %scan3A_26 = arith.constant 124 : i32
      %scan3A_27 = arith.addi %scan3A_25, %scan3A_26 : i32
      %scan3A_28 = arith.constant 4 : i32
      scf.for %scan3A_64 = %scan3A_25 to %scan3A_27 step %scan3A_28  : i32 {
        %mul3A_65 = arith.constant 16 : i32
        %mul3A_66 = arith.muli %scan3A_64, %mul3A_65 : i32
        %get3A_67 = arith.index_cast %mul3A_66 : i32 to index
        %get3A_68 = tpu.vector_load %arg6[%get3A_67] {strides = array<i32>} : memref<2000xi32, #tpu.memory_space<vmem>>, vector<16xi32>,
        %mul3A_69 = arith.constant 16 : i32
        %mul3A_70 = arith.muli %scan3A_64, %mul3A_69 : i32
        %get3A_71 = arith.index_cast %mul3A_70 : i32 to index
        %get3A_72 = tpu.vector_load %arg7[%get3A_71] {strides = array<i32>} : memref<2000xf32, #tpu.memory_space<vmem>>, vector<16xf32>,
        tpu.vector_store_idx %arg5[%get3A_68], %get3A_72 {add = true} : memref<100352xf32, #tpu.memory_space<vmem>>[vector<16xi32>], vector<16xf32>,
        %scan3A_73 = arith.constant 1 : i32
        %scan3A_74 = arith.addi %scan3A_64, %scan3A_73 : i32
        %mul3A_75 = arith.constant 16 : i32
        %mul3A_76 = arith.muli %scan3A_74, %mul3A_75 : i32
        %get3A_77 = arith.index_cast %mul3A_76 : i32 to index
        %get3A_78 = tpu.vector_load %arg6[%get3A_77] {strides = array<i32>} : memref<2000xi32, #tpu.memory_space<vmem>>, vector<16xi32>,
        %mul3A_79 = arith.constant 16 : i32
        %mul3A_80 = arith.muli %scan3A_74, %mul3A_79 : i32
        %get3A_81 = arith.index_cast %mul3A_80 : i32 to index
        %get3A_82 = tpu.vector_load %arg7[%get3A_81] {strides = array<i32>} : memref<2000xf32, #tpu.memory_space<vmem>>, vector<16xf32>,
        tpu.vector_store_idx %arg5[%get3A_78], %get3A_82 {add = true} : memref<100352xf32, #tpu.memory_space<vmem>>[vector<16xi32>], vector<16xf32>,
        %scan3A_83 = arith.constant 2 : i32
        %scan3A_84 = arith.addi %scan3A_64, %scan3A_83 : i32
        %mul3A_85 = arith.constant 16 : i32
        %mul3A_86 = arith.muli %scan3A_84, %mul3A_85 : i32
        %get3A_87 = arith.index_cast %mul3A_86 : i32 to index
        %get3A_88 = tpu.vector_load %arg6[%get3A_87] {strides = array<i32>} : memref<2000xi32, #tpu.memory_space<vmem>>, vector<16xi32>,
        %mul3A_89 = arith.constant 16 : i32
        %mul3A_90 = arith.muli %scan3A_84, %mul3A_89 : i32
        %get3A_91 = arith.index_cast %mul3A_90 : i32 to index
        %get3A_92 = tpu.vector_load %arg7[%get3A_91] {strides = array<i32>} : memref<2000xf32, #tpu.memory_space<vmem>>, vector<16xf32>,
        tpu.vector_store_idx %arg5[%get3A_88], %get3A_92 {add = true} : memref<100352xf32, #tpu.memory_space<vmem>>[vector<16xi32>], vector<16xf32>,
        %scan3A_93 = arith.constant 3 : i32
        %scan3A_94 = arith.addi %scan3A_64, %scan3A_93 : i32
        %mul3A_95 = arith.constant 16 : i32
        %mul3A_96 = arith.muli %scan3A_94, %mul3A_95 : i32
        %get3A_97 = arith.index_cast %mul3A_96 : i32 to index
        %get3A_98 = tpu.vector_load %arg6[%get3A_97] {strides = array<i32>} : memref<2000xi32, #tpu.memory_space<vmem>>, vector<16xi32>,
        %mul3A_99 = arith.constant 16 : i32
        %mul3A_100 = arith.muli %scan3A_94, %mul3A_99 : i32
        %get3A_101 = arith.index_cast %mul3A_100 : i32 to index
        %get3A_102 = tpu.vector_load %arg7[%get3A_101] {strides = array<i32>} : memref<2000xf32, #tpu.memory_space<vmem>>, vector<16xf32>,
        tpu.vector_store_idx %arg5[%get3A_98], %get3A_102 {add = true} : memref<100352xf32, #tpu.memory_space<vmem>>[vector<16xi32>], vector<16xf32>,
      }
      %scan3A_29 = arith.constant 124 : i32
      %scan3A_30 = arith.addi %scan3A_25, %scan3A_29 : i32
      %mul3A_31 = arith.constant 16 : i32
      %mul3A_32 = arith.muli %scan3A_30, %mul3A_31 : i32
      %get3A = arith.index_cast %mul3A_32 : i32 to index
      %get3A_33 = tpu.vector_load %arg6[%get3A] {strides = array<i32>} : memref<2000xi32, #tpu.memory_space<vmem>>, vector<16xi32>,
      %mul3A_34 = arith.constant 16 : i32
      %mul3A_35 = arith.muli %scan3A_30, %mul3A_34 : i32
      %get3A_36 = arith.index_cast %mul3A_35 : i32 to index
      %get3A_37 = tpu.vector_load %arg7[%get3A_36] {strides = array<i32>} : memref<2000xf32, #tpu.memory_space<vmem>>, vector<16xf32>,
      tpu.vector_store_idx %arg5[%get3A_33], %get3A_37 {add = true} : memref<100352xf32, #tpu.memory_space<vmem>>[vector<16xi32>], vector<16xf32>,
      %scan3A_38 = arith.constant 125 : i32
      %mul3A_39 = arith.constant 2 : i32
      %mul3A_40 = arith.muli %mul3A_39, %scan3A_17 : i32
      %add3A_41 = arith.constant 1 : i32
      %add3A_42 = arith.addi %mul3A_40, %add3A_41 : i32
      %lt3A_43 = arith.constant 49 : i32
      %lt3A_44 = arith.cmpi slt, %add3A_42, %lt3A_43 : i32
      %convert_element_type3A_45 = arith.extui %lt3A_44 : i1 to i32
      %cond3A_46 = arith.constant 0 : i32
      %cond3A_47 = arith.cmpi ne, %convert_element_type3A_45, %cond3A_46 : i32
      scf.if %cond3A_47 {
        %add3A_64 = arith.constant 1 : i32
        %add3A_65 = arith.addi %add3A_42, %add3A_64 : i32
        %mul3A_66 = arith.constant 2000 : i32
        %mul3A_67 = arith.muli %add3A_65, %mul3A_66 : i32
        %add3A_68 = arith.addi %mul3A_2, %mul3A_67 : i32
        "tpu.region"() ({
          %run_scoped3A = tpu.sem_alloc : memref<!tpu.dma_semaphore, #tpu.memory_space<semaphore_mem>>
          %dma_start3A = tpu.memref_slice %arg2[%add3A_68] : memref<3200000xi32, #tpu.memory_space<hbm>> -> memref<2000xi32, #tpu.memory_space<hbm>>
          %dma_start3A_69 = tpu.memref_slice %arg2[%add3A_68] : memref<3200000xi32, #tpu.memory_space<hbm>> -> memref<2000xi32, #tpu.memory_space<hbm>>
          tpu.enqueue_dma source(%dma_start3A_69 : memref<2000xi32, #tpu.memory_space<hbm>>) target(%arg6 : memref<2000xi32, #tpu.memory_space<vmem>>) target_semaphore(%run_scoped3A : memref<!tpu.dma_semaphore, #tpu.memory_space<semaphore_mem>>)
          %dma_wait3A = tpu.memref_slice %arg2[%add3A_68] : memref<3200000xi32, #tpu.memory_space<hbm>> -> memref<2000xi32, #tpu.memory_space<hbm>>
          %dma_wait3A_70 = tpu.memref_slice %arg2[%add3A_68] : memref<3200000xi32, #tpu.memory_space<hbm>> -> memref<2000xi32, #tpu.memory_space<hbm>>
          tpu.wait_dma2 semaphore(%run_scoped3A : memref<!tpu.dma_semaphore, #tpu.memory_space<semaphore_mem>>) src(%dma_wait3A_70 : memref<2000xi32, #tpu.memory_space<hbm>>) dst(%arg6 : memref<2000xi32, #tpu.memory_space<vmem>>)
          tpu.yield
        }) : () -> ()
        "tpu.region"() ({
          %run_scoped3A = tpu.sem_alloc : memref<!tpu.dma_semaphore, #tpu.memory_space<semaphore_mem>>
          %dma_start3A = tpu.memref_slice %arg3[%add3A_68] : memref<3200000xf32, #tpu.memory_space<hbm>> -> memref<2000xf32, #tpu.memory_space<hbm>>
          %dma_start3A_69 = tpu.memref_slice %arg3[%add3A_68] : memref<3200000xf32, #tpu.memory_space<hbm>> -> memref<2000xf32, #tpu.memory_space<hbm>>
          tpu.enqueue_dma source(%dma_start3A_69 : memref<2000xf32, #tpu.memory_space<hbm>>) target(%arg7 : memref<2000xf32, #tpu.memory_space<vmem>>) target_semaphore(%run_scoped3A : memref<!tpu.dma_semaphore, #tpu.memory_space<semaphore_mem>>)
          %dma_wait3A = tpu.memref_slice %arg3[%add3A_68] : memref<3200000xf32, #tpu.memory_space<hbm>> -> memref<2000xf32, #tpu.memory_space<hbm>>
          %dma_wait3A_70 = tpu.memref_slice %arg3[%add3A_68] : memref<3200000xf32, #tpu.memory_space<hbm>> -> memref<2000xf32, #tpu.memory_space<hbm>>
          tpu.wait_dma2 semaphore(%run_scoped3A : memref<!tpu.dma_semaphore, #tpu.memory_space<semaphore_mem>>) src(%dma_wait3A_70 : memref<2000xf32, #tpu.memory_space<hbm>>) dst(%arg7 : memref<2000xf32, #tpu.memory_space<vmem>>)
          tpu.yield
        }) : () -> ()
      } else {
      }
      %scan3A_48 = arith.constant 0 : i32
      %scan3A_49 = arith.constant 0 : i32
      %scan3A_50 = arith.constant 124 : i32
      %scan3A_51 = arith.addi %scan3A_49, %scan3A_50 : i32
      %scan3A_52 = arith.constant 4 : i32
      scf.for %scan3A_64 = %scan3A_49 to %scan3A_51 step %scan3A_52  : i32 {
        %mul3A_65 = arith.constant 16 : i32
        %mul3A_66 = arith.muli %scan3A_64, %mul3A_65 : i32
        %get3A_67 = arith.index_cast %mul3A_66 : i32 to index
        %get3A_68 = tpu.vector_load %arg8[%get3A_67] {strides = array<i32>} : memref<2000xi32, #tpu.memory_space<vmem>>, vector<16xi32>,
        %mul3A_69 = arith.constant 16 : i32
        %mul3A_70 = arith.muli %scan3A_64, %mul3A_69 : i32
        %get3A_71 = arith.index_cast %mul3A_70 : i32 to index
        %get3A_72 = tpu.vector_load %arg9[%get3A_71] {strides = array<i32>} : memref<2000xf32, #tpu.memory_space<vmem>>, vector<16xf32>,
        tpu.vector_store_idx %arg5[%get3A_68], %get3A_72 {add = true} : memref<100352xf32, #tpu.memory_space<vmem>>[vector<16xi32>], vector<16xf32>,
        %scan3A_73 = arith.constant 1 : i32
        %scan3A_74 = arith.addi %scan3A_64, %scan3A_73 : i32
        %mul3A_75 = arith.constant 16 : i32
        %mul3A_76 = arith.muli %scan3A_74, %mul3A_75 : i32
        %get3A_77 = arith.index_cast %mul3A_76 : i32 to index
        %get3A_78 = tpu.vector_load %arg8[%get3A_77] {strides = array<i32>} : memref<2000xi32, #tpu.memory_space<vmem>>, vector<16xi32>,
        %mul3A_79 = arith.constant 16 : i32
        %mul3A_80 = arith.muli %scan3A_74, %mul3A_79 : i32
        %get3A_81 = arith.index_cast %mul3A_80 : i32 to index
        %get3A_82 = tpu.vector_load %arg9[%get3A_81] {strides = array<i32>} : memref<2000xf32, #tpu.memory_space<vmem>>, vector<16xf32>,
        tpu.vector_store_idx %arg5[%get3A_78], %get3A_82 {add = true} : memref<100352xf32, #tpu.memory_space<vmem>>[vector<16xi32>], vector<16xf32>,
        %scan3A_83 = arith.constant 2 : i32
        %scan3A_84 = arith.addi %scan3A_64, %scan3A_83 : i32
        %mul3A_85 = arith.constant 16 : i32
        %mul3A_86 = arith.muli %scan3A_84, %mul3A_85 : i32
        %get3A_87 = arith.index_cast %mul3A_86 : i32 to index
        %get3A_88 = tpu.vector_load %arg8[%get3A_87] {strides = array<i32>} : memref<2000xi32, #tpu.memory_space<vmem>>, vector<16xi32>,
        %mul3A_89 = arith.constant 16 : i32
        %mul3A_90 = arith.muli %scan3A_84, %mul3A_89 : i32
        %get3A_91 = arith.index_cast %mul3A_90 : i32 to index
        %get3A_92 = tpu.vector_load %arg9[%get3A_91] {strides = array<i32>} : memref<2000xf32, #tpu.memory_space<vmem>>, vector<16xf32>,
        tpu.vector_store_idx %arg5[%get3A_88], %get3A_92 {add = true} : memref<100352xf32, #tpu.memory_space<vmem>>[vector<16xi32>], vector<16xf32>,
        %scan3A_93 = arith.constant 3 : i32
        %scan3A_94 = arith.addi %scan3A_64, %scan3A_93 : i32
        %mul3A_95 = arith.constant 16 : i32
        %mul3A_96 = arith.muli %scan3A_94, %mul3A_95 : i32
        %get3A_97 = arith.index_cast %mul3A_96 : i32 to index
        %get3A_98 = tpu.vector_load %arg8[%get3A_97] {strides = array<i32>} : memref<2000xi32, #tpu.memory_space<vmem>>, vector<16xi32>,
        %mul3A_99 = arith.constant 16 : i32
        %mul3A_100 = arith.muli %scan3A_94, %mul3A_99 : i32
        %get3A_101 = arith.index_cast %mul3A_100 : i32 to index
        %get3A_102 = tpu.vector_load %arg9[%get3A_101] {strides = array<i32>} : memref<2000xf32, #tpu.memory_space<vmem>>, vector<16xf32>,
        tpu.vector_store_idx %arg5[%get3A_98], %get3A_102 {add = true} : memref<100352xf32, #tpu.memory_space<vmem>>[vector<16xi32>], vector<16xf32>,
      }
      %scan3A_53 = arith.constant 124 : i32
      %scan3A_54 = arith.addi %scan3A_49, %scan3A_53 : i32
      %mul3A_55 = arith.constant 16 : i32
      %mul3A_56 = arith.muli %scan3A_54, %mul3A_55 : i32
      %get3A_57 = arith.index_cast %mul3A_56 : i32 to index
      %get3A_58 = tpu.vector_load %arg8[%get3A_57] {strides = array<i32>} : memref<2000xi32, #tpu.memory_space<vmem>>, vector<16xi32>,
      %mul3A_59 = arith.constant 16 : i32
      %mul3A_60 = arith.muli %scan3A_54, %mul3A_59 : i32
      %get3A_61 = arith.index_cast %mul3A_60 : i32 to index
      %get3A_62 = tpu.vector_load %arg9[%get3A_61] {strides = array<i32>} : memref<2000xf32, #tpu.memory_space<vmem>>, vector<16xf32>,
      tpu.vector_store_idx %arg5[%get3A_58], %get3A_62 {add = true} : memref<100352xf32, #tpu.memory_space<vmem>>[vector<16xi32>], vector<16xf32>,
      %scan3A_63 = arith.constant 125 : i32
    }
    %scan3A_16 = arith.constant 25 : i32
    "tpu.region"() ({
      %run_scoped3A = tpu.sem_alloc : memref<!tpu.dma_semaphore, #tpu.memory_space<semaphore_mem>>
      %dma_start3A = arith.constant 0 : i32
      %dma_start3A_17 = tpu.memref_slice %arg4[%add3A, %dma_start3A] : memref<32x100352xf32, #tpu.memory_space<hbm>> -> memref<1x100352xf32, #tpu.memory_space<hbm>>
      %dma_start3A_18 = tpu.memref_squeeze %dma_start3A_17 : memref<1x100352xf32, #tpu.memory_space<hbm>> -> memref<100352xf32, #tpu.memory_space<hbm>>
      %dma_start3A_19 = arith.constant 0 : i32
      %dma_start3A_20 = tpu.memref_slice %arg4[%add3A, %dma_start3A_19] : memref<32x100352xf32, #tpu.memory_space<hbm>> -> memref<1x100352xf32, #tpu.memory_space<hbm>>
      %dma_start3A_21 = tpu.memref_squeeze %dma_start3A_20 : memref<1x100352xf32, #tpu.memory_space<hbm>> -> memref<100352xf32, #tpu.memory_space<hbm>>
      tpu.enqueue_dma source(%arg5 : memref<100352xf32, #tpu.memory_space<vmem>>) target(%dma_start3A_21 : memref<100352xf32, #tpu.memory_space<hbm>>) target_semaphore(%run_scoped3A : memref<!tpu.dma_semaphore, #tpu.memory_space<semaphore_mem>>)
      %dma_wait3A = arith.constant 0 : i32
      %dma_wait3A_22 = tpu.memref_slice %arg4[%add3A, %dma_wait3A] : memref<32x100352xf32, #tpu.memory_space<hbm>> -> memref<1x100352xf32, #tpu.memory_space<hbm>>
      %dma_wait3A_23 = tpu.memref_squeeze %dma_wait3A_22 : memref<1x100352xf32, #tpu.memory_space<hbm>> -> memref<100352xf32, #tpu.memory_space<hbm>>
      %dma_wait3A_24 = arith.constant 0 : i32
      %dma_wait3A_25 = tpu.memref_slice %arg4[%add3A, %dma_wait3A_24] : memref<32x100352xf32, #tpu.memory_space<hbm>> -> memref<1x100352xf32, #tpu.memory_space<hbm>>
      %dma_wait3A_26 = tpu.memref_squeeze %dma_wait3A_25 : memref<1x100352xf32, #tpu.memory_space<hbm>> -> memref<100352xf32, #tpu.memory_space<hbm>>
      tpu.wait_dma2 semaphore(%run_scoped3A : memref<!tpu.dma_semaphore, #tpu.memory_space<semaphore_mem>>) src(%arg5 : memref<100352xf32, #tpu.memory_space<vmem>>) dst(%dma_wait3A_26 : memref<100352xf32, #tpu.memory_space<hbm>>)
      tpu.yield
    }) : () -> ()
    return
  }
}

#map = affine_map<(d0, d1) -> (0)>
#map1 = affine_map<(d0, d1) -> (0, 0)>
#map2 = affine_map<(d0, d1) -> (0, 0, 0)>
module attributes {stable_mosaic.version = 14 : i64} {
  func.func @sc_scatter(%arg0: i32, %arg1: i32, %arg2: memref<3200000xi32, #tpu.memory_space<hbm>>, %arg3: memref<3200000xi32, #tpu.memory_space<hbm>>, %arg4: memref<3200000xf32, #tpu.memory_space<hbm>>, %arg5: memref<100352x8xf32, #tpu.memory_space<hbm>>, %arg6: memref<100352x8xf32, #tpu.memory_space<hbm>>, %arg7: memref<2x100352x8xf32, #tpu.memory_space<hbm>>, %arg8: memref<100352x8xf32, #tpu.memory_space<vmem_shared>>, %arg9: memref<100352x8xf32, #tpu.memory_space<vmem_shared>>, %arg10: memref<1000xi32, #tpu.memory_space<vmem>>, %arg11: memref<1000xi32, #tpu.memory_space<vmem>>, %arg12: memref<1000xf32, #tpu.memory_space<vmem>>, %arg13: memref<1000x8xf32, #tpu.memory_space<vmem>>, %arg14: memref<!tpu.dma_semaphore, #tpu.memory_space<semaphore_mem>>, %arg15: memref<!tpu.dma_semaphore, #tpu.memory_space<semaphore_mem>>, %arg16: memref<1000xi32, #tpu.memory_space<vmem>>, %arg17: memref<1000xi32, #tpu.memory_space<vmem>>, %arg18: memref<1000xf32, #tpu.memory_space<vmem>>, %arg19: memref<1000x8xf32, #tpu.memory_space<vmem>>, %arg20: memref<!tpu.dma_semaphore, #tpu.memory_space<semaphore_mem>>, %arg21: memref<!tpu.dma_semaphore, #tpu.memory_space<semaphore_mem>>) attributes {dimension_semantics = [#tpu.dimension_semantics<core_parallel>, #tpu.dimension_semantics<subcore_parallel>], iteration_bounds = array<i64: 2, 16>, scalar_prefetch = 0 : i64, scratch_operands = 14 : i64, tpu.core_type = #tpu.core_type<sc_vector_subcore>, window_params = [{transform_indices = #map}, {transform_indices = #map}, {transform_indices = #map}, {transform_indices = #map1}, {transform_indices = #map1}, {transform_indices = #map2}]} {
    %mul3A = arith.constant 16 : i32
    %mul3A_0 = arith.muli %arg0, %mul3A : i32
    %add3A = arith.addi %mul3A_0, %arg1 : i32
    %mul3A_1 = arith.constant 100000 : i32
    %mul3A_2 = arith.muli %add3A, %mul3A_1 : i32
    %mul3A_3 = arith.constant 6272 : i32
    %mul3A_4 = arith.muli %arg1, %mul3A_3 : i32
    "tpu.region"() ({
      %run_scoped3A = tpu.sem_alloc : memref<!tpu.dma_semaphore, #tpu.memory_space<semaphore_mem>>
      %dma_start3A_24 = arith.constant 0 : i32
      %dma_start3A_25 = tpu.memref_slice %arg8[%mul3A_4, %dma_start3A_24] : memref<100352x8xf32, #tpu.memory_space<vmem_shared>> -> memref<6272x8xf32, #tpu.memory_space<vmem_shared>>
      %dma_start3A_26 = arith.constant 0 : i32
      %dma_start3A_27 = tpu.memref_slice %arg5[%mul3A_4, %dma_start3A_26] : memref<100352x8xf32, #tpu.memory_space<hbm>> -> memref<6272x8xf32, #tpu.memory_space<hbm>>
      tpu.enqueue_dma source(%dma_start3A_27 : memref<6272x8xf32, #tpu.memory_space<hbm>>) target(%dma_start3A_25 : memref<6272x8xf32, #tpu.memory_space<vmem_shared>>) target_semaphore(%run_scoped3A : memref<!tpu.dma_semaphore, #tpu.memory_space<semaphore_mem>>)
      %dma_wait3A_28 = arith.constant 0 : i32
      %dma_wait3A_29 = tpu.memref_slice %arg8[%mul3A_4, %dma_wait3A_28] : memref<100352x8xf32, #tpu.memory_space<vmem_shared>> -> memref<6272x8xf32, #tpu.memory_space<vmem_shared>>
      %dma_wait3A_30 = arith.constant 0 : i32
      %dma_wait3A_31 = tpu.memref_slice %arg5[%mul3A_4, %dma_wait3A_30] : memref<100352x8xf32, #tpu.memory_space<hbm>> -> memref<6272x8xf32, #tpu.memory_space<hbm>>
      tpu.wait_dma2 semaphore(%run_scoped3A : memref<!tpu.dma_semaphore, #tpu.memory_space<semaphore_mem>>) src(%dma_wait3A_31 : memref<6272x8xf32, #tpu.memory_space<hbm>>) dst(%dma_wait3A_29 : memref<6272x8xf32, #tpu.memory_space<vmem_shared>>)
      tpu.yield
    }) : () -> ()
    "tpu.region"() ({
      %run_scoped3A = tpu.sem_alloc : memref<!tpu.dma_semaphore, #tpu.memory_space<semaphore_mem>>
      %dma_start3A_24 = arith.constant 0 : i32
      %dma_start3A_25 = tpu.memref_slice %arg9[%mul3A_4, %dma_start3A_24] : memref<100352x8xf32, #tpu.memory_space<vmem_shared>> -> memref<6272x8xf32, #tpu.memory_space<vmem_shared>>
      %dma_start3A_26 = arith.constant 0 : i32
      %dma_start3A_27 = tpu.memref_slice %arg6[%mul3A_4, %dma_start3A_26] : memref<100352x8xf32, #tpu.memory_space<hbm>> -> memref<6272x8xf32, #tpu.memory_space<hbm>>
      tpu.enqueue_dma source(%dma_start3A_27 : memref<6272x8xf32, #tpu.memory_space<hbm>>) target(%dma_start3A_25 : memref<6272x8xf32, #tpu.memory_space<vmem_shared>>) target_semaphore(%run_scoped3A : memref<!tpu.dma_semaphore, #tpu.memory_space<semaphore_mem>>)
      %dma_wait3A_28 = arith.constant 0 : i32
      %dma_wait3A_29 = tpu.memref_slice %arg9[%mul3A_4, %dma_wait3A_28] : memref<100352x8xf32, #tpu.memory_space<vmem_shared>> -> memref<6272x8xf32, #tpu.memory_space<vmem_shared>>
      %dma_wait3A_30 = arith.constant 0 : i32
      %dma_wait3A_31 = tpu.memref_slice %arg6[%mul3A_4, %dma_wait3A_30] : memref<100352x8xf32, #tpu.memory_space<hbm>> -> memref<6272x8xf32, #tpu.memory_space<hbm>>
      tpu.wait_dma2 semaphore(%run_scoped3A : memref<!tpu.dma_semaphore, #tpu.memory_space<semaphore_mem>>) src(%dma_wait3A_31 : memref<6272x8xf32, #tpu.memory_space<hbm>>) dst(%dma_wait3A_29 : memref<6272x8xf32, #tpu.memory_space<vmem_shared>>)
      tpu.yield
    }) : () -> ()
    %barrier3A = arith.constant 0 : index
    tpu.barrier barrier_id(%barrier3A)
    %iota3A = tpu.iota {dimensions = array<i32: 0>} : vector<16xi32>
    %shift_right_arithmetic3A = arith.constant 2 : i32
    %shift_right_arithmetic3A_5 = vector.broadcast %shift_right_arithmetic3A : i32 to vector<16xi32>
    %shift_right_arithmetic3A_6 = arith.shrsi %iota3A, %shift_right_arithmetic3A_5 : vector<16xi32>
    %and3A = arith.constant 3 : i32
    %and3A_7 = vector.broadcast %and3A : i32 to vector<16xi32>
    %and3A_8 = arith.andi %iota3A, %and3A_7 : vector<16xi32>
    %add3A_9 = arith.constant 0 : i32
    %add3A_10 = arith.addi %mul3A_2, %add3A_9 : i32
    "tpu.region"() ({
      %run_scoped3A = tpu.sem_alloc : memref<!tpu.dma_semaphore, #tpu.memory_space<semaphore_mem>>
      %dma_start3A_24 = tpu.memref_slice %arg2[%add3A_10] : memref<3200000xi32, #tpu.memory_space<hbm>> -> memref<1000xi32, #tpu.memory_space<hbm>>
      %dma_start3A_25 = tpu.memref_slice %arg2[%add3A_10] : memref<3200000xi32, #tpu.memory_space<hbm>> -> memref<1000xi32, #tpu.memory_space<hbm>>
      tpu.enqueue_dma source(%dma_start3A_25 : memref<1000xi32, #tpu.memory_space<hbm>>) target(%arg10 : memref<1000xi32, #tpu.memory_space<vmem>>) target_semaphore(%run_scoped3A : memref<!tpu.dma_semaphore, #tpu.memory_space<semaphore_mem>>)
      %dma_wait3A_26 = tpu.memref_slice %arg2[%add3A_10] : memref<3200000xi32, #tpu.memory_space<hbm>> -> memref<1000xi32, #tpu.memory_space<hbm>>
      %dma_wait3A_27 = tpu.memref_slice %arg2[%add3A_10] : memref<3200000xi32, #tpu.memory_space<hbm>> -> memref<1000xi32, #tpu.memory_space<hbm>>
      tpu.wait_dma2 semaphore(%run_scoped3A : memref<!tpu.dma_semaphore, #tpu.memory_space<semaphore_mem>>) src(%dma_wait3A_27 : memref<1000xi32, #tpu.memory_space<hbm>>) dst(%arg10 : memref<1000xi32, #tpu.memory_space<vmem>>)
      tpu.yield
    }) : () -> ()
    "tpu.region"() ({
      %run_scoped3A = tpu.sem_alloc : memref<!tpu.dma_semaphore, #tpu.memory_space<semaphore_mem>>
      %dma_start3A_24 = tpu.memref_slice %arg3[%add3A_10] : memref<3200000xi32, #tpu.memory_space<hbm>> -> memref<1000xi32, #tpu.memory_space<hbm>>
      %dma_start3A_25 = tpu.memref_slice %arg3[%add3A_10] : memref<3200000xi32, #tpu.memory_space<hbm>> -> memref<1000xi32, #tpu.memory_space<hbm>>
      tpu.enqueue_dma source(%dma_start3A_25 : memref<1000xi32, #tpu.memory_space<hbm>>) target(%arg11 : memref<1000xi32, #tpu.memory_space<vmem>>) target_semaphore(%run_scoped3A : memref<!tpu.dma_semaphore, #tpu.memory_space<semaphore_mem>>)
      %dma_wait3A_26 = tpu.memref_slice %arg3[%add3A_10] : memref<3200000xi32, #tpu.memory_space<hbm>> -> memref<1000xi32, #tpu.memory_space<hbm>>
      %dma_wait3A_27 = tpu.memref_slice %arg3[%add3A_10] : memref<3200000xi32, #tpu.memory_space<hbm>> -> memref<1000xi32, #tpu.memory_space<hbm>>
      tpu.wait_dma2 semaphore(%run_scoped3A : memref<!tpu.dma_semaphore, #tpu.memory_space<semaphore_mem>>) src(%dma_wait3A_27 : memref<1000xi32, #tpu.memory_space<hbm>>) dst(%arg11 : memref<1000xi32, #tpu.memory_space<vmem>>)
      tpu.yield
    }) : () -> ()
    "tpu.region"() ({
      %run_scoped3A = tpu.sem_alloc : memref<!tpu.dma_semaphore, #tpu.memory_space<semaphore_mem>>
      %dma_start3A_24 = tpu.memref_slice %arg4[%add3A_10] : memref<3200000xf32, #tpu.memory_space<hbm>> -> memref<1000xf32, #tpu.memory_space<hbm>>
      %dma_start3A_25 = tpu.memref_slice %arg4[%add3A_10] : memref<3200000xf32, #tpu.memory_space<hbm>> -> memref<1000xf32, #tpu.memory_space<hbm>>
      tpu.enqueue_dma source(%dma_start3A_25 : memref<1000xf32, #tpu.memory_space<hbm>>) target(%arg12 : memref<1000xf32, #tpu.memory_space<vmem>>) target_semaphore(%run_scoped3A : memref<!tpu.dma_semaphore, #tpu.memory_space<semaphore_mem>>)
      %dma_wait3A_26 = tpu.memref_slice %arg4[%add3A_10] : memref<3200000xf32, #tpu.memory_space<hbm>> -> memref<1000xf32, #tpu.memory_space<hbm>>
      %dma_wait3A_27 = tpu.memref_slice %arg4[%add3A_10] : memref<3200000xf32, #tpu.memory_space<hbm>> -> memref<1000xf32, #tpu.memory_space<hbm>>
      tpu.wait_dma2 semaphore(%run_scoped3A : memref<!tpu.dma_semaphore, #tpu.memory_space<semaphore_mem>>) src(%dma_wait3A_27 : memref<1000xf32, #tpu.memory_space<hbm>>) dst(%arg12 : memref<1000xf32, #tpu.memory_space<vmem>>)
      tpu.yield
    }) : () -> ()
    %dma_start3A = arith.constant 0 : i32
    %dma_start3A_11 = arith.constant 0 : i32
    %dma_start3A_12 = tpu.memref_slice %arg8[%dma_start3A, %dma_start3A_11] : memref<100352x8xf32, #tpu.memory_space<vmem_shared>> -> memref<100352x8xf32, #tpu.memory_space<vmem_shared>>
    tpu.enqueue_indirect_dma source(%dma_start3A_12 : memref<100352x8xf32, #tpu.memory_space<vmem_shared>>) target(%arg13 : memref<1000x8xf32, #tpu.memory_space<vmem>>) offsets(%arg10 : memref<1000xi32, #tpu.memory_space<vmem>>) semaphore(%arg14 : memref<!tpu.dma_semaphore, #tpu.memory_space<semaphore_mem>>)
    %scan3A = arith.constant 0 : i32
    %scan3A_13 = arith.constant 0 : i32
    %scan3A_14 = arith.constant 50 : i32
    %scan3A_15 = arith.addi %scan3A_13, %scan3A_14 : i32
    %scan3A_16 = arith.constant 1 : i32
    scf.for %scan3A_24 = %scan3A_13 to %scan3A_15 step %scan3A_16  : i32 {
      %mul3A_25 = arith.constant 2 : i32
      %mul3A_26 = arith.muli %scan3A_24, %mul3A_25 : i32
      %add3A_27 = arith.constant 0 : i32
      %add3A_28 = arith.addi %mul3A_26, %add3A_27 : i32
      %gt3A = arith.constant 0 : i32
      %gt3A_29 = arith.cmpi sgt, %scan3A_24, %gt3A : i32
      %convert_element_type3A = arith.extui %gt3A_29 : i1 to i32
      %cond3A = arith.constant 0 : i32
      %cond3A_30 = arith.cmpi ne, %convert_element_type3A, %cond3A : i32
      scf.if %cond3A_30 {
        %dma_wait3A_118 = arith.constant 0 : i32
        %dma_wait3A_119 = arith.constant 0 : i32
        %dma_wait3A_120 = tpu.memref_slice %arg6[%dma_wait3A_118, %dma_wait3A_119] : memref<100352x8xf32, #tpu.memory_space<hbm>> -> memref<1000x8xf32, #tpu.memory_space<hbm>>
        %dma_wait3A_121 = arith.constant 0 : i32
        %dma_wait3A_122 = arith.constant 0 : i32
        %dma_wait3A_123 = tpu.memref_slice %arg6[%dma_wait3A_121, %dma_wait3A_122] : memref<100352x8xf32, #tpu.memory_space<hbm>> -> memref<1000x8xf32, #tpu.memory_space<hbm>>
        tpu.wait_dma2 semaphore(%arg21 : memref<!tpu.dma_semaphore, #tpu.memory_space<semaphore_mem>>) src(%dma_wait3A_123 : memref<1000x8xf32, #tpu.memory_space<hbm>>) dst(%arg19 : memref<1000x8xf32, #tpu.memory_space<vmem>>)
      } else {
      }
      %add3A_31 = arith.constant 1 : i32
      %add3A_32 = arith.addi %add3A_28, %add3A_31 : i32
      %mul3A_33 = arith.constant 1000 : i32
      %mul3A_34 = arith.muli %add3A_32, %mul3A_33 : i32
      %add3A_35 = arith.addi %mul3A_2, %mul3A_34 : i32
      "tpu.region"() ({
        %run_scoped3A = tpu.sem_alloc : memref<!tpu.dma_semaphore, #tpu.memory_space<semaphore_mem>>
        %dma_start3A_118 = tpu.memref_slice %arg2[%add3A_35] : memref<3200000xi32, #tpu.memory_space<hbm>> -> memref<1000xi32, #tpu.memory_space<hbm>>
        %dma_start3A_119 = tpu.memref_slice %arg2[%add3A_35] : memref<3200000xi32, #tpu.memory_space<hbm>> -> memref<1000xi32, #tpu.memory_space<hbm>>
        tpu.enqueue_dma source(%dma_start3A_119 : memref<1000xi32, #tpu.memory_space<hbm>>) target(%arg16 : memref<1000xi32, #tpu.memory_space<vmem>>) target_semaphore(%run_scoped3A : memref<!tpu.dma_semaphore, #tpu.memory_space<semaphore_mem>>)
        %dma_wait3A_120 = tpu.memref_slice %arg2[%add3A_35] : memref<3200000xi32, #tpu.memory_space<hbm>> -> memref<1000xi32, #tpu.memory_space<hbm>>
        %dma_wait3A_121 = tpu.memref_slice %arg2[%add3A_35] : memref<3200000xi32, #tpu.memory_space<hbm>> -> memref<1000xi32, #tpu.memory_space<hbm>>
        tpu.wait_dma2 semaphore(%run_scoped3A : memref<!tpu.dma_semaphore, #tpu.memory_space<semaphore_mem>>) src(%dma_wait3A_121 : memref<1000xi32, #tpu.memory_space<hbm>>) dst(%arg16 : memref<1000xi32, #tpu.memory_space<vmem>>)
        tpu.yield
      }) : () -> ()
      "tpu.region"() ({
        %run_scoped3A = tpu.sem_alloc : memref<!tpu.dma_semaphore, #tpu.memory_space<semaphore_mem>>
        %dma_start3A_118 = tpu.memref_slice %arg3[%add3A_35] : memref<3200000xi32, #tpu.memory_space<hbm>> -> memref<1000xi32, #tpu.memory_space<hbm>>
        %dma_start3A_119 = tpu.memref_slice %arg3[%add3A_35] : memref<3200000xi32, #tpu.memory_space<hbm>> -> memref<1000xi32, #tpu.memory_space<hbm>>
        tpu.enqueue_dma source(%dma_start3A_119 : memref<1000xi32, #tpu.memory_space<hbm>>) target(%arg17 : memref<1000xi32, #tpu.memory_space<vmem>>) target_semaphore(%run_scoped3A : memref<!tpu.dma_semaphore, #tpu.memory_space<semaphore_mem>>)
        %dma_wait3A_120 = tpu.memref_slice %arg3[%add3A_35] : memref<3200000xi32, #tpu.memory_space<hbm>> -> memref<1000xi32, #tpu.memory_space<hbm>>
        %dma_wait3A_121 = tpu.memref_slice %arg3[%add3A_35] : memref<3200000xi32, #tpu.memory_space<hbm>> -> memref<1000xi32, #tpu.memory_space<hbm>>
        tpu.wait_dma2 semaphore(%run_scoped3A : memref<!tpu.dma_semaphore, #tpu.memory_space<semaphore_mem>>) src(%dma_wait3A_121 : memref<1000xi32, #tpu.memory_space<hbm>>) dst(%arg17 : memref<1000xi32, #tpu.memory_space<vmem>>)
        tpu.yield
      }) : () -> ()
      "tpu.region"() ({
        %run_scoped3A = tpu.sem_alloc : memref<!tpu.dma_semaphore, #tpu.memory_space<semaphore_mem>>
        %dma_start3A_118 = tpu.memref_slice %arg4[%add3A_35] : memref<3200000xf32, #tpu.memory_space<hbm>> -> memref<1000xf32, #tpu.memory_space<hbm>>
        %dma_start3A_119 = tpu.memref_slice %arg4[%add3A_35] : memref<3200000xf32, #tpu.memory_space<hbm>> -> memref<1000xf32, #tpu.memory_space<hbm>>
        tpu.enqueue_dma source(%dma_start3A_119 : memref<1000xf32, #tpu.memory_space<hbm>>) target(%arg18 : memref<1000xf32, #tpu.memory_space<vmem>>) target_semaphore(%run_scoped3A : memref<!tpu.dma_semaphore, #tpu.memory_space<semaphore_mem>>)
        %dma_wait3A_120 = tpu.memref_slice %arg4[%add3A_35] : memref<3200000xf32, #tpu.memory_space<hbm>> -> memref<1000xf32, #tpu.memory_space<hbm>>
        %dma_wait3A_121 = tpu.memref_slice %arg4[%add3A_35] : memref<3200000xf32, #tpu.memory_space<hbm>> -> memref<1000xf32, #tpu.memory_space<hbm>>
        tpu.wait_dma2 semaphore(%run_scoped3A : memref<!tpu.dma_semaphore, #tpu.memory_space<semaphore_mem>>) src(%dma_wait3A_121 : memref<1000xf32, #tpu.memory_space<hbm>>) dst(%arg18 : memref<1000xf32, #tpu.memory_space<vmem>>)
        tpu.yield
      }) : () -> ()
      %dma_start3A_36 = arith.constant 0 : i32
      %dma_start3A_37 = arith.constant 0 : i32
      %dma_start3A_38 = tpu.memref_slice %arg8[%dma_start3A_36, %dma_start3A_37] : memref<100352x8xf32, #tpu.memory_space<vmem_shared>> -> memref<100352x8xf32, #tpu.memory_space<vmem_shared>>
      tpu.enqueue_indirect_dma source(%dma_start3A_38 : memref<100352x8xf32, #tpu.memory_space<vmem_shared>>) target(%arg19 : memref<1000x8xf32, #tpu.memory_space<vmem>>) offsets(%arg16 : memref<1000xi32, #tpu.memory_space<vmem>>) semaphore(%arg20 : memref<!tpu.dma_semaphore, #tpu.memory_space<semaphore_mem>>)
      %dma_wait3A_39 = arith.constant 0 : i32
      %dma_wait3A_40 = arith.constant 0 : i32
      %dma_wait3A_41 = tpu.memref_slice %arg6[%dma_wait3A_39, %dma_wait3A_40] : memref<100352x8xf32, #tpu.memory_space<hbm>> -> memref<1000x8xf32, #tpu.memory_space<hbm>>
      %dma_wait3A_42 = arith.constant 0 : i32
      %dma_wait3A_43 = arith.constant 0 : i32
      %dma_wait3A_44 = tpu.memref_slice %arg6[%dma_wait3A_42, %dma_wait3A_43] : memref<100352x8xf32, #tpu.memory_space<hbm>> -> memref<1000x8xf32, #tpu.memory_space<hbm>>
      tpu.wait_dma2 semaphore(%arg14 : memref<!tpu.dma_semaphore, #tpu.memory_space<semaphore_mem>>) src(%dma_wait3A_44 : memref<1000x8xf32, #tpu.memory_space<hbm>>) dst(%arg13 : memref<1000x8xf32, #tpu.memory_space<vmem>>)
      %scan3A_45 = arith.constant 0 : i32
      %scan3A_46 = arith.constant 0 : i32
      %scan3A_47 = arith.constant 248 : i32
      %scan3A_48 = arith.addi %scan3A_46, %scan3A_47 : i32
      %scan3A_49 = arith.constant 4 : i32
      scf.for %scan3A_118 = %scan3A_46 to %scan3A_48 step %scan3A_49  : i32 {
        %mul3A_119 = arith.constant 4 : i32
        %mul3A_120 = arith.muli %scan3A_118, %mul3A_119 : i32
        %add3A_121 = vector.broadcast %mul3A_120 : i32 to vector<16xi32>
        %add3A_122 = arith.addi %shift_right_arithmetic3A_6, %add3A_121 : vector<16xi32>
        %gather3A_123 = tpu.vector_load_idx %arg12[%add3A_122] : memref<1000xf32, #tpu.memory_space<vmem>>[vector<16xi32>], vector<16xf32>,
        %gather3A_124 = tpu.vector_load_idx %arg13[%add3A_122, %and3A_8] : memref<1000x8xf32, #tpu.memory_space<vmem>>[vector<16xi32>, vector<16xi32>], vector<16xf32>,
        %mul3A_125 = arith.mulf %gather3A_124, %gather3A_123 : vector<16xf32>
        tpu.vector_store_idx %arg13[%add3A_122, %and3A_8], %mul3A_125 : memref<1000x8xf32, #tpu.memory_space<vmem>>[vector<16xi32>, vector<16xi32>], vector<16xf32>,
        %scan3A_126 = arith.constant 1 : i32
        %scan3A_127 = arith.addi %scan3A_118, %scan3A_126 : i32
        %mul3A_128 = arith.constant 4 : i32
        %mul3A_129 = arith.muli %scan3A_127, %mul3A_128 : i32
        %add3A_130 = vector.broadcast %mul3A_129 : i32 to vector<16xi32>
        %add3A_131 = arith.addi %shift_right_arithmetic3A_6, %add3A_130 : vector<16xi32>
        %gather3A_132 = tpu.vector_load_idx %arg12[%add3A_131] : memref<1000xf32, #tpu.memory_space<vmem>>[vector<16xi32>], vector<16xf32>,
        %gather3A_133 = tpu.vector_load_idx %arg13[%add3A_131, %and3A_8] : memref<1000x8xf32, #tpu.memory_space<vmem>>[vector<16xi32>, vector<16xi32>], vector<16xf32>,
        %mul3A_134 = arith.mulf %gather3A_133, %gather3A_132 : vector<16xf32>
        tpu.vector_store_idx %arg13[%add3A_131, %and3A_8], %mul3A_134 : memref<1000x8xf32, #tpu.memory_space<vmem>>[vector<16xi32>, vector<16xi32>], vector<16xf32>,
        %scan3A_135 = arith.constant 2 : i32
        %scan3A_136 = arith.addi %scan3A_118, %scan3A_135 : i32
        %mul3A_137 = arith.constant 4 : i32
        %mul3A_138 = arith.muli %scan3A_136, %mul3A_137 : i32
        %add3A_139 = vector.broadcast %mul3A_138 : i32 to vector<16xi32>
        %add3A_140 = arith.addi %shift_right_arithmetic3A_6, %add3A_139 : vector<16xi32>
        %gather3A_141 = tpu.vector_load_idx %arg12[%add3A_140] : memref<1000xf32, #tpu.memory_space<vmem>>[vector<16xi32>], vector<16xf32>,
        %gather3A_142 = tpu.vector_load_idx %arg13[%add3A_140, %and3A_8] : memref<1000x8xf32, #tpu.memory_space<vmem>>[vector<16xi32>, vector<16xi32>], vector<16xf32>,
        %mul3A_143 = arith.mulf %gather3A_142, %gather3A_141 : vector<16xf32>
        tpu.vector_store_idx %arg13[%add3A_140, %and3A_8], %mul3A_143 : memref<1000x8xf32, #tpu.memory_space<vmem>>[vector<16xi32>, vector<16xi32>], vector<16xf32>,
        %scan3A_144 = arith.constant 3 : i32
        %scan3A_145 = arith.addi %scan3A_118, %scan3A_144 : i32
        %mul3A_146 = arith.constant 4 : i32
        %mul3A_147 = arith.muli %scan3A_145, %mul3A_146 : i32
        %add3A_148 = vector.broadcast %mul3A_147 : i32 to vector<16xi32>
        %add3A_149 = arith.addi %shift_right_arithmetic3A_6, %add3A_148 : vector<16xi32>
        %gather3A_150 = tpu.vector_load_idx %arg12[%add3A_149] : memref<1000xf32, #tpu.memory_space<vmem>>[vector<16xi32>], vector<16xf32>,
        %gather3A_151 = tpu.vector_load_idx %arg13[%add3A_149, %and3A_8] : memref<1000x8xf32, #tpu.memory_space<vmem>>[vector<16xi32>, vector<16xi32>], vector<16xf32>,
        %mul3A_152 = arith.mulf %gather3A_151, %gather3A_150 : vector<16xf32>
        tpu.vector_store_idx %arg13[%add3A_149, %and3A_8], %mul3A_152 : memref<1000x8xf32, #tpu.memory_space<vmem>>[vector<16xi32>, vector<16xi32>], vector<16xf32>,
      }
      %scan3A_50 = arith.constant 248 : i32
      %scan3A_51 = arith.addi %scan3A_46, %scan3A_50 : i32
      %mul3A_52 = arith.constant 4 : i32
      %mul3A_53 = arith.muli %scan3A_51, %mul3A_52 : i32
      %add3A_54 = vector.broadcast %mul3A_53 : i32 to vector<16xi32>
      %add3A_55 = arith.addi %shift_right_arithmetic3A_6, %add3A_54 : vector<16xi32>
      %gather3A = tpu.vector_load_idx %arg12[%add3A_55] : memref<1000xf32, #tpu.memory_space<vmem>>[vector<16xi32>], vector<16xf32>,
      %gather3A_56 = tpu.vector_load_idx %arg13[%add3A_55, %and3A_8] : memref<1000x8xf32, #tpu.memory_space<vmem>>[vector<16xi32>, vector<16xi32>], vector<16xf32>,
      %mul3A_57 = arith.mulf %gather3A_56, %gather3A : vector<16xf32>
      tpu.vector_store_idx %arg13[%add3A_55, %and3A_8], %mul3A_57 : memref<1000x8xf32, #tpu.memory_space<vmem>>[vector<16xi32>, vector<16xi32>], vector<16xf32>,
      %scan3A_58 = arith.constant 249 : i32
      %scan3A_59 = arith.addi %scan3A_46, %scan3A_58 : i32
      %mul3A_60 = arith.constant 4 : i32
      %mul3A_61 = arith.muli %scan3A_59, %mul3A_60 : i32
      %add3A_62 = vector.broadcast %mul3A_61 : i32 to vector<16xi32>
      %add3A_63 = arith.addi %shift_right_arithmetic3A_6, %add3A_62 : vector<16xi32>
      %gather3A_64 = tpu.vector_load_idx %arg12[%add3A_63] : memref<1000xf32, #tpu.memory_space<vmem>>[vector<16xi32>], vector<16xf32>,
      %gather3A_65 = tpu.vector_load_idx %arg13[%add3A_63, %and3A_8] : memref<1000x8xf32, #tpu.memory_space<vmem>>[vector<16xi32>, vector<16xi32>], vector<16xf32>,
      %mul3A_66 = arith.mulf %gather3A_65, %gather3A_64 : vector<16xf32>
      tpu.vector_store_idx %arg13[%add3A_63, %and3A_8], %mul3A_66 : memref<1000x8xf32, #tpu.memory_space<vmem>>[vector<16xi32>, vector<16xi32>], vector<16xf32>,
      %scan3A_67 = arith.constant 250 : i32
      %dma_start3A_68 = arith.constant 0 : i32
      %dma_start3A_69 = arith.constant 0 : i32
      %dma_start3A_70 = tpu.memref_slice %arg9[%dma_start3A_68, %dma_start3A_69] : memref<100352x8xf32, #tpu.memory_space<vmem_shared>> -> memref<100352x8xf32, #tpu.memory_space<vmem_shared>>
      tpu.enqueue_indirect_dma source(%arg13 : memref<1000x8xf32, #tpu.memory_space<vmem>>) target(%dma_start3A_70 : memref<100352x8xf32, #tpu.memory_space<vmem_shared>>) offsets(%arg11 : memref<1000xi32, #tpu.memory_space<vmem>>) semaphore(%arg15 : memref<!tpu.dma_semaphore, #tpu.memory_space<semaphore_mem>>) {add = true}
      %mul3A_71 = arith.constant 2 : i32
      %mul3A_72 = arith.muli %scan3A_24, %mul3A_71 : i32
      %add3A_73 = arith.constant 1 : i32
      %add3A_74 = arith.addi %mul3A_72, %add3A_73 : i32
      %dma_wait3A_75 = arith.constant 0 : i32
      %dma_wait3A_76 = arith.constant 0 : i32
      %dma_wait3A_77 = tpu.memref_slice %arg6[%dma_wait3A_75, %dma_wait3A_76] : memref<100352x8xf32, #tpu.memory_space<hbm>> -> memref<1000x8xf32, #tpu.memory_space<hbm>>
      %dma_wait3A_78 = arith.constant 0 : i32
      %dma_wait3A_79 = arith.constant 0 : i32
      %dma_wait3A_80 = tpu.memref_slice %arg6[%dma_wait3A_78, %dma_wait3A_79] : memref<100352x8xf32, #tpu.memory_space<hbm>> -> memref<1000x8xf32, #tpu.memory_space<hbm>>
      tpu.wait_dma2 semaphore(%arg15 : memref<!tpu.dma_semaphore, #tpu.memory_space<semaphore_mem>>) src(%dma_wait3A_80 : memref<1000x8xf32, #tpu.memory_space<hbm>>) dst(%arg13 : memref<1000x8xf32, #tpu.memory_space<vmem>>)
      %lt3A = arith.constant 49 : i32
      %lt3A_81 = arith.cmpi slt, %scan3A_24, %lt3A : i32
      %convert_element_type3A_82 = arith.extui %lt3A_81 : i1 to i32
      %cond3A_83 = arith.constant 0 : i32
      %cond3A_84 = arith.cmpi ne, %convert_element_type3A_82, %cond3A_83 : i32
      scf.if %cond3A_84 {
        %add3A_118 = arith.constant 1 : i32
        %add3A_119 = arith.addi %add3A_74, %add3A_118 : i32
        %mul3A_120 = arith.constant 1000 : i32
        %mul3A_121 = arith.muli %add3A_119, %mul3A_120 : i32
        %add3A_122 = arith.addi %mul3A_2, %mul3A_121 : i32
        "tpu.region"() ({
          %run_scoped3A = tpu.sem_alloc : memref<!tpu.dma_semaphore, #tpu.memory_space<semaphore_mem>>
          %dma_start3A_126 = tpu.memref_slice %arg2[%add3A_122] : memref<3200000xi32, #tpu.memory_space<hbm>> -> memref<1000xi32, #tpu.memory_space<hbm>>
          %dma_start3A_127 = tpu.memref_slice %arg2[%add3A_122] : memref<3200000xi32, #tpu.memory_space<hbm>> -> memref<1000xi32, #tpu.memory_space<hbm>>
          tpu.enqueue_dma source(%dma_start3A_127 : memref<1000xi32, #tpu.memory_space<hbm>>) target(%arg10 : memref<1000xi32, #tpu.memory_space<vmem>>) target_semaphore(%run_scoped3A : memref<!tpu.dma_semaphore, #tpu.memory_space<semaphore_mem>>)
          %dma_wait3A_128 = tpu.memref_slice %arg2[%add3A_122] : memref<3200000xi32, #tpu.memory_space<hbm>> -> memref<1000xi32, #tpu.memory_space<hbm>>
          %dma_wait3A_129 = tpu.memref_slice %arg2[%add3A_122] : memref<3200000xi32, #tpu.memory_space<hbm>> -> memref<1000xi32, #tpu.memory_space<hbm>>
          tpu.wait_dma2 semaphore(%run_scoped3A : memref<!tpu.dma_semaphore, #tpu.memory_space<semaphore_mem>>) src(%dma_wait3A_129 : memref<1000xi32, #tpu.memory_space<hbm>>) dst(%arg10 : memref<1000xi32, #tpu.memory_space<vmem>>)
          tpu.yield
        }) : () -> ()
        "tpu.region"() ({
          %run_scoped3A = tpu.sem_alloc : memref<!tpu.dma_semaphore, #tpu.memory_space<semaphore_mem>>
          %dma_start3A_126 = tpu.memref_slice %arg3[%add3A_122] : memref<3200000xi32, #tpu.memory_space<hbm>> -> memref<1000xi32, #tpu.memory_space<hbm>>
          %dma_start3A_127 = tpu.memref_slice %arg3[%add3A_122] : memref<3200000xi32, #tpu.memory_space<hbm>> -> memref<1000xi32, #tpu.memory_space<hbm>>
          tpu.enqueue_dma source(%dma_start3A_127 : memref<1000xi32, #tpu.memory_space<hbm>>) target(%arg11 : memref<1000xi32, #tpu.memory_space<vmem>>) target_semaphore(%run_scoped3A : memref<!tpu.dma_semaphore, #tpu.memory_space<semaphore_mem>>)
          %dma_wait3A_128 = tpu.memref_slice %arg3[%add3A_122] : memref<3200000xi32, #tpu.memory_space<hbm>> -> memref<1000xi32, #tpu.memory_space<hbm>>
          %dma_wait3A_129 = tpu.memref_slice %arg3[%add3A_122] : memref<3200000xi32, #tpu.memory_space<hbm>> -> memref<1000xi32, #tpu.memory_space<hbm>>
          tpu.wait_dma2 semaphore(%run_scoped3A : memref<!tpu.dma_semaphore, #tpu.memory_space<semaphore_mem>>) src(%dma_wait3A_129 : memref<1000xi32, #tpu.memory_space<hbm>>) dst(%arg11 : memref<1000xi32, #tpu.memory_space<vmem>>)
          tpu.yield
        }) : () -> ()
        "tpu.region"() ({
          %run_scoped3A = tpu.sem_alloc : memref<!tpu.dma_semaphore, #tpu.memory_space<semaphore_mem>>
          %dma_start3A_126 = tpu.memref_slice %arg4[%add3A_122] : memref<3200000xf32, #tpu.memory_space<hbm>> -> memref<1000xf32, #tpu.memory_space<hbm>>
          %dma_start3A_127 = tpu.memref_slice %arg4[%add3A_122] : memref<3200000xf32, #tpu.memory_space<hbm>> -> memref<1000xf32, #tpu.memory_space<hbm>>
          tpu.enqueue_dma source(%dma_start3A_127 : memref<1000xf32, #tpu.memory_space<hbm>>) target(%arg12 : memref<1000xf32, #tpu.memory_space<vmem>>) target_semaphore(%run_scoped3A : memref<!tpu.dma_semaphore, #tpu.memory_space<semaphore_mem>>)
          %dma_wait3A_128 = tpu.memref_slice %arg4[%add3A_122] : memref<3200000xf32, #tpu.memory_space<hbm>> -> memref<1000xf32, #tpu.memory_space<hbm>>
          %dma_wait3A_129 = tpu.memref_slice %arg4[%add3A_122] : memref<3200000xf32, #tpu.memory_space<hbm>> -> memref<1000xf32, #tpu.memory_space<hbm>>
          tpu.wait_dma2 semaphore(%run_scoped3A : memref<!tpu.dma_semaphore, #tpu.memory_space<semaphore_mem>>) src(%dma_wait3A_129 : memref<1000xf32, #tpu.memory_space<hbm>>) dst(%arg12 : memref<1000xf32, #tpu.memory_space<vmem>>)
          tpu.yield
        }) : () -> ()
        %dma_start3A_123 = arith.constant 0 : i32
        %dma_start3A_124 = arith.constant 0 : i32
        %dma_start3A_125 = tpu.memref_slice %arg8[%dma_start3A_123, %dma_start3A_124] : memref<100352x8xf32, #tpu.memory_space<vmem_shared>> -> memref<100352x8xf32, #tpu.memory_space<vmem_shared>>
        tpu.enqueue_indirect_dma source(%dma_start3A_125 : memref<100352x8xf32, #tpu.memory_space<vmem_shared>>) target(%arg13 : memref<1000x8xf32, #tpu.memory_space<vmem>>) offsets(%arg10 : memref<1000xi32, #tpu.memory_space<vmem>>) semaphore(%arg14 : memref<!tpu.dma_semaphore, #tpu.memory_space<semaphore_mem>>)
      } else {
      }
      %dma_wait3A_85 = arith.constant 0 : i32
      %dma_wait3A_86 = arith.constant 0 : i32
      %dma_wait3A_87 = tpu.memref_slice %arg6[%dma_wait3A_85, %dma_wait3A_86] : memref<100352x8xf32, #tpu.memory_space<hbm>> -> memref<1000x8xf32, #tpu.memory_space<hbm>>
      %dma_wait3A_88 = arith.constant 0 : i32
      %dma_wait3A_89 = arith.constant 0 : i32
      %dma_wait3A_90 = tpu.memref_slice %arg6[%dma_wait3A_88, %dma_wait3A_89] : memref<100352x8xf32, #tpu.memory_space<hbm>> -> memref<1000x8xf32, #tpu.memory_space<hbm>>
      tpu.wait_dma2 semaphore(%arg20 : memref<!tpu.dma_semaphore, #tpu.memory_space<semaphore_mem>>) src(%dma_wait3A_90 : memref<1000x8xf32, #tpu.memory_space<hbm>>) dst(%arg19 : memref<1000x8xf32, #tpu.memory_space<vmem>>)
      %scan3A_91 = arith.constant 0 : i32
      %scan3A_92 = arith.constant 0 : i32
      %scan3A_93 = arith.constant 248 : i32
      %scan3A_94 = arith.addi %scan3A_92, %scan3A_93 : i32
      %scan3A_95 = arith.constant 4 : i32
      scf.for %scan3A_118 = %scan3A_92 to %scan3A_94 step %scan3A_95  : i32 {
        %mul3A_119 = arith.constant 4 : i32
        %mul3A_120 = arith.muli %scan3A_118, %mul3A_119 : i32
        %add3A_121 = vector.broadcast %mul3A_120 : i32 to vector<16xi32>
        %add3A_122 = arith.addi %shift_right_arithmetic3A_6, %add3A_121 : vector<16xi32>
        %gather3A_123 = tpu.vector_load_idx %arg18[%add3A_122] : memref<1000xf32, #tpu.memory_space<vmem>>[vector<16xi32>], vector<16xf32>,
        %gather3A_124 = tpu.vector_load_idx %arg19[%add3A_122, %and3A_8] : memref<1000x8xf32, #tpu.memory_space<vmem>>[vector<16xi32>, vector<16xi32>], vector<16xf32>,
        %mul3A_125 = arith.mulf %gather3A_124, %gather3A_123 : vector<16xf32>
        tpu.vector_store_idx %arg19[%add3A_122, %and3A_8], %mul3A_125 : memref<1000x8xf32, #tpu.memory_space<vmem>>[vector<16xi32>, vector<16xi32>], vector<16xf32>,
        %scan3A_126 = arith.constant 1 : i32
        %scan3A_127 = arith.addi %scan3A_118, %scan3A_126 : i32
        %mul3A_128 = arith.constant 4 : i32
        %mul3A_129 = arith.muli %scan3A_127, %mul3A_128 : i32
        %add3A_130 = vector.broadcast %mul3A_129 : i32 to vector<16xi32>
        %add3A_131 = arith.addi %shift_right_arithmetic3A_6, %add3A_130 : vector<16xi32>
        %gather3A_132 = tpu.vector_load_idx %arg18[%add3A_131] : memref<1000xf32, #tpu.memory_space<vmem>>[vector<16xi32>], vector<16xf32>,
        %gather3A_133 = tpu.vector_load_idx %arg19[%add3A_131, %and3A_8] : memref<1000x8xf32, #tpu.memory_space<vmem>>[vector<16xi32>, vector<16xi32>], vector<16xf32>,
        %mul3A_134 = arith.mulf %gather3A_133, %gather3A_132 : vector<16xf32>
        tpu.vector_store_idx %arg19[%add3A_131, %and3A_8], %mul3A_134 : memref<1000x8xf32, #tpu.memory_space<vmem>>[vector<16xi32>, vector<16xi32>], vector<16xf32>,
        %scan3A_135 = arith.constant 2 : i32
        %scan3A_136 = arith.addi %scan3A_118, %scan3A_135 : i32
        %mul3A_137 = arith.constant 4 : i32
        %mul3A_138 = arith.muli %scan3A_136, %mul3A_137 : i32
        %add3A_139 = vector.broadcast %mul3A_138 : i32 to vector<16xi32>
        %add3A_140 = arith.addi %shift_right_arithmetic3A_6, %add3A_139 : vector<16xi32>
        %gather3A_141 = tpu.vector_load_idx %arg18[%add3A_140] : memref<1000xf32, #tpu.memory_space<vmem>>[vector<16xi32>], vector<16xf32>,
        %gather3A_142 = tpu.vector_load_idx %arg19[%add3A_140, %and3A_8] : memref<1000x8xf32, #tpu.memory_space<vmem>>[vector<16xi32>, vector<16xi32>], vector<16xf32>,
        %mul3A_143 = arith.mulf %gather3A_142, %gather3A_141 : vector<16xf32>
        tpu.vector_store_idx %arg19[%add3A_140, %and3A_8], %mul3A_143 : memref<1000x8xf32, #tpu.memory_space<vmem>>[vector<16xi32>, vector<16xi32>], vector<16xf32>,
        %scan3A_144 = arith.constant 3 : i32
        %scan3A_145 = arith.addi %scan3A_118, %scan3A_144 : i32
        %mul3A_146 = arith.constant 4 : i32
        %mul3A_147 = arith.muli %scan3A_145, %mul3A_146 : i32
        %add3A_148 = vector.broadcast %mul3A_147 : i32 to vector<16xi32>
        %add3A_149 = arith.addi %shift_right_arithmetic3A_6, %add3A_148 : vector<16xi32>
        %gather3A_150 = tpu.vector_load_idx %arg18[%add3A_149] : memref<1000xf32, #tpu.memory_space<vmem>>[vector<16xi32>], vector<16xf32>,
        %gather3A_151 = tpu.vector_load_idx %arg19[%add3A_149, %and3A_8] : memref<1000x8xf32, #tpu.memory_space<vmem>>[vector<16xi32>, vector<16xi32>], vector<16xf32>,
        %mul3A_152 = arith.mulf %gather3A_151, %gather3A_150 : vector<16xf32>
        tpu.vector_store_idx %arg19[%add3A_149, %and3A_8], %mul3A_152 : memref<1000x8xf32, #tpu.memory_space<vmem>>[vector<16xi32>, vector<16xi32>], vector<16xf32>,
      }
      %scan3A_96 = arith.constant 248 : i32
      %scan3A_97 = arith.addi %scan3A_92, %scan3A_96 : i32
      %mul3A_98 = arith.constant 4 : i32
      %mul3A_99 = arith.muli %scan3A_97, %mul3A_98 : i32
      %add3A_100 = vector.broadcast %mul3A_99 : i32 to vector<16xi32>
      %add3A_101 = arith.addi %shift_right_arithmetic3A_6, %add3A_100 : vector<16xi32>
      %gather3A_102 = tpu.vector_load_idx %arg18[%add3A_101] : memref<1000xf32, #tpu.memory_space<vmem>>[vector<16xi32>], vector<16xf32>,
      %gather3A_103 = tpu.vector_load_idx %arg19[%add3A_101, %and3A_8] : memref<1000x8xf32, #tpu.memory_space<vmem>>[vector<16xi32>, vector<16xi32>], vector<16xf32>,
      %mul3A_104 = arith.mulf %gather3A_103, %gather3A_102 : vector<16xf32>
      tpu.vector_store_idx %arg19[%add3A_101, %and3A_8], %mul3A_104 : memref<1000x8xf32, #tpu.memory_space<vmem>>[vector<16xi32>, vector<16xi32>], vector<16xf32>,
      %scan3A_105 = arith.constant 249 : i32
      %scan3A_106 = arith.addi %scan3A_92, %scan3A_105 : i32
      %mul3A_107 = arith.constant 4 : i32
      %mul3A_108 = arith.muli %scan3A_106, %mul3A_107 : i32
      %add3A_109 = vector.broadcast %mul3A_108 : i32 to vector<16xi32>
      %add3A_110 = arith.addi %shift_right_arithmetic3A_6, %add3A_109 : vector<16xi32>
      %gather3A_111 = tpu.vector_load_idx %arg18[%add3A_110] : memref<1000xf32, #tpu.memory_space<vmem>>[vector<16xi32>], vector<16xf32>,
      %gather3A_112 = tpu.vector_load_idx %arg19[%add3A_110, %and3A_8] : memref<1000x8xf32, #tpu.memory_space<vmem>>[vector<16xi32>, vector<16xi32>], vector<16xf32>,
      %mul3A_113 = arith.mulf %gather3A_112, %gather3A_111 : vector<16xf32>
      tpu.vector_store_idx %arg19[%add3A_110, %and3A_8], %mul3A_113 : memref<1000x8xf32, #tpu.memory_space<vmem>>[vector<16xi32>, vector<16xi32>], vector<16xf32>,
      %scan3A_114 = arith.constant 250 : i32
      %dma_start3A_115 = arith.constant 0 : i32
      %dma_start3A_116 = arith.constant 0 : i32
      %dma_start3A_117 = tpu.memref_slice %arg9[%dma_start3A_115, %dma_start3A_116] : memref<100352x8xf32, #tpu.memory_space<vmem_shared>> -> memref<100352x8xf32, #tpu.memory_space<vmem_shared>>
      tpu.enqueue_indirect_dma source(%arg19 : memref<1000x8xf32, #tpu.memory_space<vmem>>) target(%dma_start3A_117 : memref<100352x8xf32, #tpu.memory_space<vmem_shared>>) offsets(%arg17 : memref<1000xi32, #tpu.memory_space<vmem>>) semaphore(%arg21 : memref<!tpu.dma_semaphore, #tpu.memory_space<semaphore_mem>>) {add = true}
    }
    %scan3A_17 = arith.constant 50 : i32
    %dma_wait3A = arith.constant 0 : i32
    %dma_wait3A_18 = arith.constant 0 : i32
    %dma_wait3A_19 = tpu.memref_slice %arg6[%dma_wait3A, %dma_wait3A_18] : memref<100352x8xf32, #tpu.memory_space<hbm>> -> memref<1000x8xf32, #tpu.memory_space<hbm>>
    %dma_wait3A_20 = arith.constant 0 : i32
    %dma_wait3A_21 = arith.constant 0 : i32
    %dma_wait3A_22 = tpu.memref_slice %arg6[%dma_wait3A_20, %dma_wait3A_21] : memref<100352x8xf32, #tpu.memory_space<hbm>> -> memref<1000x8xf32, #tpu.memory_space<hbm>>
    tpu.wait_dma2 semaphore(%arg21 : memref<!tpu.dma_semaphore, #tpu.memory_space<semaphore_mem>>) src(%dma_wait3A_22 : memref<1000x8xf32, #tpu.memory_space<hbm>>) dst(%arg19 : memref<1000x8xf32, #tpu.memory_space<vmem>>)
    %barrier3A_23 = arith.constant 0 : index
    tpu.barrier barrier_id(%barrier3A_23)
    "tpu.region"() ({
      %run_scoped3A = tpu.sem_alloc : memref<!tpu.dma_semaphore, #tpu.memory_space<semaphore_mem>>
      %dma_start3A_24 = arith.constant 0 : i32
      %dma_start3A_25 = tpu.memref_slice %arg7[%arg0, %mul3A_4, %dma_start3A_24] : memref<2x100352x8xf32, #tpu.memory_space<hbm>> -> memref<1x6272x8xf32, #tpu.memory_space<hbm>>
      %dma_start3A_26 = tpu.memref_squeeze %dma_start3A_25 : memref<1x6272x8xf32, #tpu.memory_space<hbm>> -> memref<6272x8xf32, #tpu.memory_space<hbm>>
      %dma_start3A_27 = arith.constant 0 : i32
      %dma_start3A_28 = tpu.memref_slice %arg9[%mul3A_4, %dma_start3A_27] : memref<100352x8xf32, #tpu.memory_space<vmem_shared>> -> memref<6272x8xf32, #tpu.memory_space<vmem_shared>>
      tpu.enqueue_dma source(%dma_start3A_28 : memref<6272x8xf32, #tpu.memory_space<vmem_shared>>) target(%dma_start3A_26 : memref<6272x8xf32, #tpu.memory_space<hbm>>) target_semaphore(%run_scoped3A : memref<!tpu.dma_semaphore, #tpu.memory_space<semaphore_mem>>)
      %dma_wait3A_29 = arith.constant 0 : i32
      %dma_wait3A_30 = tpu.memref_slice %arg7[%arg0, %mul3A_4, %dma_wait3A_29] : memref<2x100352x8xf32, #tpu.memory_space<hbm>> -> memref<1x6272x8xf32, #tpu.memory_space<hbm>>
      %dma_wait3A_31 = tpu.memref_squeeze %dma_wait3A_30 : memref<1x6272x8xf32, #tpu.memory_space<hbm>> -> memref<6272x8xf32, #tpu.memory_space<hbm>>
      %dma_wait3A_32 = arith.constant 0 : i32
      %dma_wait3A_33 = tpu.memref_slice %arg9[%mul3A_4, %dma_wait3A_32] : memref<100352x8xf32, #tpu.memory_space<vmem_shared>> -> memref<6272x8xf32, #tpu.memory_space<vmem_shared>>
      tpu.wait_dma2 semaphore(%run_scoped3A : memref<!tpu.dma_semaphore, #tpu.memory_space<semaphore_mem>>) src(%dma_wait3A_33 : memref<6272x8xf32, #tpu.memory_space<vmem_shared>>) dst(%dma_wait3A_31 : memref<6272x8xf32, #tpu.memory_space<hbm>>)
      tpu.yield
    }) : () -> ()
    return
  }
}

#map = affine_map<(d0, d1) -> (0)>
#map1 = affine_map<(d0, d1) -> (0, 0)>
#map2 = affine_map<(d0, d1) -> (0, 0, 0)>
module attributes {stable_mosaic.version = 14 : i64} {
  func.func @sc_scatter(%arg0: i32, %arg1: i32, %arg2: memref<3200000xi32, #tpu.memory_space<hbm>>, %arg3: memref<3200000xi32, #tpu.memory_space<hbm>>, %arg4: memref<3200000xf32, #tpu.memory_space<hbm>>, %arg5: memref<100352x8xf32, #tpu.memory_space<hbm>>, %arg6: memref<100352x8xf32, #tpu.memory_space<hbm>>, %arg7: memref<2x100352x8xf32, #tpu.memory_space<hbm>>, %arg8: memref<100352x8xf32, #tpu.memory_space<vmem_shared>>, %arg9: memref<100352x8xf32, #tpu.memory_space<vmem_shared>>, %arg10: memref<1000xi32, #tpu.memory_space<vmem>>, %arg11: memref<1000xi32, #tpu.memory_space<vmem>>, %arg12: memref<1000xf32, #tpu.memory_space<vmem>>, %arg13: memref<1000x8xf32, #tpu.memory_space<vmem>>, %arg14: memref<!tpu.dma_semaphore, #tpu.memory_space<semaphore_mem>>, %arg15: memref<!tpu.dma_semaphore, #tpu.memory_space<semaphore_mem>>, %arg16: memref<1000xi32, #tpu.memory_space<vmem>>, %arg17: memref<1000xi32, #tpu.memory_space<vmem>>, %arg18: memref<1000xf32, #tpu.memory_space<vmem>>, %arg19: memref<1000x8xf32, #tpu.memory_space<vmem>>, %arg20: memref<!tpu.dma_semaphore, #tpu.memory_space<semaphore_mem>>, %arg21: memref<!tpu.dma_semaphore, #tpu.memory_space<semaphore_mem>>) attributes {dimension_semantics = [#tpu.dimension_semantics<core_parallel>, #tpu.dimension_semantics<subcore_parallel>], iteration_bounds = array<i64: 2, 16>, scalar_prefetch = 0 : i64, scratch_operands = 14 : i64, tpu.core_type = #tpu.core_type<sc_vector_subcore>, window_params = [{transform_indices = #map}, {transform_indices = #map}, {transform_indices = #map}, {transform_indices = #map1}, {transform_indices = #map1}, {transform_indices = #map2}]} {
    %mul3A = arith.constant 16 : i32
    %mul3A_0 = arith.muli %arg0, %mul3A : i32
    %add3A = arith.addi %mul3A_0, %arg1 : i32
    %mul3A_1 = arith.constant 100000 : i32
    %mul3A_2 = arith.muli %add3A, %mul3A_1 : i32
    %mul3A_3 = arith.constant 6272 : i32
    %mul3A_4 = arith.muli %arg1, %mul3A_3 : i32
    "tpu.region"() ({
      %run_scoped3A = tpu.sem_alloc : memref<!tpu.dma_semaphore, #tpu.memory_space<semaphore_mem>>
      %dma_start3A_24 = arith.constant 0 : i32
      %dma_start3A_25 = tpu.memref_slice %arg8[%mul3A_4, %dma_start3A_24] : memref<100352x8xf32, #tpu.memory_space<vmem_shared>> -> memref<6272x8xf32, #tpu.memory_space<vmem_shared>>
      %dma_start3A_26 = arith.constant 0 : i32
      %dma_start3A_27 = tpu.memref_slice %arg5[%mul3A_4, %dma_start3A_26] : memref<100352x8xf32, #tpu.memory_space<hbm>> -> memref<6272x8xf32, #tpu.memory_space<hbm>>
      tpu.enqueue_dma source(%dma_start3A_27 : memref<6272x8xf32, #tpu.memory_space<hbm>>) target(%dma_start3A_25 : memref<6272x8xf32, #tpu.memory_space<vmem_shared>>) target_semaphore(%run_scoped3A : memref<!tpu.dma_semaphore, #tpu.memory_space<semaphore_mem>>)
      %dma_wait3A_28 = arith.constant 0 : i32
      %dma_wait3A_29 = tpu.memref_slice %arg8[%mul3A_4, %dma_wait3A_28] : memref<100352x8xf32, #tpu.memory_space<vmem_shared>> -> memref<6272x8xf32, #tpu.memory_space<vmem_shared>>
      %dma_wait3A_30 = arith.constant 0 : i32
      %dma_wait3A_31 = tpu.memref_slice %arg5[%mul3A_4, %dma_wait3A_30] : memref<100352x8xf32, #tpu.memory_space<hbm>> -> memref<6272x8xf32, #tpu.memory_space<hbm>>
      tpu.wait_dma2 semaphore(%run_scoped3A : memref<!tpu.dma_semaphore, #tpu.memory_space<semaphore_mem>>) src(%dma_wait3A_31 : memref<6272x8xf32, #tpu.memory_space<hbm>>) dst(%dma_wait3A_29 : memref<6272x8xf32, #tpu.memory_space<vmem_shared>>)
      tpu.yield
    }) : () -> ()
    "tpu.region"() ({
      %run_scoped3A = tpu.sem_alloc : memref<!tpu.dma_semaphore, #tpu.memory_space<semaphore_mem>>
      %dma_start3A_24 = arith.constant 0 : i32
      %dma_start3A_25 = tpu.memref_slice %arg9[%mul3A_4, %dma_start3A_24] : memref<100352x8xf32, #tpu.memory_space<vmem_shared>> -> memref<6272x8xf32, #tpu.memory_space<vmem_shared>>
      %dma_start3A_26 = arith.constant 0 : i32
      %dma_start3A_27 = tpu.memref_slice %arg6[%mul3A_4, %dma_start3A_26] : memref<100352x8xf32, #tpu.memory_space<hbm>> -> memref<6272x8xf32, #tpu.memory_space<hbm>>
      tpu.enqueue_dma source(%dma_start3A_27 : memref<6272x8xf32, #tpu.memory_space<hbm>>) target(%dma_start3A_25 : memref<6272x8xf32, #tpu.memory_space<vmem_shared>>) target_semaphore(%run_scoped3A : memref<!tpu.dma_semaphore, #tpu.memory_space<semaphore_mem>>)
      %dma_wait3A_28 = arith.constant 0 : i32
      %dma_wait3A_29 = tpu.memref_slice %arg9[%mul3A_4, %dma_wait3A_28] : memref<100352x8xf32, #tpu.memory_space<vmem_shared>> -> memref<6272x8xf32, #tpu.memory_space<vmem_shared>>
      %dma_wait3A_30 = arith.constant 0 : i32
      %dma_wait3A_31 = tpu.memref_slice %arg6[%mul3A_4, %dma_wait3A_30] : memref<100352x8xf32, #tpu.memory_space<hbm>> -> memref<6272x8xf32, #tpu.memory_space<hbm>>
      tpu.wait_dma2 semaphore(%run_scoped3A : memref<!tpu.dma_semaphore, #tpu.memory_space<semaphore_mem>>) src(%dma_wait3A_31 : memref<6272x8xf32, #tpu.memory_space<hbm>>) dst(%dma_wait3A_29 : memref<6272x8xf32, #tpu.memory_space<vmem_shared>>)
      tpu.yield
    }) : () -> ()
    %barrier3A = arith.constant 0 : index
    tpu.barrier barrier_id(%barrier3A)
    %iota3A = tpu.iota {dimensions = array<i32: 0>} : vector<16xi32>
    %shift_right_arithmetic3A = arith.constant 2 : i32
    %shift_right_arithmetic3A_5 = vector.broadcast %shift_right_arithmetic3A : i32 to vector<16xi32>
    %shift_right_arithmetic3A_6 = arith.shrsi %iota3A, %shift_right_arithmetic3A_5 : vector<16xi32>
    %and3A = arith.constant 3 : i32
    %and3A_7 = vector.broadcast %and3A : i32 to vector<16xi32>
    %and3A_8 = arith.andi %iota3A, %and3A_7 : vector<16xi32>
    %add3A_9 = arith.constant 0 : i32
    %add3A_10 = arith.addi %mul3A_2, %add3A_9 : i32
    "tpu.region"() ({
      %run_scoped3A = tpu.sem_alloc : memref<!tpu.dma_semaphore, #tpu.memory_space<semaphore_mem>>
      %dma_start3A_24 = tpu.memref_slice %arg2[%add3A_10] : memref<3200000xi32, #tpu.memory_space<hbm>> -> memref<1000xi32, #tpu.memory_space<hbm>>
      %dma_start3A_25 = tpu.memref_slice %arg2[%add3A_10] : memref<3200000xi32, #tpu.memory_space<hbm>> -> memref<1000xi32, #tpu.memory_space<hbm>>
      tpu.enqueue_dma source(%dma_start3A_25 : memref<1000xi32, #tpu.memory_space<hbm>>) target(%arg10 : memref<1000xi32, #tpu.memory_space<vmem>>) target_semaphore(%run_scoped3A : memref<!tpu.dma_semaphore, #tpu.memory_space<semaphore_mem>>)
      %dma_wait3A_26 = tpu.memref_slice %arg2[%add3A_10] : memref<3200000xi32, #tpu.memory_space<hbm>> -> memref<1000xi32, #tpu.memory_space<hbm>>
      %dma_wait3A_27 = tpu.memref_slice %arg2[%add3A_10] : memref<3200000xi32, #tpu.memory_space<hbm>> -> memref<1000xi32, #tpu.memory_space<hbm>>
      tpu.wait_dma2 semaphore(%run_scoped3A : memref<!tpu.dma_semaphore, #tpu.memory_space<semaphore_mem>>) src(%dma_wait3A_27 : memref<1000xi32, #tpu.memory_space<hbm>>) dst(%arg10 : memref<1000xi32, #tpu.memory_space<vmem>>)
      tpu.yield
    }) : () -> ()
    "tpu.region"() ({
      %run_scoped3A = tpu.sem_alloc : memref<!tpu.dma_semaphore, #tpu.memory_space<semaphore_mem>>
      %dma_start3A_24 = tpu.memref_slice %arg3[%add3A_10] : memref<3200000xi32, #tpu.memory_space<hbm>> -> memref<1000xi32, #tpu.memory_space<hbm>>
      %dma_start3A_25 = tpu.memref_slice %arg3[%add3A_10] : memref<3200000xi32, #tpu.memory_space<hbm>> -> memref<1000xi32, #tpu.memory_space<hbm>>
      tpu.enqueue_dma source(%dma_start3A_25 : memref<1000xi32, #tpu.memory_space<hbm>>) target(%arg11 : memref<1000xi32, #tpu.memory_space<vmem>>) target_semaphore(%run_scoped3A : memref<!tpu.dma_semaphore, #tpu.memory_space<semaphore_mem>>)
      %dma_wait3A_26 = tpu.memref_slice %arg3[%add3A_10] : memref<3200000xi32, #tpu.memory_space<hbm>> -> memref<1000xi32, #tpu.memory_space<hbm>>
      %dma_wait3A_27 = tpu.memref_slice %arg3[%add3A_10] : memref<3200000xi32, #tpu.memory_space<hbm>> -> memref<1000xi32, #tpu.memory_space<hbm>>
      tpu.wait_dma2 semaphore(%run_scoped3A : memref<!tpu.dma_semaphore, #tpu.memory_space<semaphore_mem>>) src(%dma_wait3A_27 : memref<1000xi32, #tpu.memory_space<hbm>>) dst(%arg11 : memref<1000xi32, #tpu.memory_space<vmem>>)
      tpu.yield
    }) : () -> ()
    "tpu.region"() ({
      %run_scoped3A = tpu.sem_alloc : memref<!tpu.dma_semaphore, #tpu.memory_space<semaphore_mem>>
      %dma_start3A_24 = tpu.memref_slice %arg4[%add3A_10] : memref<3200000xf32, #tpu.memory_space<hbm>> -> memref<1000xf32, #tpu.memory_space<hbm>>
      %dma_start3A_25 = tpu.memref_slice %arg4[%add3A_10] : memref<3200000xf32, #tpu.memory_space<hbm>> -> memref<1000xf32, #tpu.memory_space<hbm>>
      tpu.enqueue_dma source(%dma_start3A_25 : memref<1000xf32, #tpu.memory_space<hbm>>) target(%arg12 : memref<1000xf32, #tpu.memory_space<vmem>>) target_semaphore(%run_scoped3A : memref<!tpu.dma_semaphore, #tpu.memory_space<semaphore_mem>>)
      %dma_wait3A_26 = tpu.memref_slice %arg4[%add3A_10] : memref<3200000xf32, #tpu.memory_space<hbm>> -> memref<1000xf32, #tpu.memory_space<hbm>>
      %dma_wait3A_27 = tpu.memref_slice %arg4[%add3A_10] : memref<3200000xf32, #tpu.memory_space<hbm>> -> memref<1000xf32, #tpu.memory_space<hbm>>
      tpu.wait_dma2 semaphore(%run_scoped3A : memref<!tpu.dma_semaphore, #tpu.memory_space<semaphore_mem>>) src(%dma_wait3A_27 : memref<1000xf32, #tpu.memory_space<hbm>>) dst(%arg12 : memref<1000xf32, #tpu.memory_space<vmem>>)
      tpu.yield
    }) : () -> ()
    %dma_start3A = arith.constant 0 : i32
    %dma_start3A_11 = arith.constant 0 : i32
    %dma_start3A_12 = tpu.memref_slice %arg8[%dma_start3A, %dma_start3A_11] : memref<100352x8xf32, #tpu.memory_space<vmem_shared>> -> memref<100352x8xf32, #tpu.memory_space<vmem_shared>>
    tpu.enqueue_indirect_dma source(%dma_start3A_12 : memref<100352x8xf32, #tpu.memory_space<vmem_shared>>) target(%arg13 : memref<1000x8xf32, #tpu.memory_space<vmem>>) offsets(%arg10 : memref<1000xi32, #tpu.memory_space<vmem>>) semaphore(%arg14 : memref<!tpu.dma_semaphore, #tpu.memory_space<semaphore_mem>>)
    %scan3A = arith.constant 0 : i32
    %scan3A_13 = arith.constant 0 : i32
    %scan3A_14 = arith.constant 50 : i32
    %scan3A_15 = arith.addi %scan3A_13, %scan3A_14 : i32
    %scan3A_16 = arith.constant 1 : i32
    scf.for %scan3A_24 = %scan3A_13 to %scan3A_15 step %scan3A_16  : i32 {
      %mul3A_25 = arith.constant 2 : i32
      %mul3A_26 = arith.muli %scan3A_24, %mul3A_25 : i32
      %add3A_27 = arith.constant 0 : i32
      %add3A_28 = arith.addi %mul3A_26, %add3A_27 : i32
      %gt3A = arith.constant 0 : i32
      %gt3A_29 = arith.cmpi sgt, %scan3A_24, %gt3A : i32
      %convert_element_type3A = arith.extui %gt3A_29 : i1 to i32
      %cond3A = arith.constant 0 : i32
      %cond3A_30 = arith.cmpi ne, %convert_element_type3A, %cond3A : i32
      scf.if %cond3A_30 {
        %dma_wait3A_118 = arith.constant 0 : i32
        %dma_wait3A_119 = arith.constant 0 : i32
        %dma_wait3A_120 = tpu.memref_slice %arg6[%dma_wait3A_118, %dma_wait3A_119] : memref<100352x8xf32, #tpu.memory_space<hbm>> -> memref<1000x8xf32, #tpu.memory_space<hbm>>
        %dma_wait3A_121 = arith.constant 0 : i32
        %dma_wait3A_122 = arith.constant 0 : i32
        %dma_wait3A_123 = tpu.memref_slice %arg6[%dma_wait3A_121, %dma_wait3A_122] : memref<100352x8xf32, #tpu.memory_space<hbm>> -> memref<1000x8xf32, #tpu.memory_space<hbm>>
        tpu.wait_dma2 semaphore(%arg21 : memref<!tpu.dma_semaphore, #tpu.memory_space<semaphore_mem>>) src(%dma_wait3A_123 : memref<1000x8xf32, #tpu.memory_space<hbm>>) dst(%arg19 : memref<1000x8xf32, #tpu.memory_space<vmem>>)
      } else {
      }
      %add3A_31 = arith.constant 1 : i32
      %add3A_32 = arith.addi %add3A_28, %add3A_31 : i32
      %mul3A_33 = arith.constant 1000 : i32
      %mul3A_34 = arith.muli %add3A_32, %mul3A_33 : i32
      %add3A_35 = arith.addi %mul3A_2, %mul3A_34 : i32
      "tpu.region"() ({
        %run_scoped3A = tpu.sem_alloc : memref<!tpu.dma_semaphore, #tpu.memory_space<semaphore_mem>>
        %dma_start3A_118 = tpu.memref_slice %arg2[%add3A_35] : memref<3200000xi32, #tpu.memory_space<hbm>> -> memref<1000xi32, #tpu.memory_space<hbm>>
        %dma_start3A_119 = tpu.memref_slice %arg2[%add3A_35] : memref<3200000xi32, #tpu.memory_space<hbm>> -> memref<1000xi32, #tpu.memory_space<hbm>>
        tpu.enqueue_dma source(%dma_start3A_119 : memref<1000xi32, #tpu.memory_space<hbm>>) target(%arg16 : memref<1000xi32, #tpu.memory_space<vmem>>) target_semaphore(%run_scoped3A : memref<!tpu.dma_semaphore, #tpu.memory_space<semaphore_mem>>)
        %dma_wait3A_120 = tpu.memref_slice %arg2[%add3A_35] : memref<3200000xi32, #tpu.memory_space<hbm>> -> memref<1000xi32, #tpu.memory_space<hbm>>
        %dma_wait3A_121 = tpu.memref_slice %arg2[%add3A_35] : memref<3200000xi32, #tpu.memory_space<hbm>> -> memref<1000xi32, #tpu.memory_space<hbm>>
        tpu.wait_dma2 semaphore(%run_scoped3A : memref<!tpu.dma_semaphore, #tpu.memory_space<semaphore_mem>>) src(%dma_wait3A_121 : memref<1000xi32, #tpu.memory_space<hbm>>) dst(%arg16 : memref<1000xi32, #tpu.memory_space<vmem>>)
        tpu.yield
      }) : () -> ()
      "tpu.region"() ({
        %run_scoped3A = tpu.sem_alloc : memref<!tpu.dma_semaphore, #tpu.memory_space<semaphore_mem>>
        %dma_start3A_118 = tpu.memref_slice %arg3[%add3A_35] : memref<3200000xi32, #tpu.memory_space<hbm>> -> memref<1000xi32, #tpu.memory_space<hbm>>
        %dma_start3A_119 = tpu.memref_slice %arg3[%add3A_35] : memref<3200000xi32, #tpu.memory_space<hbm>> -> memref<1000xi32, #tpu.memory_space<hbm>>
        tpu.enqueue_dma source(%dma_start3A_119 : memref<1000xi32, #tpu.memory_space<hbm>>) target(%arg17 : memref<1000xi32, #tpu.memory_space<vmem>>) target_semaphore(%run_scoped3A : memref<!tpu.dma_semaphore, #tpu.memory_space<semaphore_mem>>)
        %dma_wait3A_120 = tpu.memref_slice %arg3[%add3A_35] : memref<3200000xi32, #tpu.memory_space<hbm>> -> memref<1000xi32, #tpu.memory_space<hbm>>
        %dma_wait3A_121 = tpu.memref_slice %arg3[%add3A_35] : memref<3200000xi32, #tpu.memory_space<hbm>> -> memref<1000xi32, #tpu.memory_space<hbm>>
        tpu.wait_dma2 semaphore(%run_scoped3A : memref<!tpu.dma_semaphore, #tpu.memory_space<semaphore_mem>>) src(%dma_wait3A_121 : memref<1000xi32, #tpu.memory_space<hbm>>) dst(%arg17 : memref<1000xi32, #tpu.memory_space<vmem>>)
        tpu.yield
      }) : () -> ()
      "tpu.region"() ({
        %run_scoped3A = tpu.sem_alloc : memref<!tpu.dma_semaphore, #tpu.memory_space<semaphore_mem>>
        %dma_start3A_118 = tpu.memref_slice %arg4[%add3A_35] : memref<3200000xf32, #tpu.memory_space<hbm>> -> memref<1000xf32, #tpu.memory_space<hbm>>
        %dma_start3A_119 = tpu.memref_slice %arg4[%add3A_35] : memref<3200000xf32, #tpu.memory_space<hbm>> -> memref<1000xf32, #tpu.memory_space<hbm>>
        tpu.enqueue_dma source(%dma_start3A_119 : memref<1000xf32, #tpu.memory_space<hbm>>) target(%arg18 : memref<1000xf32, #tpu.memory_space<vmem>>) target_semaphore(%run_scoped3A : memref<!tpu.dma_semaphore, #tpu.memory_space<semaphore_mem>>)
        %dma_wait3A_120 = tpu.memref_slice %arg4[%add3A_35] : memref<3200000xf32, #tpu.memory_space<hbm>> -> memref<1000xf32, #tpu.memory_space<hbm>>
        %dma_wait3A_121 = tpu.memref_slice %arg4[%add3A_35] : memref<3200000xf32, #tpu.memory_space<hbm>> -> memref<1000xf32, #tpu.memory_space<hbm>>
        tpu.wait_dma2 semaphore(%run_scoped3A : memref<!tpu.dma_semaphore, #tpu.memory_space<semaphore_mem>>) src(%dma_wait3A_121 : memref<1000xf32, #tpu.memory_space<hbm>>) dst(%arg18 : memref<1000xf32, #tpu.memory_space<vmem>>)
        tpu.yield
      }) : () -> ()
      %dma_start3A_36 = arith.constant 0 : i32
      %dma_start3A_37 = arith.constant 0 : i32
      %dma_start3A_38 = tpu.memref_slice %arg8[%dma_start3A_36, %dma_start3A_37] : memref<100352x8xf32, #tpu.memory_space<vmem_shared>> -> memref<100352x8xf32, #tpu.memory_space<vmem_shared>>
      tpu.enqueue_indirect_dma source(%dma_start3A_38 : memref<100352x8xf32, #tpu.memory_space<vmem_shared>>) target(%arg19 : memref<1000x8xf32, #tpu.memory_space<vmem>>) offsets(%arg16 : memref<1000xi32, #tpu.memory_space<vmem>>) semaphore(%arg20 : memref<!tpu.dma_semaphore, #tpu.memory_space<semaphore_mem>>)
      %dma_wait3A_39 = arith.constant 0 : i32
      %dma_wait3A_40 = arith.constant 0 : i32
      %dma_wait3A_41 = tpu.memref_slice %arg6[%dma_wait3A_39, %dma_wait3A_40] : memref<100352x8xf32, #tpu.memory_space<hbm>> -> memref<1000x8xf32, #tpu.memory_space<hbm>>
      %dma_wait3A_42 = arith.constant 0 : i32
      %dma_wait3A_43 = arith.constant 0 : i32
      %dma_wait3A_44 = tpu.memref_slice %arg6[%dma_wait3A_42, %dma_wait3A_43] : memref<100352x8xf32, #tpu.memory_space<hbm>> -> memref<1000x8xf32, #tpu.memory_space<hbm>>
      tpu.wait_dma2 semaphore(%arg14 : memref<!tpu.dma_semaphore, #tpu.memory_space<semaphore_mem>>) src(%dma_wait3A_44 : memref<1000x8xf32, #tpu.memory_space<hbm>>) dst(%arg13 : memref<1000x8xf32, #tpu.memory_space<vmem>>)
      %scan3A_45 = arith.constant 0 : i32
      %scan3A_46 = arith.constant 0 : i32
      %scan3A_47 = arith.constant 248 : i32
      %scan3A_48 = arith.addi %scan3A_46, %scan3A_47 : i32
      %scan3A_49 = arith.constant 4 : i32
      scf.for %scan3A_118 = %scan3A_46 to %scan3A_48 step %scan3A_49  : i32 {
        %mul3A_119 = arith.constant 4 : i32
        %mul3A_120 = arith.muli %scan3A_118, %mul3A_119 : i32
        %add3A_121 = vector.broadcast %mul3A_120 : i32 to vector<16xi32>
        %add3A_122 = arith.addi %shift_right_arithmetic3A_6, %add3A_121 : vector<16xi32>
        %gather3A_123 = tpu.vector_load_idx %arg12[%add3A_122] : memref<1000xf32, #tpu.memory_space<vmem>>[vector<16xi32>], vector<16xf32>,
        %gather3A_124 = tpu.vector_load_idx %arg13[%add3A_122, %and3A_8] : memref<1000x8xf32, #tpu.memory_space<vmem>>[vector<16xi32>, vector<16xi32>], vector<16xf32>,
        %mul3A_125 = arith.mulf %gather3A_124, %gather3A_123 : vector<16xf32>
        tpu.vector_store_idx %arg13[%add3A_122, %and3A_8], %mul3A_125 : memref<1000x8xf32, #tpu.memory_space<vmem>>[vector<16xi32>, vector<16xi32>], vector<16xf32>,
        %scan3A_126 = arith.constant 1 : i32
        %scan3A_127 = arith.addi %scan3A_118, %scan3A_126 : i32
        %mul3A_128 = arith.constant 4 : i32
        %mul3A_129 = arith.muli %scan3A_127, %mul3A_128 : i32
        %add3A_130 = vector.broadcast %mul3A_129 : i32 to vector<16xi32>
        %add3A_131 = arith.addi %shift_right_arithmetic3A_6, %add3A_130 : vector<16xi32>
        %gather3A_132 = tpu.vector_load_idx %arg12[%add3A_131] : memref<1000xf32, #tpu.memory_space<vmem>>[vector<16xi32>], vector<16xf32>,
        %gather3A_133 = tpu.vector_load_idx %arg13[%add3A_131, %and3A_8] : memref<1000x8xf32, #tpu.memory_space<vmem>>[vector<16xi32>, vector<16xi32>], vector<16xf32>,
        %mul3A_134 = arith.mulf %gather3A_133, %gather3A_132 : vector<16xf32>
        tpu.vector_store_idx %arg13[%add3A_131, %and3A_8], %mul3A_134 : memref<1000x8xf32, #tpu.memory_space<vmem>>[vector<16xi32>, vector<16xi32>], vector<16xf32>,
        %scan3A_135 = arith.constant 2 : i32
        %scan3A_136 = arith.addi %scan3A_118, %scan3A_135 : i32
        %mul3A_137 = arith.constant 4 : i32
        %mul3A_138 = arith.muli %scan3A_136, %mul3A_137 : i32
        %add3A_139 = vector.broadcast %mul3A_138 : i32 to vector<16xi32>
        %add3A_140 = arith.addi %shift_right_arithmetic3A_6, %add3A_139 : vector<16xi32>
        %gather3A_141 = tpu.vector_load_idx %arg12[%add3A_140] : memref<1000xf32, #tpu.memory_space<vmem>>[vector<16xi32>], vector<16xf32>,
        %gather3A_142 = tpu.vector_load_idx %arg13[%add3A_140, %and3A_8] : memref<1000x8xf32, #tpu.memory_space<vmem>>[vector<16xi32>, vector<16xi32>], vector<16xf32>,
        %mul3A_143 = arith.mulf %gather3A_142, %gather3A_141 : vector<16xf32>
        tpu.vector_store_idx %arg13[%add3A_140, %and3A_8], %mul3A_143 : memref<1000x8xf32, #tpu.memory_space<vmem>>[vector<16xi32>, vector<16xi32>], vector<16xf32>,
        %scan3A_144 = arith.constant 3 : i32
        %scan3A_145 = arith.addi %scan3A_118, %scan3A_144 : i32
        %mul3A_146 = arith.constant 4 : i32
        %mul3A_147 = arith.muli %scan3A_145, %mul3A_146 : i32
        %add3A_148 = vector.broadcast %mul3A_147 : i32 to vector<16xi32>
        %add3A_149 = arith.addi %shift_right_arithmetic3A_6, %add3A_148 : vector<16xi32>
        %gather3A_150 = tpu.vector_load_idx %arg12[%add3A_149] : memref<1000xf32, #tpu.memory_space<vmem>>[vector<16xi32>], vector<16xf32>,
        %gather3A_151 = tpu.vector_load_idx %arg13[%add3A_149, %and3A_8] : memref<1000x8xf32, #tpu.memory_space<vmem>>[vector<16xi32>, vector<16xi32>], vector<16xf32>,
        %mul3A_152 = arith.mulf %gather3A_151, %gather3A_150 : vector<16xf32>
        tpu.vector_store_idx %arg13[%add3A_149, %and3A_8], %mul3A_152 : memref<1000x8xf32, #tpu.memory_space<vmem>>[vector<16xi32>, vector<16xi32>], vector<16xf32>,
      }
      %scan3A_50 = arith.constant 248 : i32
      %scan3A_51 = arith.addi %scan3A_46, %scan3A_50 : i32
      %mul3A_52 = arith.constant 4 : i32
      %mul3A_53 = arith.muli %scan3A_51, %mul3A_52 : i32
      %add3A_54 = vector.broadcast %mul3A_53 : i32 to vector<16xi32>
      %add3A_55 = arith.addi %shift_right_arithmetic3A_6, %add3A_54 : vector<16xi32>
      %gather3A = tpu.vector_load_idx %arg12[%add3A_55] : memref<1000xf32, #tpu.memory_space<vmem>>[vector<16xi32>], vector<16xf32>,
      %gather3A_56 = tpu.vector_load_idx %arg13[%add3A_55, %and3A_8] : memref<1000x8xf32, #tpu.memory_space<vmem>>[vector<16xi32>, vector<16xi32>], vector<16xf32>,
      %mul3A_57 = arith.mulf %gather3A_56, %gather3A : vector<16xf32>
      tpu.vector_store_idx %arg13[%add3A_55, %and3A_8], %mul3A_57 : memref<1000x8xf32, #tpu.memory_space<vmem>>[vector<16xi32>, vector<16xi32>], vector<16xf32>,
      %scan3A_58 = arith.constant 249 : i32
      %scan3A_59 = arith.addi %scan3A_46, %scan3A_58 : i32
      %mul3A_60 = arith.constant 4 : i32
      %mul3A_61 = arith.muli %scan3A_59, %mul3A_60 : i32
      %add3A_62 = vector.broadcast %mul3A_61 : i32 to vector<16xi32>
      %add3A_63 = arith.addi %shift_right_arithmetic3A_6, %add3A_62 : vector<16xi32>
      %gather3A_64 = tpu.vector_load_idx %arg12[%add3A_63] : memref<1000xf32, #tpu.memory_space<vmem>>[vector<16xi32>], vector<16xf32>,
      %gather3A_65 = tpu.vector_load_idx %arg13[%add3A_63, %and3A_8] : memref<1000x8xf32, #tpu.memory_space<vmem>>[vector<16xi32>, vector<16xi32>], vector<16xf32>,
      %mul3A_66 = arith.mulf %gather3A_65, %gather3A_64 : vector<16xf32>
      tpu.vector_store_idx %arg13[%add3A_63, %and3A_8], %mul3A_66 : memref<1000x8xf32, #tpu.memory_space<vmem>>[vector<16xi32>, vector<16xi32>], vector<16xf32>,
      %scan3A_67 = arith.constant 250 : i32
      %dma_start3A_68 = arith.constant 0 : i32
      %dma_start3A_69 = arith.constant 0 : i32
      %dma_start3A_70 = tpu.memref_slice %arg9[%dma_start3A_68, %dma_start3A_69] : memref<100352x8xf32, #tpu.memory_space<vmem_shared>> -> memref<100352x8xf32, #tpu.memory_space<vmem_shared>>
      tpu.enqueue_indirect_dma source(%arg13 : memref<1000x8xf32, #tpu.memory_space<vmem>>) target(%dma_start3A_70 : memref<100352x8xf32, #tpu.memory_space<vmem_shared>>) offsets(%arg11 : memref<1000xi32, #tpu.memory_space<vmem>>) semaphore(%arg15 : memref<!tpu.dma_semaphore, #tpu.memory_space<semaphore_mem>>) {add = true}
      %mul3A_71 = arith.constant 2 : i32
      %mul3A_72 = arith.muli %scan3A_24, %mul3A_71 : i32
      %add3A_73 = arith.constant 1 : i32
      %add3A_74 = arith.addi %mul3A_72, %add3A_73 : i32
      %dma_wait3A_75 = arith.constant 0 : i32
      %dma_wait3A_76 = arith.constant 0 : i32
      %dma_wait3A_77 = tpu.memref_slice %arg6[%dma_wait3A_75, %dma_wait3A_76] : memref<100352x8xf32, #tpu.memory_space<hbm>> -> memref<1000x8xf32, #tpu.memory_space<hbm>>
      %dma_wait3A_78 = arith.constant 0 : i32
      %dma_wait3A_79 = arith.constant 0 : i32
      %dma_wait3A_80 = tpu.memref_slice %arg6[%dma_wait3A_78, %dma_wait3A_79] : memref<100352x8xf32, #tpu.memory_space<hbm>> -> memref<1000x8xf32, #tpu.memory_space<hbm>>
      tpu.wait_dma2 semaphore(%arg15 : memref<!tpu.dma_semaphore, #tpu.memory_space<semaphore_mem>>) src(%dma_wait3A_80 : memref<1000x8xf32, #tpu.memory_space<hbm>>) dst(%arg13 : memref<1000x8xf32, #tpu.memory_space<vmem>>)
      %lt3A = arith.constant 49 : i32
      %lt3A_81 = arith.cmpi slt, %scan3A_24, %lt3A : i32
      %convert_element_type3A_82 = arith.extui %lt3A_81 : i1 to i32
      %cond3A_83 = arith.constant 0 : i32
      %cond3A_84 = arith.cmpi ne, %convert_element_type3A_82, %cond3A_83 : i32
      scf.if %cond3A_84 {
        %add3A_118 = arith.constant 1 : i32
        %add3A_119 = arith.addi %add3A_74, %add3A_118 : i32
        %mul3A_120 = arith.constant 1000 : i32
        %mul3A_121 = arith.muli %add3A_119, %mul3A_120 : i32
        %add3A_122 = arith.addi %mul3A_2, %mul3A_121 : i32
        "tpu.region"() ({
          %run_scoped3A = tpu.sem_alloc : memref<!tpu.dma_semaphore, #tpu.memory_space<semaphore_mem>>
          %dma_start3A_126 = tpu.memref_slice %arg2[%add3A_122] : memref<3200000xi32, #tpu.memory_space<hbm>> -> memref<1000xi32, #tpu.memory_space<hbm>>
          %dma_start3A_127 = tpu.memref_slice %arg2[%add3A_122] : memref<3200000xi32, #tpu.memory_space<hbm>> -> memref<1000xi32, #tpu.memory_space<hbm>>
          tpu.enqueue_dma source(%dma_start3A_127 : memref<1000xi32, #tpu.memory_space<hbm>>) target(%arg10 : memref<1000xi32, #tpu.memory_space<vmem>>) target_semaphore(%run_scoped3A : memref<!tpu.dma_semaphore, #tpu.memory_space<semaphore_mem>>)
          %dma_wait3A_128 = tpu.memref_slice %arg2[%add3A_122] : memref<3200000xi32, #tpu.memory_space<hbm>> -> memref<1000xi32, #tpu.memory_space<hbm>>
          %dma_wait3A_129 = tpu.memref_slice %arg2[%add3A_122] : memref<3200000xi32, #tpu.memory_space<hbm>> -> memref<1000xi32, #tpu.memory_space<hbm>>
          tpu.wait_dma2 semaphore(%run_scoped3A : memref<!tpu.dma_semaphore, #tpu.memory_space<semaphore_mem>>) src(%dma_wait3A_129 : memref<1000xi32, #tpu.memory_space<hbm>>) dst(%arg10 : memref<1000xi32, #tpu.memory_space<vmem>>)
          tpu.yield
        }) : () -> ()
        "tpu.region"() ({
          %run_scoped3A = tpu.sem_alloc : memref<!tpu.dma_semaphore, #tpu.memory_space<semaphore_mem>>
          %dma_start3A_126 = tpu.memref_slice %arg3[%add3A_122] : memref<3200000xi32, #tpu.memory_space<hbm>> -> memref<1000xi32, #tpu.memory_space<hbm>>
          %dma_start3A_127 = tpu.memref_slice %arg3[%add3A_122] : memref<3200000xi32, #tpu.memory_space<hbm>> -> memref<1000xi32, #tpu.memory_space<hbm>>
          tpu.enqueue_dma source(%dma_start3A_127 : memref<1000xi32, #tpu.memory_space<hbm>>) target(%arg11 : memref<1000xi32, #tpu.memory_space<vmem>>) target_semaphore(%run_scoped3A : memref<!tpu.dma_semaphore, #tpu.memory_space<semaphore_mem>>)
          %dma_wait3A_128 = tpu.memref_slice %arg3[%add3A_122] : memref<3200000xi32, #tpu.memory_space<hbm>> -> memref<1000xi32, #tpu.memory_space<hbm>>
          %dma_wait3A_129 = tpu.memref_slice %arg3[%add3A_122] : memref<3200000xi32, #tpu.memory_space<hbm>> -> memref<1000xi32, #tpu.memory_space<hbm>>
          tpu.wait_dma2 semaphore(%run_scoped3A : memref<!tpu.dma_semaphore, #tpu.memory_space<semaphore_mem>>) src(%dma_wait3A_129 : memref<1000xi32, #tpu.memory_space<hbm>>) dst(%arg11 : memref<1000xi32, #tpu.memory_space<vmem>>)
          tpu.yield
        }) : () -> ()
        "tpu.region"() ({
          %run_scoped3A = tpu.sem_alloc : memref<!tpu.dma_semaphore, #tpu.memory_space<semaphore_mem>>
          %dma_start3A_126 = tpu.memref_slice %arg4[%add3A_122] : memref<3200000xf32, #tpu.memory_space<hbm>> -> memref<1000xf32, #tpu.memory_space<hbm>>
          %dma_start3A_127 = tpu.memref_slice %arg4[%add3A_122] : memref<3200000xf32, #tpu.memory_space<hbm>> -> memref<1000xf32, #tpu.memory_space<hbm>>
          tpu.enqueue_dma source(%dma_start3A_127 : memref<1000xf32, #tpu.memory_space<hbm>>) target(%arg12 : memref<1000xf32, #tpu.memory_space<vmem>>) target_semaphore(%run_scoped3A : memref<!tpu.dma_semaphore, #tpu.memory_space<semaphore_mem>>)
          %dma_wait3A_128 = tpu.memref_slice %arg4[%add3A_122] : memref<3200000xf32, #tpu.memory_space<hbm>> -> memref<1000xf32, #tpu.memory_space<hbm>>
          %dma_wait3A_129 = tpu.memref_slice %arg4[%add3A_122] : memref<3200000xf32, #tpu.memory_space<hbm>> -> memref<1000xf32, #tpu.memory_space<hbm>>
          tpu.wait_dma2 semaphore(%run_scoped3A : memref<!tpu.dma_semaphore, #tpu.memory_space<semaphore_mem>>) src(%dma_wait3A_129 : memref<1000xf32, #tpu.memory_space<hbm>>) dst(%arg12 : memref<1000xf32, #tpu.memory_space<vmem>>)
          tpu.yield
        }) : () -> ()
        %dma_start3A_123 = arith.constant 0 : i32
        %dma_start3A_124 = arith.constant 0 : i32
        %dma_start3A_125 = tpu.memref_slice %arg8[%dma_start3A_123, %dma_start3A_124] : memref<100352x8xf32, #tpu.memory_space<vmem_shared>> -> memref<100352x8xf32, #tpu.memory_space<vmem_shared>>
        tpu.enqueue_indirect_dma source(%dma_start3A_125 : memref<100352x8xf32, #tpu.memory_space<vmem_shared>>) target(%arg13 : memref<1000x8xf32, #tpu.memory_space<vmem>>) offsets(%arg10 : memref<1000xi32, #tpu.memory_space<vmem>>) semaphore(%arg14 : memref<!tpu.dma_semaphore, #tpu.memory_space<semaphore_mem>>)
      } else {
      }
      %dma_wait3A_85 = arith.constant 0 : i32
      %dma_wait3A_86 = arith.constant 0 : i32
      %dma_wait3A_87 = tpu.memref_slice %arg6[%dma_wait3A_85, %dma_wait3A_86] : memref<100352x8xf32, #tpu.memory_space<hbm>> -> memref<1000x8xf32, #tpu.memory_space<hbm>>
      %dma_wait3A_88 = arith.constant 0 : i32
      %dma_wait3A_89 = arith.constant 0 : i32
      %dma_wait3A_90 = tpu.memref_slice %arg6[%dma_wait3A_88, %dma_wait3A_89] : memref<100352x8xf32, #tpu.memory_space<hbm>> -> memref<1000x8xf32, #tpu.memory_space<hbm>>
      tpu.wait_dma2 semaphore(%arg20 : memref<!tpu.dma_semaphore, #tpu.memory_space<semaphore_mem>>) src(%dma_wait3A_90 : memref<1000x8xf32, #tpu.memory_space<hbm>>) dst(%arg19 : memref<1000x8xf32, #tpu.memory_space<vmem>>)
      %scan3A_91 = arith.constant 0 : i32
      %scan3A_92 = arith.constant 0 : i32
      %scan3A_93 = arith.constant 248 : i32
      %scan3A_94 = arith.addi %scan3A_92, %scan3A_93 : i32
      %scan3A_95 = arith.constant 4 : i32
      scf.for %scan3A_118 = %scan3A_92 to %scan3A_94 step %scan3A_95  : i32 {
        %mul3A_119 = arith.constant 4 : i32
        %mul3A_120 = arith.muli %scan3A_118, %mul3A_119 : i32
        %add3A_121 = vector.broadcast %mul3A_120 : i32 to vector<16xi32>
        %add3A_122 = arith.addi %shift_right_arithmetic3A_6, %add3A_121 : vector<16xi32>
        %gather3A_123 = tpu.vector_load_idx %arg18[%add3A_122] : memref<1000xf32, #tpu.memory_space<vmem>>[vector<16xi32>], vector<16xf32>,
        %gather3A_124 = tpu.vector_load_idx %arg19[%add3A_122, %and3A_8] : memref<1000x8xf32, #tpu.memory_space<vmem>>[vector<16xi32>, vector<16xi32>], vector<16xf32>,
        %mul3A_125 = arith.mulf %gather3A_124, %gather3A_123 : vector<16xf32>
        tpu.vector_store_idx %arg19[%add3A_122, %and3A_8], %mul3A_125 : memref<1000x8xf32, #tpu.memory_space<vmem>>[vector<16xi32>, vector<16xi32>], vector<16xf32>,
        %scan3A_126 = arith.constant 1 : i32
        %scan3A_127 = arith.addi %scan3A_118, %scan3A_126 : i32
        %mul3A_128 = arith.constant 4 : i32
        %mul3A_129 = arith.muli %scan3A_127, %mul3A_128 : i32
        %add3A_130 = vector.broadcast %mul3A_129 : i32 to vector<16xi32>
        %add3A_131 = arith.addi %shift_right_arithmetic3A_6, %add3A_130 : vector<16xi32>
        %gather3A_132 = tpu.vector_load_idx %arg18[%add3A_131] : memref<1000xf32, #tpu.memory_space<vmem>>[vector<16xi32>], vector<16xf32>,
        %gather3A_133 = tpu.vector_load_idx %arg19[%add3A_131, %and3A_8] : memref<1000x8xf32, #tpu.memory_space<vmem>>[vector<16xi32>, vector<16xi32>], vector<16xf32>,
        %mul3A_134 = arith.mulf %gather3A_133, %gather3A_132 : vector<16xf32>
        tpu.vector_store_idx %arg19[%add3A_131, %and3A_8], %mul3A_134 : memref<1000x8xf32, #tpu.memory_space<vmem>>[vector<16xi32>, vector<16xi32>], vector<16xf32>,
        %scan3A_135 = arith.constant 2 : i32
        %scan3A_136 = arith.addi %scan3A_118, %scan3A_135 : i32
        %mul3A_137 = arith.constant 4 : i32
        %mul3A_138 = arith.muli %scan3A_136, %mul3A_137 : i32
        %add3A_139 = vector.broadcast %mul3A_138 : i32 to vector<16xi32>
        %add3A_140 = arith.addi %shift_right_arithmetic3A_6, %add3A_139 : vector<16xi32>
        %gather3A_141 = tpu.vector_load_idx %arg18[%add3A_140] : memref<1000xf32, #tpu.memory_space<vmem>>[vector<16xi32>], vector<16xf32>,
        %gather3A_142 = tpu.vector_load_idx %arg19[%add3A_140, %and3A_8] : memref<1000x8xf32, #tpu.memory_space<vmem>>[vector<16xi32>, vector<16xi32>], vector<16xf32>,
        %mul3A_143 = arith.mulf %gather3A_142, %gather3A_141 : vector<16xf32>
        tpu.vector_store_idx %arg19[%add3A_140, %and3A_8], %mul3A_143 : memref<1000x8xf32, #tpu.memory_space<vmem>>[vector<16xi32>, vector<16xi32>], vector<16xf32>,
        %scan3A_144 = arith.constant 3 : i32
        %scan3A_145 = arith.addi %scan3A_118, %scan3A_144 : i32
        %mul3A_146 = arith.constant 4 : i32
        %mul3A_147 = arith.muli %scan3A_145, %mul3A_146 : i32
        %add3A_148 = vector.broadcast %mul3A_147 : i32 to vector<16xi32>
        %add3A_149 = arith.addi %shift_right_arithmetic3A_6, %add3A_148 : vector<16xi32>
        %gather3A_150 = tpu.vector_load_idx %arg18[%add3A_149] : memref<1000xf32, #tpu.memory_space<vmem>>[vector<16xi32>], vector<16xf32>,
        %gather3A_151 = tpu.vector_load_idx %arg19[%add3A_149, %and3A_8] : memref<1000x8xf32, #tpu.memory_space<vmem>>[vector<16xi32>, vector<16xi32>], vector<16xf32>,
        %mul3A_152 = arith.mulf %gather3A_151, %gather3A_150 : vector<16xf32>
        tpu.vector_store_idx %arg19[%add3A_149, %and3A_8], %mul3A_152 : memref<1000x8xf32, #tpu.memory_space<vmem>>[vector<16xi32>, vector<16xi32>], vector<16xf32>,
      }
      %scan3A_96 = arith.constant 248 : i32
      %scan3A_97 = arith.addi %scan3A_92, %scan3A_96 : i32
      %mul3A_98 = arith.constant 4 : i32
      %mul3A_99 = arith.muli %scan3A_97, %mul3A_98 : i32
      %add3A_100 = vector.broadcast %mul3A_99 : i32 to vector<16xi32>
      %add3A_101 = arith.addi %shift_right_arithmetic3A_6, %add3A_100 : vector<16xi32>
      %gather3A_102 = tpu.vector_load_idx %arg18[%add3A_101] : memref<1000xf32, #tpu.memory_space<vmem>>[vector<16xi32>], vector<16xf32>,
      %gather3A_103 = tpu.vector_load_idx %arg19[%add3A_101, %and3A_8] : memref<1000x8xf32, #tpu.memory_space<vmem>>[vector<16xi32>, vector<16xi32>], vector<16xf32>,
      %mul3A_104 = arith.mulf %gather3A_103, %gather3A_102 : vector<16xf32>
      tpu.vector_store_idx %arg19[%add3A_101, %and3A_8], %mul3A_104 : memref<1000x8xf32, #tpu.memory_space<vmem>>[vector<16xi32>, vector<16xi32>], vector<16xf32>,
      %scan3A_105 = arith.constant 249 : i32
      %scan3A_106 = arith.addi %scan3A_92, %scan3A_105 : i32
      %mul3A_107 = arith.constant 4 : i32
      %mul3A_108 = arith.muli %scan3A_106, %mul3A_107 : i32
      %add3A_109 = vector.broadcast %mul3A_108 : i32 to vector<16xi32>
      %add3A_110 = arith.addi %shift_right_arithmetic3A_6, %add3A_109 : vector<16xi32>
      %gather3A_111 = tpu.vector_load_idx %arg18[%add3A_110] : memref<1000xf32, #tpu.memory_space<vmem>>[vector<16xi32>], vector<16xf32>,
      %gather3A_112 = tpu.vector_load_idx %arg19[%add3A_110, %and3A_8] : memref<1000x8xf32, #tpu.memory_space<vmem>>[vector<16xi32>, vector<16xi32>], vector<16xf32>,
      %mul3A_113 = arith.mulf %gather3A_112, %gather3A_111 : vector<16xf32>
      tpu.vector_store_idx %arg19[%add3A_110, %and3A_8], %mul3A_113 : memref<1000x8xf32, #tpu.memory_space<vmem>>[vector<16xi32>, vector<16xi32>], vector<16xf32>,
      %scan3A_114 = arith.constant 250 : i32
      %dma_start3A_115 = arith.constant 0 : i32
      %dma_start3A_116 = arith.constant 0 : i32
      %dma_start3A_117 = tpu.memref_slice %arg9[%dma_start3A_115, %dma_start3A_116] : memref<100352x8xf32, #tpu.memory_space<vmem_shared>> -> memref<100352x8xf32, #tpu.memory_space<vmem_shared>>
      tpu.enqueue_indirect_dma source(%arg19 : memref<1000x8xf32, #tpu.memory_space<vmem>>) target(%dma_start3A_117 : memref<100352x8xf32, #tpu.memory_space<vmem_shared>>) offsets(%arg17 : memref<1000xi32, #tpu.memory_space<vmem>>) semaphore(%arg21 : memref<!tpu.dma_semaphore, #tpu.memory_space<semaphore_mem>>) {add = true}
    }
    %scan3A_17 = arith.constant 50 : i32
    %dma_wait3A = arith.constant 0 : i32
    %dma_wait3A_18 = arith.constant 0 : i32
    %dma_wait3A_19 = tpu.memref_slice %arg6[%dma_wait3A, %dma_wait3A_18] : memref<100352x8xf32, #tpu.memory_space<hbm>> -> memref<1000x8xf32, #tpu.memory_space<hbm>>
    %dma_wait3A_20 = arith.constant 0 : i32
    %dma_wait3A_21 = arith.constant 0 : i32
    %dma_wait3A_22 = tpu.memref_slice %arg6[%dma_wait3A_20, %dma_wait3A_21] : memref<100352x8xf32, #tpu.memory_space<hbm>> -> memref<1000x8xf32, #tpu.memory_space<hbm>>
    tpu.wait_dma2 semaphore(%arg21 : memref<!tpu.dma_semaphore, #tpu.memory_space<semaphore_mem>>) src(%dma_wait3A_22 : memref<1000x8xf32, #tpu.memory_space<hbm>>) dst(%arg19 : memref<1000x8xf32, #tpu.memory_space<vmem>>)
    %barrier3A_23 = arith.constant 0 : index
    tpu.barrier barrier_id(%barrier3A_23)
    "tpu.region"() ({
      %run_scoped3A = tpu.sem_alloc : memref<!tpu.dma_semaphore, #tpu.memory_space<semaphore_mem>>
      %dma_start3A_24 = arith.constant 0 : i32
      %dma_start3A_25 = tpu.memref_slice %arg7[%arg0, %mul3A_4, %dma_start3A_24] : memref<2x100352x8xf32, #tpu.memory_space<hbm>> -> memref<1x6272x8xf32, #tpu.memory_space<hbm>>
      %dma_start3A_26 = tpu.memref_squeeze %dma_start3A_25 : memref<1x6272x8xf32, #tpu.memory_space<hbm>> -> memref<6272x8xf32, #tpu.memory_space<hbm>>
      %dma_start3A_27 = arith.constant 0 : i32
      %dma_start3A_28 = tpu.memref_slice %arg9[%mul3A_4, %dma_start3A_27] : memref<100352x8xf32, #tpu.memory_space<vmem_shared>> -> memref<6272x8xf32, #tpu.memory_space<vmem_shared>>
      tpu.enqueue_dma source(%dma_start3A_28 : memref<6272x8xf32, #tpu.memory_space<vmem_shared>>) target(%dma_start3A_26 : memref<6272x8xf32, #tpu.memory_space<hbm>>) target_semaphore(%run_scoped3A : memref<!tpu.dma_semaphore, #tpu.memory_space<semaphore_mem>>)
      %dma_wait3A_29 = arith.constant 0 : i32
      %dma_wait3A_30 = tpu.memref_slice %arg7[%arg0, %mul3A_4, %dma_wait3A_29] : memref<2x100352x8xf32, #tpu.memory_space<hbm>> -> memref<1x6272x8xf32, #tpu.memory_space<hbm>>
      %dma_wait3A_31 = tpu.memref_squeeze %dma_wait3A_30 : memref<1x6272x8xf32, #tpu.memory_space<hbm>> -> memref<6272x8xf32, #tpu.memory_space<hbm>>
      %dma_wait3A_32 = arith.constant 0 : i32
      %dma_wait3A_33 = tpu.memref_slice %arg9[%mul3A_4, %dma_wait3A_32] : memref<100352x8xf32, #tpu.memory_space<vmem_shared>> -> memref<6272x8xf32, #tpu.memory_space<vmem_shared>>
      tpu.wait_dma2 semaphore(%run_scoped3A : memref<!tpu.dma_semaphore, #tpu.memory_space<semaphore_mem>>) src(%dma_wait3A_33 : memref<6272x8xf32, #tpu.memory_space<vmem_shared>>) dst(%dma_wait3A_31 : memref<6272x8xf32, #tpu.memory_space<hbm>>)
      tpu.yield
    }) : () -> ()
    return
  }
}

module attributes {stable_mosaic.version = 14 : i64} {
  func.func @_tc1_body(%arg0: i32, %arg1: memref<32x2048xf32, #tpu.memory_space<vmem>>, %arg2: memref<2048x8xf32, #tpu.memory_space<vmem>>, %arg3: memref<2048x1xf32, #tpu.memory_space<vmem>>, %arg4: memref<2048x8xf32, #tpu.memory_space<vmem>>) attributes {dimension_semantics = [#tpu.dimension_semantics<arbitrary>], iteration_bounds = array<i64: 49>, scalar_prefetch = 0 : i64, scratch_operands = 0 : i64, tpu.core_type = #tpu.core_type<tc>, window_params = [{transform_indices = @transform_0, window_bounds = array<i64: 32, 2048>}, {transform_indices = @transform_1, window_bounds = array<i64: 2048, 8>}, {transform_indices = @transform_2, window_bounds = array<i64: 2048, 1>}, {transform_indices = @transform_3, window_bounds = array<i64: 2048, 8>}]} {
    %broadcast_in_dim3A = arith.constant 1.000000e+00 : f32
    %broadcast_in_dim3A_0 = vector.broadcast %broadcast_in_dim3A : f32 to vector<32x1xf32>
    %get3A = arith.constant 0 : index
    %get3A_1 = arith.constant 0 : index
    %get3A_2 = vector.load %arg1[%get3A, %get3A_1] : memref<32x2048xf32, #tpu.memory_space<vmem>>, vector<32x2048xf32>
    %dot_general3A = arith.constant dense<0.000000e+00> : vector<2048x1xf32>
    %dot_general3A_3 = tpu.matmul %get3A_2, %broadcast_in_dim3A_0, %dot_general3A {dimension_numbers = #tpu.dot_dimension_numbers<[0], [0], [1], [1], [0, 1, 1, 1], [], []>, transpose_lhs_hint = false} : vector<32x2048xf32>, vector<32x1xf32>, vector<2048x1xf32> -> vector<2048x1xf32>
    %add3A = arith.constant 1.000000e+00 : f32
    %add3A_4 = vector.broadcast %add3A : f32 to vector<2048x1xf32>
    %add3A_5 = arith.addf %dot_general3A_3, %add3A_4 : vector<2048x1xf32>
    %gt3A = arith.constant 0.000000e+00 : f32
    %gt3A_6 = vector.broadcast %gt3A : f32 to vector<2048x1xf32>
    %gt3A_7 = arith.cmpf ogt, %add3A_5, %gt3A_6 : vector<2048x1xf32>
    %max3A = arith.constant 9.99999996E-13 : f32
    %max3A_8 = vector.broadcast %max3A : f32 to vector<2048x1xf32>
    %max3A_9 = arith.maximumf %add3A_5, %max3A_8 : vector<2048x1xf32>
    %rsqrt3A = math.rsqrt %max3A_9 : vector<2048x1xf32>
    %jit3A = arith.constant 0.000000e+00 : f32
    %broadcast_in_dim3A_10 = vector.broadcast %jit3A : f32 to vector<2048x1xf32>
    %select_n3A = arith.select %gt3A_7, %rsqrt3A, %broadcast_in_dim3A_10 : vector<2048x1xi1>, vector<2048x1xf32>
    %swap3A = arith.constant 0 : index
    %swap3A_11 = arith.constant 0 : index
    %swap3A_12 = vector.load %arg3[%swap3A, %swap3A_11] : memref<2048x1xf32, #tpu.memory_space<vmem>>, vector<2048x1xf32>
    tpu.vector_store %arg3[%swap3A, %swap3A_11], %select_n3A {strides = array<i32>} : memref<2048x1xf32, #tpu.memory_space<vmem>>, vector<2048x1xf32>,
    %get3A_13 = arith.constant 0 : index
    %get3A_14 = arith.constant 0 : index
    %get3A_15 = vector.load %arg2[%get3A_13, %get3A_14] : memref<2048x8xf32, #tpu.memory_space<vmem>>, vector<2048x8xf32>
    %mul3A = vector.broadcast %select_n3A : vector<2048x1xf32> to vector<2048x8xf32>
    %mul3A_16 = arith.mulf %get3A_15, %mul3A : vector<2048x8xf32>
    %swap3A_17 = arith.constant 0 : index
    %swap3A_18 = arith.constant 0 : index
    %swap3A_19 = vector.load %arg4[%swap3A_17, %swap3A_18] : memref<2048x8xf32, #tpu.memory_space<vmem>>, vector<2048x8xf32>
    tpu.vector_store %arg4[%swap3A_17, %swap3A_18], %mul3A_16 {strides = array<i32>} : memref<2048x8xf32, #tpu.memory_space<vmem>>, vector<2048x8xf32>,
    return
  }
  func.func @transform_0(%arg0: i32) -> (i32, i32) {
    %c0_i32 = arith.constant 0 : i32
    %c0_i32_0 = arith.constant 0 : i32
    return %c0_i32, %arg0 : i32, i32
  }
  func.func @transform_1(%arg0: i32) -> (i32, i32) {
    %c0_i32 = arith.constant 0 : i32
    %c0_i32_0 = arith.constant 0 : i32
    return %arg0, %c0_i32 : i32, i32
  }
  func.func @transform_2(%arg0: i32) -> (i32, i32) {
    %c0_i32 = arith.constant 0 : i32
    %c0_i32_0 = arith.constant 0 : i32
    return %arg0, %c0_i32 : i32, i32
  }
  func.func @transform_3(%arg0: i32) -> (i32, i32) {
    %c0_i32 = arith.constant 0 : i32
    %c0_i32_0 = arith.constant 0 : i32
    return %arg0, %c0_i32 : i32, i32
  }
}

module attributes {stable_mosaic.version = 14 : i64} {
  func.func @_tc2_body(%arg0: i32, %arg1: memref<2x2048x8xf32, #tpu.memory_space<vmem>>, %arg2: memref<2048x1xf32, #tpu.memory_space<vmem>>, %arg3: memref<2048x8xf32, #tpu.memory_space<vmem>>, %arg4: memref<8x16xf32, #tpu.memory_space<vmem>>, %arg5: memref<1x16xf32, #tpu.memory_space<vmem>>, %arg6: memref<16x8xf32, #tpu.memory_space<vmem>>, %arg7: memref<2048x8xf32, #tpu.memory_space<vmem>>) attributes {dimension_semantics = [#tpu.dimension_semantics<arbitrary>], iteration_bounds = array<i64: 49>, scalar_prefetch = 0 : i64, scratch_operands = 0 : i64, tpu.core_type = #tpu.core_type<tc>, window_params = [{transform_indices = @transform_0, window_bounds = array<i64: 2, 2048, 8>}, {transform_indices = @transform_1, window_bounds = array<i64: 2048, 1>}, {transform_indices = @transform_2, window_bounds = array<i64: 2048, 8>}, {pipeline_mode = #tpu.pipeline_mode<synchronous>, transform_indices = @transform_3, window_bounds = array<i64: 8, 16>}, {pipeline_mode = #tpu.pipeline_mode<synchronous>, transform_indices = @transform_4, window_bounds = array<i64: 1, 16>}, {pipeline_mode = #tpu.pipeline_mode<synchronous>, transform_indices = @transform_5, window_bounds = array<i64: 16, 8>}, {transform_indices = @transform_6, window_bounds = array<i64: 2048, 8>}]} {
    %get3A = arith.constant 0 : index
    %get3A_0 = arith.constant 0 : index
    %get3A_1 = vector.load %arg2[%get3A, %get3A_0] : memref<2048x1xf32, #tpu.memory_space<vmem>>, vector<2048x1xf32>
    %get3A_2 = arith.constant 0 : index
    %get3A_3 = arith.constant 0 : index
    %get3A_4 = arith.constant 0 : index
    %get3A_5 = vector.load %arg1[%get3A_2, %get3A_3, %get3A_4] : memref<2x2048x8xf32, #tpu.memory_space<vmem>>, vector<1x2048x8xf32>
    %get3A_6 = vector.shape_cast %get3A_5 : vector<1x2048x8xf32> to vector<2048x8xf32>
    %get3A_7 = arith.constant 1 : index
    %get3A_8 = arith.constant 0 : index
    %get3A_9 = arith.constant 0 : index
    %get3A_10 = vector.load %arg1[%get3A_7, %get3A_8, %get3A_9] : memref<2x2048x8xf32, #tpu.memory_space<vmem>>, vector<1x2048x8xf32>
    %get3A_11 = vector.shape_cast %get3A_10 : vector<1x2048x8xf32> to vector<2048x8xf32>
    %add3A = arith.addf %get3A_6, %get3A_11 : vector<2048x8xf32>
    %mul3A = vector.broadcast %get3A_1 : vector<2048x1xf32> to vector<2048x8xf32>
    %mul3A_12 = arith.mulf %add3A, %mul3A : vector<2048x8xf32>
    %mul3A_13 = arith.mulf %get3A_1, %get3A_1 : vector<2048x1xf32>
    %get3A_14 = arith.constant 0 : index
    %get3A_15 = arith.constant 0 : index
    %get3A_16 = vector.load %arg3[%get3A_14, %get3A_15] : memref<2048x8xf32, #tpu.memory_space<vmem>>, vector<2048x8xf32>
    %mul3A_17 = vector.broadcast %mul3A_13 : vector<2048x1xf32> to vector<2048x8xf32>
    %mul3A_18 = arith.mulf %mul3A_17, %get3A_16 : vector<2048x8xf32>
    %add3A_19 = arith.addf %mul3A_12, %mul3A_18 : vector<2048x8xf32>
    %broadcast_in_dim3A = arith.constant 0.000000e+00 : f32
    %broadcast_in_dim3A_20 = vector.broadcast %broadcast_in_dim3A : f32 to vector<2048x16xf32>
    %get3A_21 = arith.constant 0 : index
    %get3A_22 = arith.constant 0 : index
    %get3A_23 = vector.load %arg5[%get3A_21, %get3A_22] : memref<1x16xf32, #tpu.memory_space<vmem>>, vector<1x16xf32>
    %add3A_24 = vector.broadcast %get3A_23 : vector<1x16xf32> to vector<2048x16xf32>
    %add3A_25 = arith.addf %broadcast_in_dim3A_20, %add3A_24 : vector<2048x16xf32>
    %slice3A = vector.extract_strided_slice %add3A_19 {offsets = [0, 0], sizes = [2048, 1], strides = [1, 1]} : vector<2048x8xf32> to vector<2048x1xf32>
    %get3A_26 = arith.constant 0 : index
    %get3A_27 = arith.constant 0 : index
    %get3A_28 = vector.load %arg4[%get3A_26, %get3A_27] : memref<8x16xf32, #tpu.memory_space<vmem>>, vector<1x16xf32>
    %mul3A_29 = vector.broadcast %slice3A : vector<2048x1xf32> to vector<2048x16xf32>
    %mul3A_30 = vector.broadcast %get3A_28 : vector<1x16xf32> to vector<2048x16xf32>
    %mul3A_31 = arith.mulf %mul3A_29, %mul3A_30 : vector<2048x16xf32>
    %add3A_32 = arith.addf %add3A_25, %mul3A_31 : vector<2048x16xf32>
    %slice3A_33 = vector.extract_strided_slice %add3A_19 {offsets = [0, 1], sizes = [2048, 1], strides = [1, 1]} : vector<2048x8xf32> to vector<2048x1xf32>
    %get3A_34 = arith.constant 1 : index
    %get3A_35 = arith.constant 0 : index
    %get3A_36 = vector.load %arg4[%get3A_34, %get3A_35] : memref<8x16xf32, #tpu.memory_space<vmem>>, vector<1x16xf32>
    %mul3A_37 = vector.broadcast %slice3A_33 : vector<2048x1xf32> to vector<2048x16xf32>
    %mul3A_38 = vector.broadcast %get3A_36 : vector<1x16xf32> to vector<2048x16xf32>
    %mul3A_39 = arith.mulf %mul3A_37, %mul3A_38 : vector<2048x16xf32>
    %add3A_40 = arith.addf %add3A_32, %mul3A_39 : vector<2048x16xf32>
    %slice3A_41 = vector.extract_strided_slice %add3A_19 {offsets = [0, 2], sizes = [2048, 1], strides = [1, 1]} : vector<2048x8xf32> to vector<2048x1xf32>
    %get3A_42 = arith.constant 2 : index
    %get3A_43 = arith.constant 0 : index
    %get3A_44 = vector.load %arg4[%get3A_42, %get3A_43] : memref<8x16xf32, #tpu.memory_space<vmem>>, vector<1x16xf32>
    %mul3A_45 = vector.broadcast %slice3A_41 : vector<2048x1xf32> to vector<2048x16xf32>
    %mul3A_46 = vector.broadcast %get3A_44 : vector<1x16xf32> to vector<2048x16xf32>
    %mul3A_47 = arith.mulf %mul3A_45, %mul3A_46 : vector<2048x16xf32>
    %add3A_48 = arith.addf %add3A_40, %mul3A_47 : vector<2048x16xf32>
    %slice3A_49 = vector.extract_strided_slice %add3A_19 {offsets = [0, 3], sizes = [2048, 1], strides = [1, 1]} : vector<2048x8xf32> to vector<2048x1xf32>
    %get3A_50 = arith.constant 3 : index
    %get3A_51 = arith.constant 0 : index
    %get3A_52 = vector.load %arg4[%get3A_50, %get3A_51] : memref<8x16xf32, #tpu.memory_space<vmem>>, vector<1x16xf32>
    %mul3A_53 = vector.broadcast %slice3A_49 : vector<2048x1xf32> to vector<2048x16xf32>
    %mul3A_54 = vector.broadcast %get3A_52 : vector<1x16xf32> to vector<2048x16xf32>
    %mul3A_55 = arith.mulf %mul3A_53, %mul3A_54 : vector<2048x16xf32>
    %add3A_56 = arith.addf %add3A_48, %mul3A_55 : vector<2048x16xf32>
    %max3A = arith.constant 0.000000e+00 : f32
    %max3A_57 = vector.broadcast %max3A : f32 to vector<2048x16xf32>
    %max3A_58 = arith.maximumf %add3A_56, %max3A_57 : vector<2048x16xf32>
    %broadcast_in_dim3A_59 = arith.constant 0.000000e+00 : f32
    %broadcast_in_dim3A_60 = vector.broadcast %broadcast_in_dim3A_59 : f32 to vector<2048x8xf32>
    %slice3A_61 = vector.extract_strided_slice %max3A_58 {offsets = [0, 0], sizes = [2048, 1], strides = [1, 1]} : vector<2048x16xf32> to vector<2048x1xf32>
    %get3A_62 = arith.constant 0 : index
    %get3A_63 = arith.constant 0 : index
    %get3A_64 = vector.load %arg6[%get3A_62, %get3A_63] : memref<16x8xf32, #tpu.memory_space<vmem>>, vector<1x8xf32>
    %mul3A_65 = vector.broadcast %slice3A_61 : vector<2048x1xf32> to vector<2048x8xf32>
    %mul3A_66 = vector.broadcast %get3A_64 : vector<1x8xf32> to vector<2048x8xf32>
    %mul3A_67 = arith.mulf %mul3A_65, %mul3A_66 : vector<2048x8xf32>
    %add3A_68 = arith.addf %broadcast_in_dim3A_60, %mul3A_67 : vector<2048x8xf32>
    %slice3A_69 = vector.extract_strided_slice %max3A_58 {offsets = [0, 1], sizes = [2048, 1], strides = [1, 1]} : vector<2048x16xf32> to vector<2048x1xf32>
    %get3A_70 = arith.constant 1 : index
    %get3A_71 = arith.constant 0 : index
    %get3A_72 = vector.load %arg6[%get3A_70, %get3A_71] : memref<16x8xf32, #tpu.memory_space<vmem>>, vector<1x8xf32>
    %mul3A_73 = vector.broadcast %slice3A_69 : vector<2048x1xf32> to vector<2048x8xf32>
    %mul3A_74 = vector.broadcast %get3A_72 : vector<1x8xf32> to vector<2048x8xf32>
    %mul3A_75 = arith.mulf %mul3A_73, %mul3A_74 : vector<2048x8xf32>
    %add3A_76 = arith.addf %add3A_68, %mul3A_75 : vector<2048x8xf32>
    %slice3A_77 = vector.extract_strided_slice %max3A_58 {offsets = [0, 2], sizes = [2048, 1], strides = [1, 1]} : vector<2048x16xf32> to vector<2048x1xf32>
    %get3A_78 = arith.constant 2 : index
    %get3A_79 = arith.constant 0 : index
    %get3A_80 = vector.load %arg6[%get3A_78, %get3A_79] : memref<16x8xf32, #tpu.memory_space<vmem>>, vector<1x8xf32>
    %mul3A_81 = vector.broadcast %slice3A_77 : vector<2048x1xf32> to vector<2048x8xf32>
    %mul3A_82 = vector.broadcast %get3A_80 : vector<1x8xf32> to vector<2048x8xf32>
    %mul3A_83 = arith.mulf %mul3A_81, %mul3A_82 : vector<2048x8xf32>
    %add3A_84 = arith.addf %add3A_76, %mul3A_83 : vector<2048x8xf32>
    %slice3A_85 = vector.extract_strided_slice %max3A_58 {offsets = [0, 3], sizes = [2048, 1], strides = [1, 1]} : vector<2048x16xf32> to vector<2048x1xf32>
    %get3A_86 = arith.constant 3 : index
    %get3A_87 = arith.constant 0 : index
    %get3A_88 = vector.load %arg6[%get3A_86, %get3A_87] : memref<16x8xf32, #tpu.memory_space<vmem>>, vector<1x8xf32>
    %mul3A_89 = vector.broadcast %slice3A_85 : vector<2048x1xf32> to vector<2048x8xf32>
    %mul3A_90 = vector.broadcast %get3A_88 : vector<1x8xf32> to vector<2048x8xf32>
    %mul3A_91 = arith.mulf %mul3A_89, %mul3A_90 : vector<2048x8xf32>
    %add3A_92 = arith.addf %add3A_84, %mul3A_91 : vector<2048x8xf32>
    %slice3A_93 = vector.extract_strided_slice %max3A_58 {offsets = [0, 4], sizes = [2048, 1], strides = [1, 1]} : vector<2048x16xf32> to vector<2048x1xf32>
    %get3A_94 = arith.constant 4 : index
    %get3A_95 = arith.constant 0 : index
    %get3A_96 = vector.load %arg6[%get3A_94, %get3A_95] : memref<16x8xf32, #tpu.memory_space<vmem>>, vector<1x8xf32>
    %mul3A_97 = vector.broadcast %slice3A_93 : vector<2048x1xf32> to vector<2048x8xf32>
    %mul3A_98 = vector.broadcast %get3A_96 : vector<1x8xf32> to vector<2048x8xf32>
    %mul3A_99 = arith.mulf %mul3A_97, %mul3A_98 : vector<2048x8xf32>
    %add3A_100 = arith.addf %add3A_92, %mul3A_99 : vector<2048x8xf32>
    %slice3A_101 = vector.extract_strided_slice %max3A_58 {offsets = [0, 5], sizes = [2048, 1], strides = [1, 1]} : vector<2048x16xf32> to vector<2048x1xf32>
    %get3A_102 = arith.constant 5 : index
    %get3A_103 = arith.constant 0 : index
    %get3A_104 = vector.load %arg6[%get3A_102, %get3A_103] : memref<16x8xf32, #tpu.memory_space<vmem>>, vector<1x8xf32>
    %mul3A_105 = vector.broadcast %slice3A_101 : vector<2048x1xf32> to vector<2048x8xf32>
    %mul3A_106 = vector.broadcast %get3A_104 : vector<1x8xf32> to vector<2048x8xf32>
    %mul3A_107 = arith.mulf %mul3A_105, %mul3A_106 : vector<2048x8xf32>
    %add3A_108 = arith.addf %add3A_100, %mul3A_107 : vector<2048x8xf32>
    %slice3A_109 = vector.extract_strided_slice %max3A_58 {offsets = [0, 6], sizes = [2048, 1], strides = [1, 1]} : vector<2048x16xf32> to vector<2048x1xf32>
    %get3A_110 = arith.constant 6 : index
    %get3A_111 = arith.constant 0 : index
    %get3A_112 = vector.load %arg6[%get3A_110, %get3A_111] : memref<16x8xf32, #tpu.memory_space<vmem>>, vector<1x8xf32>
    %mul3A_113 = vector.broadcast %slice3A_109 : vector<2048x1xf32> to vector<2048x8xf32>
    %mul3A_114 = vector.broadcast %get3A_112 : vector<1x8xf32> to vector<2048x8xf32>
    %mul3A_115 = arith.mulf %mul3A_113, %mul3A_114 : vector<2048x8xf32>
    %add3A_116 = arith.addf %add3A_108, %mul3A_115 : vector<2048x8xf32>
    %slice3A_117 = vector.extract_strided_slice %max3A_58 {offsets = [0, 7], sizes = [2048, 1], strides = [1, 1]} : vector<2048x16xf32> to vector<2048x1xf32>
    %get3A_118 = arith.constant 7 : index
    %get3A_119 = arith.constant 0 : index
    %get3A_120 = vector.load %arg6[%get3A_118, %get3A_119] : memref<16x8xf32, #tpu.memory_space<vmem>>, vector<1x8xf32>
    %mul3A_121 = vector.broadcast %slice3A_117 : vector<2048x1xf32> to vector<2048x8xf32>
    %mul3A_122 = vector.broadcast %get3A_120 : vector<1x8xf32> to vector<2048x8xf32>
    %mul3A_123 = arith.mulf %mul3A_121, %mul3A_122 : vector<2048x8xf32>
    %add3A_124 = arith.addf %add3A_116, %mul3A_123 : vector<2048x8xf32>
    %slice3A_125 = vector.extract_strided_slice %max3A_58 {offsets = [0, 8], sizes = [2048, 1], strides = [1, 1]} : vector<2048x16xf32> to vector<2048x1xf32>
    %get3A_126 = arith.constant 8 : index
    %get3A_127 = arith.constant 0 : index
    %get3A_128 = vector.load %arg6[%get3A_126, %get3A_127] : memref<16x8xf32, #tpu.memory_space<vmem>>, vector<1x8xf32>
    %mul3A_129 = vector.broadcast %slice3A_125 : vector<2048x1xf32> to vector<2048x8xf32>
    %mul3A_130 = vector.broadcast %get3A_128 : vector<1x8xf32> to vector<2048x8xf32>
    %mul3A_131 = arith.mulf %mul3A_129, %mul3A_130 : vector<2048x8xf32>
    %add3A_132 = arith.addf %add3A_124, %mul3A_131 : vector<2048x8xf32>
    %slice3A_133 = vector.extract_strided_slice %max3A_58 {offsets = [0, 9], sizes = [2048, 1], strides = [1, 1]} : vector<2048x16xf32> to vector<2048x1xf32>
    %get3A_134 = arith.constant 9 : index
    %get3A_135 = arith.constant 0 : index
    %get3A_136 = vector.load %arg6[%get3A_134, %get3A_135] : memref<16x8xf32, #tpu.memory_space<vmem>>, vector<1x8xf32>
    %mul3A_137 = vector.broadcast %slice3A_133 : vector<2048x1xf32> to vector<2048x8xf32>
    %mul3A_138 = vector.broadcast %get3A_136 : vector<1x8xf32> to vector<2048x8xf32>
    %mul3A_139 = arith.mulf %mul3A_137, %mul3A_138 : vector<2048x8xf32>
    %add3A_140 = arith.addf %add3A_132, %mul3A_139 : vector<2048x8xf32>
    %slice3A_141 = vector.extract_strided_slice %max3A_58 {offsets = [0, 10], sizes = [2048, 1], strides = [1, 1]} : vector<2048x16xf32> to vector<2048x1xf32>
    %get3A_142 = arith.constant 10 : index
    %get3A_143 = arith.constant 0 : index
    %get3A_144 = vector.load %arg6[%get3A_142, %get3A_143] : memref<16x8xf32, #tpu.memory_space<vmem>>, vector<1x8xf32>
    %mul3A_145 = vector.broadcast %slice3A_141 : vector<2048x1xf32> to vector<2048x8xf32>
    %mul3A_146 = vector.broadcast %get3A_144 : vector<1x8xf32> to vector<2048x8xf32>
    %mul3A_147 = arith.mulf %mul3A_145, %mul3A_146 : vector<2048x8xf32>
    %add3A_148 = arith.addf %add3A_140, %mul3A_147 : vector<2048x8xf32>
    %slice3A_149 = vector.extract_strided_slice %max3A_58 {offsets = [0, 11], sizes = [2048, 1], strides = [1, 1]} : vector<2048x16xf32> to vector<2048x1xf32>
    %get3A_150 = arith.constant 11 : index
    %get3A_151 = arith.constant 0 : index
    %get3A_152 = vector.load %arg6[%get3A_150, %get3A_151] : memref<16x8xf32, #tpu.memory_space<vmem>>, vector<1x8xf32>
    %mul3A_153 = vector.broadcast %slice3A_149 : vector<2048x1xf32> to vector<2048x8xf32>
    %mul3A_154 = vector.broadcast %get3A_152 : vector<1x8xf32> to vector<2048x8xf32>
    %mul3A_155 = arith.mulf %mul3A_153, %mul3A_154 : vector<2048x8xf32>
    %add3A_156 = arith.addf %add3A_148, %mul3A_155 : vector<2048x8xf32>
    %slice3A_157 = vector.extract_strided_slice %max3A_58 {offsets = [0, 12], sizes = [2048, 1], strides = [1, 1]} : vector<2048x16xf32> to vector<2048x1xf32>
    %get3A_158 = arith.constant 12 : index
    %get3A_159 = arith.constant 0 : index
    %get3A_160 = vector.load %arg6[%get3A_158, %get3A_159] : memref<16x8xf32, #tpu.memory_space<vmem>>, vector<1x8xf32>
    %mul3A_161 = vector.broadcast %slice3A_157 : vector<2048x1xf32> to vector<2048x8xf32>
    %mul3A_162 = vector.broadcast %get3A_160 : vector<1x8xf32> to vector<2048x8xf32>
    %mul3A_163 = arith.mulf %mul3A_161, %mul3A_162 : vector<2048x8xf32>
    %add3A_164 = arith.addf %add3A_156, %mul3A_163 : vector<2048x8xf32>
    %slice3A_165 = vector.extract_strided_slice %max3A_58 {offsets = [0, 13], sizes = [2048, 1], strides = [1, 1]} : vector<2048x16xf32> to vector<2048x1xf32>
    %get3A_166 = arith.constant 13 : index
    %get3A_167 = arith.constant 0 : index
    %get3A_168 = vector.load %arg6[%get3A_166, %get3A_167] : memref<16x8xf32, #tpu.memory_space<vmem>>, vector<1x8xf32>
    %mul3A_169 = vector.broadcast %slice3A_165 : vector<2048x1xf32> to vector<2048x8xf32>
    %mul3A_170 = vector.broadcast %get3A_168 : vector<1x8xf32> to vector<2048x8xf32>
    %mul3A_171 = arith.mulf %mul3A_169, %mul3A_170 : vector<2048x8xf32>
    %add3A_172 = arith.addf %add3A_164, %mul3A_171 : vector<2048x8xf32>
    %slice3A_173 = vector.extract_strided_slice %max3A_58 {offsets = [0, 14], sizes = [2048, 1], strides = [1, 1]} : vector<2048x16xf32> to vector<2048x1xf32>
    %get3A_174 = arith.constant 14 : index
    %get3A_175 = arith.constant 0 : index
    %get3A_176 = vector.load %arg6[%get3A_174, %get3A_175] : memref<16x8xf32, #tpu.memory_space<vmem>>, vector<1x8xf32>
    %mul3A_177 = vector.broadcast %slice3A_173 : vector<2048x1xf32> to vector<2048x8xf32>
    %mul3A_178 = vector.broadcast %get3A_176 : vector<1x8xf32> to vector<2048x8xf32>
    %mul3A_179 = arith.mulf %mul3A_177, %mul3A_178 : vector<2048x8xf32>
    %add3A_180 = arith.addf %add3A_172, %mul3A_179 : vector<2048x8xf32>
    %slice3A_181 = vector.extract_strided_slice %max3A_58 {offsets = [0, 15], sizes = [2048, 1], strides = [1, 1]} : vector<2048x16xf32> to vector<2048x1xf32>
    %get3A_182 = arith.constant 15 : index
    %get3A_183 = arith.constant 0 : index
    %get3A_184 = vector.load %arg6[%get3A_182, %get3A_183] : memref<16x8xf32, #tpu.memory_space<vmem>>, vector<1x8xf32>
    %mul3A_185 = vector.broadcast %slice3A_181 : vector<2048x1xf32> to vector<2048x8xf32>
    %mul3A_186 = vector.broadcast %get3A_184 : vector<1x8xf32> to vector<2048x8xf32>
    %mul3A_187 = arith.mulf %mul3A_185, %mul3A_186 : vector<2048x8xf32>
    %add3A_188 = arith.addf %add3A_180, %mul3A_187 : vector<2048x8xf32>
    %mul3A_189 = vector.broadcast %get3A_1 : vector<2048x1xf32> to vector<2048x8xf32>
    %mul3A_190 = arith.mulf %add3A_188, %mul3A_189 : vector<2048x8xf32>
    %swap3A = arith.constant 0 : index
    %swap3A_191 = arith.constant 0 : index
    %swap3A_192 = vector.load %arg7[%swap3A, %swap3A_191] : memref<2048x8xf32, #tpu.memory_space<vmem>>, vector<2048x8xf32>
    tpu.vector_store %arg7[%swap3A, %swap3A_191], %mul3A_190 {strides = array<i32>} : memref<2048x8xf32, #tpu.memory_space<vmem>>, vector<2048x8xf32>,
    return
  }
  func.func @transform_0(%arg0: i32) -> (i32, i32, i32) {
    %c0_i32 = arith.constant 0 : i32
    %c0_i32_0 = arith.constant 0 : i32
    %c0_i32_1 = arith.constant 0 : i32
    return %c0_i32, %arg0, %c0_i32_0 : i32, i32, i32
  }
  func.func @transform_1(%arg0: i32) -> (i32, i32) {
    %c0_i32 = arith.constant 0 : i32
    %c0_i32_0 = arith.constant 0 : i32
    return %arg0, %c0_i32 : i32, i32
  }
  func.func @transform_2(%arg0: i32) -> (i32, i32) {
    %c0_i32 = arith.constant 0 : i32
    %c0_i32_0 = arith.constant 0 : i32
    return %arg0, %c0_i32 : i32, i32
  }
  func.func @transform_3(%arg0: i32) -> (i32, i32) {
    %c0_i32 = arith.constant 0 : i32
    %c0_i32_0 = arith.constant 0 : i32
    %c0_i32_1 = arith.constant 0 : i32
    return %c0_i32, %c0_i32_0 : i32, i32
  }
  func.func @transform_4(%arg0: i32) -> (i32, i32) {
    %c0_i32 = arith.constant 0 : i32
    %c0_i32_0 = arith.constant 0 : i32
    %c0_i32_1 = arith.constant 0 : i32
    return %c0_i32, %c0_i32_0 : i32, i32
  }
  func.func @transform_5(%arg0: i32) -> (i32, i32) {
    %c0_i32 = arith.constant 0 : i32
    %c0_i32_0 = arith.constant 0 : i32
    %c0_i32_1 = arith.constant 0 : i32
    return %c0_i32, %c0_i32_0 : i32, i32
  }
  func.func @transform_6(%arg0: i32) -> (i32, i32) {
    %c0_i32 = arith.constant 0 : i32
    %c0_i32_0 = arith.constant 0 : i32
    return %arg0, %c0_i32 : i32, i32
  }
}

module attributes {stable_mosaic.version = 14 : i64} {
  func.func @_tc3_body(%arg0: i32, %arg1: memref<2x2048x8xf32, #tpu.memory_space<vmem>>, %arg2: memref<2048x1xf32, #tpu.memory_space<vmem>>, %arg3: memref<2048x8xf32, #tpu.memory_space<vmem>>, %arg4: memref<1x4xf32, #tpu.memory_space<vmem>>, %arg5: memref<2048x4xf32, #tpu.memory_space<vmem>>) attributes {dimension_semantics = [#tpu.dimension_semantics<arbitrary>], iteration_bounds = array<i64: 49>, scalar_prefetch = 0 : i64, scratch_operands = 0 : i64, tpu.core_type = #tpu.core_type<tc>, window_params = [{transform_indices = @transform_0, window_bounds = array<i64: 2, 2048, 8>}, {transform_indices = @transform_1, window_bounds = array<i64: 2048, 1>}, {transform_indices = @transform_2, window_bounds = array<i64: 2048, 8>}, {pipeline_mode = #tpu.pipeline_mode<synchronous>, transform_indices = @transform_3, window_bounds = array<i64: 1, 4>}, {transform_indices = @transform_4, window_bounds = array<i64: 2048, 4>}]} {
    %get3A = arith.constant 0 : index
    %get3A_0 = arith.constant 0 : index
    %get3A_1 = vector.load %arg2[%get3A, %get3A_0] : memref<2048x1xf32, #tpu.memory_space<vmem>>, vector<2048x1xf32>
    %get3A_2 = arith.constant 0 : index
    %get3A_3 = arith.constant 0 : index
    %get3A_4 = arith.constant 0 : index
    %get3A_5 = vector.load %arg1[%get3A_2, %get3A_3, %get3A_4] : memref<2x2048x8xf32, #tpu.memory_space<vmem>>, vector<1x2048x4xf32>
    %get3A_6 = vector.shape_cast %get3A_5 : vector<1x2048x4xf32> to vector<2048x4xf32>
    %get3A_7 = arith.constant 1 : index
    %get3A_8 = arith.constant 0 : index
    %get3A_9 = arith.constant 0 : index
    %get3A_10 = vector.load %arg1[%get3A_7, %get3A_8, %get3A_9] : memref<2x2048x8xf32, #tpu.memory_space<vmem>>, vector<1x2048x4xf32>
    %get3A_11 = vector.shape_cast %get3A_10 : vector<1x2048x4xf32> to vector<2048x4xf32>
    %add3A = arith.addf %get3A_6, %get3A_11 : vector<2048x4xf32>
    %mul3A = vector.broadcast %get3A_1 : vector<2048x1xf32> to vector<2048x4xf32>
    %mul3A_12 = arith.mulf %add3A, %mul3A : vector<2048x4xf32>
    %get3A_13 = arith.constant 0 : index
    %get3A_14 = arith.constant 0 : index
    %get3A_15 = vector.load %arg3[%get3A_13, %get3A_14] : memref<2048x8xf32, #tpu.memory_space<vmem>>, vector<2048x4xf32>
    %mul3A_16 = vector.broadcast %get3A_1 : vector<2048x1xf32> to vector<2048x4xf32>
    %mul3A_17 = arith.mulf %get3A_15, %mul3A_16 : vector<2048x4xf32>
    %add3A_18 = arith.addf %mul3A_12, %mul3A_17 : vector<2048x4xf32>
    %get3A_19 = arith.constant 0 : index
    %get3A_20 = arith.constant 0 : index
    %get3A_21 = vector.load %arg4[%get3A_19, %get3A_20] : memref<1x4xf32, #tpu.memory_space<vmem>>, vector<1x4xf32>
    %add3A_22 = vector.broadcast %get3A_21 : vector<1x4xf32> to vector<2048x4xf32>
    %add3A_23 = arith.addf %add3A_18, %add3A_22 : vector<2048x4xf32>
    %swap3A = arith.constant 0 : index
    %swap3A_24 = arith.constant 0 : index
    %swap3A_25 = vector.load %arg5[%swap3A, %swap3A_24] : memref<2048x4xf32, #tpu.memory_space<vmem>>, vector<2048x4xf32>
    tpu.vector_store %arg5[%swap3A, %swap3A_24], %add3A_23 {strides = array<i32>} : memref<2048x4xf32, #tpu.memory_space<vmem>>, vector<2048x4xf32>,
    return
  }
  func.func @transform_0(%arg0: i32) -> (i32, i32, i32) {
    %c0_i32 = arith.constant 0 : i32
    %c0_i32_0 = arith.constant 0 : i32
    %c0_i32_1 = arith.constant 0 : i32
    return %c0_i32, %arg0, %c0_i32_0 : i32, i32, i32
  }
  func.func @transform_1(%arg0: i32) -> (i32, i32) {
    %c0_i32 = arith.constant 0 : i32
    %c0_i32_0 = arith.constant 0 : i32
    return %arg0, %c0_i32 : i32, i32
  }
  func.func @transform_2(%arg0: i32) -> (i32, i32) {
    %c0_i32 = arith.constant 0 : i32
    %c0_i32_0 = arith.constant 0 : i32
    return %arg0, %c0_i32 : i32, i32
  }
  func.func @transform_3(%arg0: i32) -> (i32, i32) {
    %c0_i32 = arith.constant 0 : i32
    %c0_i32_0 = arith.constant 0 : i32
    %c0_i32_1 = arith.constant 0 : i32
    return %c0_i32, %c0_i32_0 : i32, i32
  }
  func.func @transform_4(%arg0: i32) -> (i32, i32) {
    %c0_i32 = arith.constant 0 : i32
    %c0_i32_0 = arith.constant 0 : i32
    return %arg0, %c0_i32 : i32, i32
  }
}

</mosaic_0001>

<sc_bundles>
// kernel: kernel.11.cloned.1.call-start
scs
__scs_entry_jumppad:
0x0: {  	(pc) =	sbr.rel $0x88, $3  }
0x1: {  	(tag) =	ssettag $0x0;
	lr =	simm.s32 $0x1  }
0x2: {  	[smem:$0x3F9A] =	sst lr;
	_ =	strace $0xD0000000  }
0x3: {  	_ = 	snop  }
0x4: {  	_ = 	snop  }
0x5: {  	_ = 	snop  }
0x6: {  	_ = 	snop  }
0x7: {  	_ = 	snop  }
__scs_overlays_trampoline_lowered:
0x8: {  	[smem:$0x3FA9] =	sst s0  }
0x9: {  	[smem:$0x3FAA] =	sst s1  }
0xa: {  	[smem:$0x3FAB] =	sst s2  }
0xb: {  	[smem:$0x3FAC] =	sst s3  }
0xc: {  	[smem:$0x3FAD] =	sst s4  }
0xd: {  	[smem:$0x3FAE] =	sst s5  }
0xe: {  	[smem:$0x3FAF] =	sst s6  }
0xf: {  	[smem:$0x3FB0] =	sst s7  }
0x10: {  	[smem:$0x3FB1] =	sst s8  }
0x11: {  	[smem:$0x3FB2] =	sst s9;
	s0 =	simm.s32 @!p0 $0x0  }
0x12: {  	s1 =	sld [smem:$0x3F98];
	s0 =	simm.s32 @p0 $0x1  }
0x13: {  	[smem:$0x3FB3] =	sst s0;
	s0 =	simm.s32 @!p1 $0x0  }
0x14: {  	s2 =	sld [smem:$0x3F97];
	s0 =	simm.s32 @p1 $0x1  }
0x15: {  	[smem:$0x3FB4] =	sst s0;
	s0 =	simm.s32 @!p2 $0x0  }
0x16: {  	s3 =	sld [smem:$0x3FDB];
	s0 =	simm.s32 @p2 $0x1  }
0x17: {  	s4 =	simm.s32 $0x1BF5;
	[smem:$0x3FB6] =	sst s0  }
0x18: {  	s0 =	sld [smem:$0x3F99];
	_ =	swait.ge [sflag:s4], $0x0  }
0x19: {  	s7 =	sld [smem:$0x3F9A]  }
0x1a: {  	s8 =	sadd.s32 $0xFFFFE003, lr  }
0x1b: {  	s9 =	sadd.s32 $0xFFFFFEF7, lr;
	s5 =	simm.s32 $0xFFFFFFFF;
	p2 =	slt.u32 s8, $0xFFFFF086  }
0x1c: {  	p1 =	slt.u32 s9, $0xF7A;
	s5 =	simm.s32 @!p2 $0x0  }
0x1d: {  	s5 =	simm.s32 @p1 $0x1;
	p0 =	seq.s32 s7, s2  }
0x1e: {  	s7 =	smul.u32 @!p0 $0xF7A, s2;
	p2 =	seq.s32 @!p0 s5, $0x0  }
0x1f: {  	s9 =	smul.u32 $0xF7A, s1;
	s8 =	simm.s32 @!p0 $0x1BF5;
	p2 =	por !p2, p0  }
0x20: {  	[sflag:s8] =	ssyncset.s32 @!p0 $0xFFFFF086;
	s6 =	sadd.s32 @!p0 s3, s7;
	s7 =	simm.s32 @!p0 $0x108  }
0x21: {  	s3 =	sadd.s32 s3, s9;
	s6 =	sadd.s32 @!p0 $0x88, s6;
	s7 =	simm.s32 @p2 $0x1082  }
0x22: {  	[simem:s7], [sflag:s8] =	dma.local @!p0 [hbm:s6], $0xF7A  }
0x23: {  	s9 =	sor.u32 $0xD0000000, s2;
	s6 =	simm.s32 $0x108;
	_ =	swait.ge @!p0 [sflag:s8], $0x0  }
0x24: {  	s3 =	sadd.s32 $0x88, s3;
	s6 =	simm.s32 @!p1 $0x1082;
	[sflag:s4] =	ssyncset.s32 $0xFFFFF086  }
0x25: {  	[simem:s6], [sflag:s4] =	dma.local [hbm:s3], $0xF7A  }
0x26: {  	[smem:$0x3F9A] =	sst s1;
	(tag) =	ssettag s2;
	_ =	strace s9  }
0x27: {  	s1 =	sld [smem:$0x3FAA]  }
0x28: {  	s2 =	sld [smem:$0x3FAB]  }
0x29: {  	s4 =	sld [smem:$0x3FAD]  }
0x2a: {  	p0 =	seq.s32 s5, $0x0;
	s5 =	sld [smem:$0x3FAE]  }
0x2b: {  	s6 =	sld [smem:$0x3FAF]  }
0x2c: {  	s7 =	sld [smem:$0x3FB0]  }
0x2d: {  	s3 =	simm.s32 $0x108;
	s8 =	sld [smem:$0x3FB1]  }
0x2e: {  	s3 =	simm.s32 @!p0 $0x1082;
	s9 =	sld [smem:$0x3FB2]  }
0x2f: {  	lr =	sadd.s32 s0, s3;
	s0 =	sld [smem:$0x3FA9]  }
0x30: {  	s3 =	sld [smem:$0x3FAC]  }
0x31: {  	[smem:$0x3FB5] =	sst s10  }
0x32: {  	s10 =	sld [smem:$0x3FB3];
	_ =	sdelay $0x3  }
0x33: {  	p0 =	seq.s32 s10, $0x1;
	s10 =	sld [smem:$0x3FB5];
	_ =	sdelay $0x3  }
0x34: {  	[smem:$0x3FB5] =	sst s10  }
0x35: {  	s10 =	sld [smem:$0x3FB4];
	_ =	sdelay $0x3  }
0x36: {  	p1 =	seq.s32 s10, $0x1;
	s10 =	sld [smem:$0x3FB5];
	_ =	sdelay $0x3  }
0x37: {  	[smem:$0x3FB5] =	sst s10  }
0x38: {  	s10 =	sld [smem:$0x3FB6]  }
0x39: {  	_ = 	snop;
	(pc) =	sbr.ind lr, $3  }
0x3a: {  	_ = 	snop  }
0x3b: {  	_ = 	snop  }
0x3c: {  	p2 =	seq.s32 s10, $0x1;
	s10 =	sld [smem:$0x3FB5]  }
0x3d: {  	_ =	shalt  }
0x3e: {  	_ =	shalt  }
0x3f: {  	_ =	shalt  }
0x40: {  	_ =	shalt  }
0x41: {  	_ =	shalt  }
0x42: {  	_ =	shalt  }
0x43: {  	_ =	shalt  }
0x44: {  	_ =	shalt  }
0x45: {  	_ =	shalt  }
0x46: {  	_ =	shalt  }
0x47: {  	_ =	shalt  }
0x48: {  	_ =	shalt  }
0x49: {  	_ =	shalt  }
0x4a: {  	_ =	shalt  }
0x4b: {  	_ =	shalt  }
0x4c: {  	_ =	shalt  }
0x4d: {  	_ =	shalt  }
0x4e: {  	_ =	shalt  }
0x4f: {  	_ =	shalt  }
0x50: {  	_ =	shalt  }
0x51: {  	_ =	shalt  }
0x52: {  	_ =	shalt  }
0x53: {  	_ =	shalt  }
0x54: {  	_ =	shalt  }
0x55: {  	_ =	shalt  }
0x56: {  	_ =	shalt  }
0x57: {  	_ =	shalt  }
0x58: {  	_ =	shalt  }
0x59: {  	_ =	shalt  }
0x5a: {  	_ =	shalt  }
0x5b: {  	_ =	shalt  }
0x5c: {  	_ =	shalt  }
0x5d: {  	_ =	shalt  }
0x5e: {  	_ =	shalt  }
0x5f: {  	_ =	shalt  }
0x60: {  	_ =	shalt  }
0x61: {  	_ =	shalt  }
0x62: {  	_ =	shalt  }
0x63: {  	_ =	shalt  }
0x64: {  	_ =	shalt  }
0x65: {  	_ =	shalt  }
0x66: {  	_ =	shalt  }
0x67: {  	_ =	shalt  }
0x68: {  	_ =	shalt  }
0x69: {  	_ =	shalt  }
0x6a: {  	_ =	shalt  }
0x6b: {  	_ =	shalt  }
0x6c: {  	_ =	shalt  }
0x6d: {  	_ =	shalt  }
0x6e: {  	_ =	shalt  }
0x6f: {  	_ =	shalt  }
0x70: {  	_ =	shalt  }
0x71: {  	_ =	shalt  }
0x72: {  	_ =	shalt  }
0x73: {  	_ =	shalt  }
0x74: {  	_ =	shalt  }
0x75: {  	_ =	shalt  }
0x76: {  	_ =	shalt  }
0x77: {  	_ =	shalt  }
0x78: {  	_ =	shalt  }
0x79: {  	_ =	shalt  }
0x7a: {  	_ =	shalt  }
0x7b: {  	_ =	shalt  }
0x7c: {  	_ =	shalt  }
0x7d: {  	_ =	shalt  }
0x7e: {  	_ =	shalt  }
0x7f: {  	_ =	shalt  }
0x80: {  	_ =	shalt  }
0x81: {  	_ =	shalt  }
0x82: {  	_ =	shalt  }
0x83: {  	_ =	shalt  }
0x84: {  	_ =	shalt  }
0x85: {  	_ =	shalt  }
0x86: {  	_ =	shalt  }
0x87: {  	_ =	shalt  }
.Lfunc_end0:
.L_simem_size_0:
called_computation.1_lowered:
.L_overlay_start_0:
0x88: {  	s2 =	sld [smem:$0x3FD9]  }
0x89: {  	s3 =	sld [smem:$0x3FFE];
	_ =	sdelay $0x1  }
0x8a: {  	s1 =	srdreg.scid  }
0x8b: {  	s0 =	sand.u32 $0x1, s1  }
0x8c: {  	s17 =	sshll.u32 s0, $0xA;
	s2 =	sadd.s32 s3, s2  }
0x8d: {  	s2 =	sadd.s32 s2, s17  }
0x8e: {  	[smem:$0x3FC1] =	sst s2  }
0x8f: {  	_ = 	snop  }
0x90: {  	s2 =	sld [smem:$0x3FC7];
	(tm) =	ssettm $0x1  }
0x91: {  	s18 =	sld [smem:$0x3FFB];
	_ =	sdelay $0x3  }
0x92: {  	_ =	strace s18  }
0x93: {  	s3 =	sld [smem:$0x3FFC];
	_ =	sdelay $0x3  }
0x94: {  	_ =	strace s3  }
0x95: {  	s3 =	sld [smem:$0x3FFD];
	_ =	sdelay $0x3  }
0x96: {  	_ =	strace s3  }
0x97: {  	_ =	strace $0x8FFFFFFF  }
0x98: {  	s19 =	sld [smem:$0x3FDB];
	_ =	sdelay $0x1  }
0x99: {  	s4 =	simm.s32 $_scs_section_size  }
0x9a: {  	s5 =	simm.s32 $_size__tile_overlayer_lowered;
	s6 =	simm.s32 $_tile_overlayer_lowered  }
0x9b: {  	s22 =	simm.s32 $0x1BFF;
	s21 =	sshll.u32 s6, $0x1;
	s3 =	sadd.s32 s4, s19  }
0x9c: {  	s7 =	simm.s32 $0x0;
	s20 =	sshll.u32 s5, $0x1;
	s5 =	sadd.s32 s21, s3  }
0x9d: {  	[timem:s7], [sflag:s22] =	dma.local [hbm:s5], s20  }
0x9e: {  	_ =	swait.ge [sflag:s22], s20  }
0x9f: {  	s4 =	ssub.s32 $0x0, s20;
	[sflag:s22] =	ssyncset.done $0x0  }
0xa0: {  	[sflag:s22] =	ssyncadd.s32 s4;
	_ =	sdelay $0x1  }
0xa1: {  	s23 =	simm.s32 $0x1B8B  }
0xa2: {  	_ =	swait.ge [sflag:s23], $0x1  }
0xa3: {  	[sflag:s23] =	ssyncset.done $0x0  }
0xa4: {  	s25 =	simm.s32 $0x1B8E;
	s24 =	sld [smem:$0x3FFE];
	[sflag:s23] =	ssyncadd.s32 $0xFFFFFFFF  }
0xa5: {  	s26 =	simm.s32 $execute0_lowered;
	[smem:$0x3FD2] =	sst s25  }
0xa6: {  	s5 =	sshll.u32 s26, $0x1;
	_ =	strace $0x80000049;
	[dreg:$0x1] =	wrdreg $0xFFFFFFFF  }
0xa7: {  	s28 =	simm.s32 $_size_execute0_lowered;
	s3 =	sadd.s32 s3, s5;
	[dreg:$0x0] =	wrdreg $0x0  }
0xa8: {  	s5 =	sshll.u32 s28, $0x1;
	[dreg:$0x2] =	wrdreg s3  }
0xa9: {  	[dreg:$0x3] =	wrdreg s5  }
0xaa: {  	[dreg:$0x4] =	wrdreg $0xC0  }
0xab: {  	_ =	task [dreg:s7], $0x5FFFF  }
0xac: {  	[dreg:$0x1] =	wrdreg $0xFFFFFFFF  }
0xad: {  	[dreg:$0x0] =	wrdreg $0x60  }
0xae: {  	[dreg:$0x2] =	wrdreg s24  }
0xaf: {  	[dreg:$0x3] =	wrdreg s2  }
0xb0: {  	[dreg:$0x4] =	wrdreg $0x0  }
0xb1: {  	[dreg:$0x5] =	wrdreg $0xC4000  }
0xb2: {  	[dreg:$0x6] =	wrdreg $0x9  }
0xb3: {  	_ =	task.clear_ibuf [dreg:s7], $0x7FFFF;
	_ =	strace $0x90000049  }
0xb4: {  	s29 =	simm.s32 $0x9;
	_ =	strace $0x8000004B  }
0xb5: {  	_ =	swait.ge [sflag:s29], $0x1  }
0xb6: {  	[sflag:s29] =	ssyncadd.s32 $0xFFFFFFFF  }
0xb7: {  	_ =	strace $0x9000004B  }
0xb8: {  	_ =	sfence  }
0xb9: {  	s30 =	sld [smem:$0x0];
	_ =	sdelay $0x2  }
0xba: {  	s31 =	sshll.u32 s1, $0xD;
	s1 =	sshrl.u32 s1, $0x2  }
0xbb: {  	s3 =	sand.u32 $0x4000, s31;
	s1 =	sadd.s32 s1, s30  }
0xbc: {  	s0 =	sor.u32 s3, s0;
	s1 =	sshll.u32 s1, $0x11  }
0xbd: {  	s0 =	sor.u32 s1, s0  }
0xbe: {  	s0 =	sadd.s32 $0x8F2B, s0  }
0xbf: {  	[sflag:s0] =	ssyncadd.remote.s32 $0x1  }
0xc0: {  	_ =	sfence.sel $0xFFFF  }
0xc1: {  	[dreg:$0x0] =	wrdreg $0xFFFFFFFF;
	(pc) =	sbr.abs _section_cstart, $3  }
0xc2: {  	[dreg:$0x1] =	wrdreg $0xFFFFFFFF  }
0xc3: {  	_ =	task.clear_ibuf [dreg:s7], $0x2FFFF;
	_ =	strace $0x9FFFFFFF  }
0xc4: {  	(tm) =	ssettm $0x7FFFFFFF  }
0xc5: {  	_ =	shalt  }
tec
execute0_lowered:
.L_overlay_start_1:
0x0: {  	(tag) =	ssettag $0x1  }
0x1: {  	s0 =	rddreg [dreg:$0x0]  }
0x2: {  	s1 =	rddreg [dreg:$0x1]  }
0x3: {  	s3 =	rddreg [dreg:$0x2]  }
0x4: {  	s4 =	rddreg [dreg:$0x3]  }
0x5: {  	s12 =	stileid.u32;
	s2 =	srdreg.scid  }
0x6: {  	s5 =	simm.s32 $0x0;
	s28 =	simm.s32 $0x1B6E0;
	s29 =	simm.s32 $0x1BAC8  }
0x7: {  	v3 =	vimm.s32 $0x1F1B;
	s30 =	simm.s32 $0x1BEB0;
	s31 =	simm.s32 $0x1;
	s8 =	smul.u32 $0xC400, s12  }
0x8: {  	vm0 =	vcmask $0x300;
	v4 =	vimm.s32 $0x1F3B;
	vm1 =	vcmask $0x704;
	s2 =	sand.u32 $0x1, s2;
	[smem:$0x7FF] =	sst s5;
	s6 =	sadd.s32 $0x63600, s0  }
0x9: {  	vm15 =	vcmask $0xB08;
	vm4 =	vcmask $0xF0C;
	vm5 =	vcmask $0x1310;
	s7 =	sadd.s32 $0x1A00, s0;
	s20 =	sshll.u32 s12, $0x6;
	s9 =	smul.u32 $0xC4000, s2  }
0xa: {  	vm6 =	vcmask $0x1714;
	v3 =	vsel vm0, $0x1F00, v3;
	v4 =	vsel vm0, $0x1F20, v4;
	_ =	strace $0x8000004A;
	s11 =	ssub.s32 $0x2, s2;
	s2 =	sshll.u32 s2, $0x4  }
0xb: {  	vm7 =	vcmask $0x1B18;
	v3 =	vsel vm1, $0x1F01, v3;
	v4 =	vsel vm1, $0x1F21, v4;
	s10 =	sshrl.u32 s8, $0x3;
	s19 =	sshrl.u32 s11, $0x1;
	s2 =	sor.u32 s12, s2  }
0xc: {  	vm8 =	vcmask $0x1F1C;
	v3 =	vsel vm15, $0x1F02, v3;
	v4 =	vsel vm15, $0x1F22, v4;
	s21 =	sadd.s32 s8, s3;
	s10 =	sadd.s32 s10, s0;
	s9 =	sadd.s32 s8, s9  }
0xd: {  	vm9 =	vcmask $0x2320;
	v3 =	vsel vm4, $0x1F03, v3;
	v4 =	vsel vm4, $0x1F23, v4;
	s11 =	ssub.s32 s11, s19;
	s2 =	smul.u32 $0x186A0, s2;
	s8 =	sadd.s32 s8, s4  }
0xe: {  	vm10 =	vcmask $0x2724;
	s26 =	sshrl.u32 s21, $0x3;
	s19 =	simm.s32 $0x5;
	s9 =	sshrl.u32 s9, $0x3;
	v3 =	vsel vm5, $0x1F08, v3;
	v4 =	vsel vm5, $0x1F28, v4  }
0xf: {  	v1 =	vlaneseq.u32;
	s13 =	sadd.s32 $0x24D200, s10;
	s10 =	sadd.s32 $0x265A00, s10;
	[dreg:$0xc] =	wrdreg s26;
	v3 =	vsel vm6, $0x1F09, v3;
	v4 =	vsel vm6, $0x1F29, v4  }
0x10: {  	vm11 =	vcmask $0x2B28;
	s25 =	smax.u32 s11, $0x1;
	s26 =	simm.s32 $0x1B2F8;
	[dreg:$0x5] =	wrdreg s13;
	v3 =	vsel vm7, $0x1F0A, v3;
	v4 =	vsel vm7, $0x1F2A, v4  }
0x11: {  	vm12 =	vcmask $0x2F2C;
	s0 =	sadd.s32 s9, s0;
	s9 =	sor.u32 $0x1C05, s20;
	[dreg:$0x6] =	wrdreg s10;
	v3 =	vsel vm8, $0x1F0B, v3;
	v4 =	vsel vm8, $0x1F2B, v4  }
0x12: {  	vm13 =	vcmask $0x3330;
	s22 =	sshrl.u32 s2, $0x3;
	s14 =	sadd.s32 $0x3E8, s2;
	s15 =	sadd.s32 $0x7D0, s2;
	v3 =	vsel vm9, $0x1F10, v3;
	v4 =	vsel vm9, $0x1F30, v4  }
0x13: {  	vm14 =	vcmask $0x3734;
	[dreg:$0xb] =	wrdreg s25;
	s20 =	sshrl.u32 s8, $0x3;
	s23 =	sadd.s32 s6, s22;
	v3 =	vsel vm10, $0x1F11, v3;
	v4 =	vsel vm10, $0x1F31, v4  }
0x14: {  	v0 =	vshrl.u32 v1, $0x2;
	s25 =	simm.s32 $0x193B8;
	s24 =	sadd.s32 s7, s22;
	[dreg:$0x7] =	wrdreg s23;
	v3 =	vsel vm11, $0x1F12, v3;
	v4 =	vsel vm11, $0x1F32, v4  }
0x15: {  	v1 =	vand.u32 $0x3, v1;
	s2 =	simm.s32 $0x3;
	s10 =	sadd.s32 s1, s22;
	[dreg:$0x8] =	wrdreg s24;
	v3 =	vsel vm12, $0x1F13, v3;
	v4 =	vsel vm12, $0x1F33, v4  }
0x16: {  	v2 =	vor.u32 $0x3E0, v0;
	s8 =	simm.s32 $0x4;
	s0 =	sadd.s32 $0xC5200, s0;
	[dreg:$0x9] =	wrdreg s10;
	v3 =	vsel vm13, $0x1F18, v3;
	v4 =	vsel vm13, $0x1F38, v4  }
0x17: {  	vm15 =	vcmask $0x3B38;
	s22 =	simm.s32 $0x18BE8;
	[dreg:$0xa] =	wrdreg s0;
	s23 =	simm.s32 $0x18FD0;
	v3 =	vsel vm14, $0x1F19, v3;
	v5 =	vsel vm14, $0x1F39, v4  }
0x18: {  	s24 =	simm.s32 $0x3E8;
	s0 =	simm.s32 $0x2;
	s10 =	simm.s32 $0x0;
	v4 =	vor.u32 $0x3E4, v0;
	v3 =	vsel vm15, $0x1F1A, v3;
	v5 =	vsel vm15, $0x1F3A, v5  }
.LBB2_1:
0x19: {  	s11 =	rddreg [dreg:$0x5]  }
0x1a: {  	s12 =	rddreg [dreg:$0xc]  }
0x1b: {  	[spmem:s12], [sflag:s9] =	dma.local [hbm:s11], $0x1880  }
0x1c: {  	_ =	swait.ge [sflag:s19], $0x1880  }
0x1d: {  	[sflag:s19] =	ssyncset.done $0x0  }
0x1e: {  	s13 =	rddreg [dreg:$0x6];
	[sflag:s19] =	ssyncadd.s32 $0xFFFFE780  }
0x1f: {  	[spmem:s20], [sflag:s9] =	dma.local [hbm:s13], $0x1880  }
0x20: {  	_ =	swait.ge [sflag:s19], $0x1880  }
0x21: {  	[sflag:s19] =	ssyncset.done $0x0  }
0x22: {  	[sflag:s19] =	ssyncadd.s32 $0xFFFFE780  }
0x23: {  	[bflag:$0x0] =	sbarrier.arrive $0xFFFF  }
0x24: {  	s17 =	simm.s32 $0x18800;
	s16 =	rddreg [dreg:$0x7]  }
0x25: {  	[tilespmem:s17], [sflag:$0x5] =	stream.linear.gather [hbm4b:s16+s5], $0x3E8, $0x38;
	[tilespmem:$0x1DDF0] =	vst v63  }
0x26: {  	_ =	swait.ge [sflag:s19], $0x3E8  }
0x27: {  	[sflag:s19] =	ssyncset.done $0x0  }
0x28: {  	s18 =	rddreg [dreg:$0x8];
	[sflag:s19] =	ssyncadd.s32 $0xFFFFFC18  }
0x29: {  	[tilespmem:s22], [sflag:$0x5] =	stream.linear.gather [hbm4b:s18+s5], $0x3E8, $0x38;
	[tilespmem:$0x1DDF0] =	vst v63  }
0x2a: {  	_ =	swait.ge [sflag:s19], $0x3E8  }
0x2b: {  	[sflag:s19] =	ssyncset.done $0x0  }
0x2c: {  	s21 =	rddreg [dreg:$0x9];
	[sflag:s19] =	ssyncadd.s32 $0xFFFFFC18  }
0x2d: {  	[tilespmem:s23], [sflag:$0x5] =	stream.linear.gather [hbm4b:s21+s5], $0x3E8, $0x38;
	[tilespmem:$0x1DDF0] =	vst v63  }
0x2e: {  	_ =	swait.ge [sflag:s19], $0x3E8  }
0x2f: {  	[sflag:s19] =	ssyncset.done $0x0  }
0x30: {  	s11 =	simm.s32 $0x0;
	[sflag:s19] =	ssyncadd.s32 $0xFFFFFC18  }
0x31: {  	[tilespmem:s25], [sflag:$0x1] =	stream.indirect.gather [spmem:s3], $0x8, s17, s24, $0xb8;
	[tilespmem:$0x1DDF0] =	vst v63  }
.LBB2_2:
0x32: {  	p0 =	seq.s32 s11, $0x0;
	s12 =	smul.u32 $0x7D0, s11  }
0x33: {  	s13 =	simm.s32 @!p0 $0x4  }
0x34: {  	_ =	swait.ge @!p0 [sflag:s13], $0x1F40;
	s16 =	sadd.s32 s12, s14  }
0x35: {  	[sflag:s13] =	ssyncset.done @!p0 $0x0;
	s16 =	sshrl.u32 s16, $0x3  }
0x36: {  	[sflag:s13] =	ssyncadd.s32 @!p0 $0xFFFFE0C0;
	s21 =	sadd.s32 s6, s16  }
0x37: {  	[tilespmem:s26], [sflag:$0x5] =	stream.linear.gather [hbm4b:s21+s5], $0x3E8, $0x38;
	[tilespmem:$0x1DDF0] =	vst v63  }
0x38: {  	_ =	swait.ge [sflag:s19], $0x3E8  }
0x39: {  	[sflag:s19] =	ssyncset.done $0x0  }
0x3a: {  	s17 =	sadd.s32 s7, s16;
	[sflag:s19] =	ssyncadd.s32 $0xFFFFFC18  }
0x3b: {  	[tilespmem:s28], [sflag:$0x5] =	stream.linear.gather [hbm4b:s17+s5], $0x3E8, $0x38;
	[tilespmem:$0x1DDF0] =	vst v63  }
0x3c: {  	_ =	swait.ge [sflag:s19], $0x3E8  }
0x3d: {  	[sflag:s19] =	ssyncset.done $0x0  }
0x3e: {  	s18 =	sadd.s32 s1, s16;
	[sflag:s19] =	ssyncadd.s32 $0xFFFFFC18  }
0x3f: {  	[tilespmem:s29], [sflag:$0x5] =	stream.linear.gather [hbm4b:s18+s5], $0x3E8, $0x38;
	[tilespmem:$0x1DDF0] =	vst v63  }
0x40: {  	s21 =	simm.s32 $0x0;
	_ =	swait.ge [sflag:s19], $0x3E8  }
0x41: {  	v6 =	vor.u32 s21, v0;
	[sflag:s19] =	ssyncset.done $0x0  }
0x42: {  	v7 =	vshll.u32 v6, $0x3;
	[sflag:s19] =	ssyncadd.s32 $0xFFFFFC18  }
0x43: {  	v7 =	vor.u32 v1, v7;
	[tilespmem:s30], [sflag:$0x3] =	stream.indirect.gather [spmem:s3], $0x8, s26, s24, $0xb8;
	[tilespmem:$0x1DDF0] =	vst v63  }
0x44: {  	_ =	swait.ge [sflag:s31], $0x1F40  }
0x45: {  	[sflag:s31] =	ssyncset.done $0x0  }
0x46: {  	[sflag:s31] =	ssyncadd.s32 $0xFFFFE0C0  }
0x47: {  	v6 =	vld.idx.msk [tilespmem:v6+s23+$0x0], $0xffff  }
0x48: {  	v8 =	vld.idx.msk [tilespmem:v7+s25+$0x0], $0xffff  }
0x49: {  	s16 =	simm.s32 $0x4  }
0x4a: {  	v9 =	vor.u32 s16, v0  }
0x4b: {  	v10 =	vshll.u32 v9, $0x3  }
0x4c: {  	v10 =	vor.u32 v1, v10  }
0x4d: {  	v6 =	vmul.f32 v8, v6;
	_ =	sdelay $0x1  }
0x4e: {  	[tilespmem:v7+s25+$0x0] =	vst.idx.msk $0xffff, v6  }
0x4f: {  	v6 =	vld.idx.msk [tilespmem:v9+s23+$0x0], $0xffff  }
0x50: {  	v7 =	vld.idx.msk [tilespmem:v10+s25+$0x0], $0xffff  }
0x51: {  	s17 =	simm.s32 $0x8  }
0x52: {  	v8 =	vor.u32 s17, v0  }
0x53: {  	v9 =	vshll.u32 v8, $0x3  }
0x54: {  	v9 =	vor.u32 v1, v9  }
0x55: {  	v6 =	vmul.f32 v7, v6;
	_ =	sdelay $0x1  }
0x56: {  	[tilespmem:v10+s25+$0x0] =	vst.idx.msk $0xffff, v6  }
0x57: {  	v7 =	vld.idx.msk [tilespmem:v8+s23+$0x0], $0xffff  }
0x58: {  	v8 =	vld.idx.msk [tilespmem:v9+s25+$0x0], $0xffff  }
0x59: {  	s18 =	simm.s32 $0xC  }
0x5a: {  	v10 =	vor.u32 s18, v0  }
0x5b: {  	v6 =	vshll.u32 v10, $0x3  }
0x5c: {  	v6 =	vor.u32 v1, v6  }
0x5d: {  	v7 =	vmul.f32 v8, v7;
	_ =	sdelay $0x1  }
0x5e: {  	[tilespmem:v9+s25+$0x0] =	vst.idx.msk $0xffff, v7  }
0x5f: {  	v7 =	vld.idx.msk [tilespmem:v10+s23+$0x0], $0xffff  }
0x60: {  	v9 =	vld.idx.msk [tilespmem:v6+s25+$0x0], $0xffff  }
0x61: {  	s21 =	simm.s32 $0x10  }
0x62: {  	v8 =	vor.u32 s21, v0  }
0x63: {  	s13 =	simm.s32 $0x1C;
	s16 =	simm.s32 $0x4;
	v10 =	vshll.u32 v8, $0x3  }
.LBB2_3:
0x64: {  	s16 =	sadd.s32 $0x4, s16;
	v10 =	vor.u32 v1, v10  }
0x65: {  	v7 =	vmul.f32 v9, v7;
	p0 =	slt.u32 s16, $0xF4;
	_ =	sdelay $0x1  }
0x66: {  	[tilespmem:v6+s25+$0x0] =	vst.idx.msk $0xffff, v7  }
0x67: {  	v6 =	vld.idx.msk [tilespmem:v8+s23+$0x0], $0xffff  }
0x68: {  	v7 =	vld.idx.msk [tilespmem:v10+s25+$0x0], $0xffff  }
0x69: {  	s21 =	sadd.s32 $0xFFFFFFF8, s13  }
0x6a: {  	v8 =	vor.u32 s21, v0  }
0x6b: {  	v9 =	vshll.u32 v8, $0x3  }
0x6c: {  	v9 =	vor.u32 v1, v9;
	_ =	sdelay $0x1  }
0x6d: {  	v6 =	vmul.f32 v7, v6;
	_ =	sdelay $0x1  }
0x6e: {  	[tilespmem:v10+s25+$0x0] =	vst.idx.msk $0xffff, v6  }
0x6f: {  	v6 =	vld.idx.msk [tilespmem:v8+s23+$0x0], $0xffff  }
0x70: {  	v7 =	vld.idx.msk [tilespmem:v9+s25+$0x0], $0xffff  }
0x71: {  	s21 =	sadd.s32 $0xFFFFFFFC, s13  }
0x72: {  	v8 =	vor.u32 s21, v0  }
0x73: {  	v10 =	vshll.u32 v8, $0x3  }
0x74: {  	v10 =	vor.u32 v1, v10;
	_ =	sdelay $0x1  }
0x75: {  	v6 =	vmul.f32 v7, v6;
	_ =	sdelay $0x1  }
0x76: {  	[tilespmem:v9+s25+$0x0] =	vst.idx.msk $0xffff, v6  }
0x77: {  	v7 =	vld.idx.msk [tilespmem:v8+s23+$0x0], $0xffff  }
0x78: {  	v8 =	vld.idx.msk [tilespmem:v10+s25+$0x0], $0xffff;
	_ =	sdelay $0x1  }
0x79: {  	v9 =	vor.u32 s13, v0  }
0x7a: {  	v6 =	vshll.u32 v9, $0x3  }
0x7b: {  	v6 =	vor.u32 v1, v6;
	_ =	sdelay $0x1  }
0x7c: {  	v7 =	vmul.f32 v8, v7;
	_ =	sdelay $0x1  }
0x7d: {  	[tilespmem:v10+s25+$0x0] =	vst.idx.msk $0xffff, v7  }
0x7e: {  	v7 =	vld.idx.msk [tilespmem:v9+s23+$0x0], $0xffff  }
.Ltmp0:
0x7f: {  	v9 =	vld.idx.msk [tilespmem:v6+s25+$0x0], $0xffff;
	(pc) =	sbr.rel @p0 .LBB2_3-.Ltmp0, $4  }
0x80: {  	s13 =	sadd.s32 $0x10, s13  }
0x81: {  	s21 =	sadd.s32 $0xFFFFFFF4, s13  }
0x82: {  	v8 =	vor.u32 s21, v0  }
0x83: {  	v10 =	vshll.u32 v8, $0x3  }
0x84: {  	_ = 	snop  }
0x85: {  	v10 =	vor.u32 v1, v10  }
0x86: {  	v7 =	vmul.f32 v9, v7;
	_ =	sdelay $0x1  }
0x87: {  	[tilespmem:v6+s25+$0x0] =	vst.idx.msk $0xffff, v7  }
0x88: {  	v6 =	vld.idx.msk [tilespmem:v8+s23+$0x0], $0xffff  }
0x89: {  	v7 =	vld.idx.msk [tilespmem:v10+s25+$0x0], $0xffff  }
0x8a: {  	s16 =	sadd.s32 $0xFFFFFFF8, s13  }
0x8b: {  	v8 =	vor.u32 s16, v0  }
0x8c: {  	v9 =	vshll.u32 v8, $0x3  }
0x8d: {  	v9 =	vor.u32 v1, v9  }
0x8e: {  	v6 =	vmul.f32 v7, v6;
	_ =	sdelay $0x1  }
0x8f: {  	[tilespmem:v10+s25+$0x0] =	vst.idx.msk $0xffff, v6  }
0x90: {  	v6 =	vld.idx.msk [tilespmem:v8+s23+$0x0], $0xffff  }
0x91: {  	v7 =	vld.idx.msk [tilespmem:v9+s25+$0x0], $0xffff  }
0x92: {  	s17 =	sadd.s32 $0xFFFFFFFC, s13  }
0x93: {  	v8 =	vor.u32 s17, v0  }
0x94: {  	v10 =	vshll.u32 v8, $0x3  }
0x95: {  	v10 =	vor.u32 v1, v10  }
0x96: {  	v6 =	vmul.f32 v7, v6;
	_ =	sdelay $0x1  }
0x97: {  	[tilespmem:v9+s25+$0x0] =	vst.idx.msk $0xffff, v6  }
0x98: {  	v6 =	vld.idx.msk [tilespmem:v8+s23+$0x0], $0xffff  }
0x99: {  	v7 =	vld.idx.msk [tilespmem:v10+s25+$0x0], $0xffff;
	_ =	sdelay $0x1  }
0x9a: {  	v8 =	vor.u32 s13, v0  }
0x9b: {  	v9 =	vshll.u32 v8, $0x3  }
0x9c: {  	v9 =	vor.u32 v1, v9  }
0x9d: {  	v6 =	vmul.f32 v7, v6;
	_ =	sdelay $0x1  }
0x9e: {  	[tilespmem:v10+s25+$0x0] =	vst.idx.msk $0xffff, v6  }
0x9f: {  	v6 =	vld.idx.msk [tilespmem:v8+s23+$0x0], $0xffff  }
0xa0: {  	v7 =	vld.idx.msk [tilespmem:v9+s25+$0x0], $0xffff;
	_ =	sdelay $0x4  }
0xa1: {  	v6 =	vmul.f32 v7, v6;
	_ =	sdelay $0x1  }
0xa2: {  	[tilespmem:v9+s25+$0x0] =	vst.idx.msk $0xffff, v6  }
0xa3: {  	v6 =	vld.idx.msk [tilespmem:v2+s23+$0x0], $0xffff  }
0xa4: {  	v7 =	vld.idx.msk [tilespmem:v3+s25+$0x0], $0xffff;
	_ =	sdelay $0x4  }
0xa5: {  	v6 =	vmul.f32 v7, v6;
	_ =	sdelay $0x1  }
0xa6: {  	[tilespmem:v3+s25+$0x0] =	vst.idx.msk $0xffff, v6  }
0xa7: {  	v6 =	vld.idx.msk [tilespmem:v4+s23+$0x0], $0xffff  }
0xa8: {  	v7 =	vld.idx.msk [tilespmem:v5+s25+$0x0], $0xffff;
	_ =	sdelay $0x4  }
0xa9: {  	v6 =	vmul.f32 v7, v6;
	_ =	sdelay $0x1  }
0xaa: {  	p0 =	seq.s32 s11, $0x31;
	[tilespmem:v5+s25+$0x0] =	vst.idx.msk $0xffff, v6  }
0xab: {  	[spmem:s4] =	stream.indirect.scatter.add.f32 [tilespmem:s25], [sflag:$0x2], $0x8, s22, s24, $0xb8;
	[tilespmem:$0x1DDF0] =	vst v63  }
0xac: {  	s12 =	sadd.s32 @!p0 s12, s15;
	_ =	swait.ge [sflag:s0], $0x1F40  }
0xad: {  	s21 =	simm.s32 @!p0 $0x18800;
	s12 =	sshrl.u32 @!p0 s12, $0x3;
	[sflag:s0] =	ssyncset.done $0x0  }
0xae: {  	s16 =	simm.s32 @!p0 $0x0;
	s13 =	sadd.s32 @!p0 s6, s12;
	[sflag:s0] =	ssyncadd.s32 $0xFFFFE0C0  }
0xaf: {  	[tilespmem:s21], [sflag:$0x5] =	stream.linear.gather @!p0 [hbm4b:s13+s16], $0x3E8, $0x38;
	[tilespmem:$0x1DDF0] =	vst v63  }
0xb0: {  	s13 =	simm.s32 @!p0 $0x5  }
0xb1: {  	_ =	swait.ge @!p0 [sflag:s13], $0x3E8  }
0xb2: {  	[sflag:s13] =	ssyncset.done @!p0 $0x0  }
0xb3: {  	s18 =	simm.s32 @!p0 $0x18BE8;
	s17 =	sadd.s32 @!p0 s7, s12;
	[sflag:s13] =	ssyncadd.s32 @!p0 $0xFFFFFC18  }
0xb4: {  	[tilespmem:s18], [sflag:$0x5] =	stream.linear.gather @!p0 [hbm4b:s17+s16], $0x3E8, $0x38;
	[tilespmem:$0x1DDF0] =	vst v63  }
0xb5: {  	_ =	swait.ge @!p0 [sflag:s13], $0x3E8  }
0xb6: {  	[sflag:s13] =	ssyncset.done @!p0 $0x0  }
0xb7: {  	s12 =	sadd.s32 @!p0 s1, s12;
	s17 =	simm.s32 @!p0 $0x18FD0;
	[sflag:s13] =	ssyncadd.s32 @!p0 $0xFFFFFC18  }
0xb8: {  	[tilespmem:s17], [sflag:$0x5] =	stream.linear.gather @!p0 [hbm4b:s12+s16], $0x3E8, $0x38;
	[tilespmem:$0x1DDF0] =	vst v63  }
0xb9: {  	s18 =	simm.s32 $0x0;
	_ =	swait.ge @!p0 [sflag:s13], $0x3E8  }
0xba: {  	v6 =	vor.u32 s18, v0;
	[sflag:s13] =	ssyncset.done @!p0 $0x0  }
0xbb: {  	v7 =	vshll.u32 v6, $0x3;
	s12 =	simm.s32 @!p0 $0x3E8;
	[sflag:s13] =	ssyncadd.s32 @!p0 $0xFFFFFC18;
	s13 =	simm.s32 @!p0 $0x193B8  }
0xbc: {  	v7 =	vor.u32 v1, v7;
	[tilespmem:s13], [sflag:$0x1] =	stream.indirect.gather @!p0 [spmem:s3], $0x8, s21, s12, $0xb8;
	[tilespmem:$0x1DDF0] =	vst v63  }
0xbd: {  	_ =	swait.ge [sflag:s2], $0x1F40  }
0xbe: {  	[sflag:s2] =	ssyncset.done $0x0  }
0xbf: {  	[sflag:s2] =	ssyncadd.s32 $0xFFFFE0C0  }
0xc0: {  	v6 =	vld.idx.msk [tilespmem:v6+s29+$0x0], $0xffff  }
0xc1: {  	v8 =	vld.idx.msk [tilespmem:v7+s30+$0x0], $0xffff  }
0xc2: {  	s16 =	simm.s32 $0x4  }
0xc3: {  	v9 =	vor.u32 s16, v0  }
0xc4: {  	v10 =	vshll.u32 v9, $0x3  }
0xc5: {  	v10 =	vor.u32 v1, v10  }
0xc6: {  	v6 =	vmul.f32 v8, v6;
	_ =	sdelay $0x1  }
0xc7: {  	[tilespmem:v7+s30+$0x0] =	vst.idx.msk $0xffff, v6  }
0xc8: {  	v6 =	vld.idx.msk [tilespmem:v9+s29+$0x0], $0xffff  }
0xc9: {  	v7 =	vld.idx.msk [tilespmem:v10+s30+$0x0], $0xffff  }
0xca: {  	s17 =	simm.s32 $0x8  }
0xcb: {  	v8 =	vor.u32 s17, v0  }
0xcc: {  	v9 =	vshll.u32 v8, $0x3  }
0xcd: {  	v9 =	vor.u32 v1, v9  }
0xce: {  	v6 =	vmul.f32 v7, v6;
	_ =	sdelay $0x1  }
0xcf: {  	[tilespmem:v10+s30+$0x0] =	vst.idx.msk $0xffff, v6  }
0xd0: {  	v7 =	vld.idx.msk [tilespmem:v8+s29+$0x0], $0xffff  }
0xd1: {  	v8 =	vld.idx.msk [tilespmem:v9+s30+$0x0], $0xffff  }
0xd2: {  	s18 =	simm.s32 $0xC  }
0xd3: {  	v10 =	vor.u32 s18, v0  }
0xd4: {  	v6 =	vshll.u32 v10, $0x3  }
0xd5: {  	v6 =	vor.u32 v1, v6  }
0xd6: {  	v7 =	vmul.f32 v8, v7;
	_ =	sdelay $0x1  }
0xd7: {  	[tilespmem:v9+s30+$0x0] =	vst.idx.msk $0xffff, v7  }
0xd8: {  	v7 =	vld.idx.msk [tilespmem:v10+s29+$0x0], $0xffff  }
0xd9: {  	v9 =	vld.idx.msk [tilespmem:v6+s30+$0x0], $0xffff  }
0xda: {  	s21 =	simm.s32 $0x10  }
0xdb: {  	v8 =	vor.u32 s21, v0  }
0xdc: {  	s13 =	simm.s32 $0x4;
	s12 =	simm.s32 $0x1C;
	v10 =	vshll.u32 v8, $0x3  }
.LBB2_5:
0xdd: {  	s13 =	sadd.s32 $0x4, s13;
	v10 =	vor.u32 v1, v10  }
0xde: {  	v7 =	vmul.f32 v9, v7;
	p0 =	slt.u32 s13, $0xF4;
	_ =	sdelay $0x1  }
0xdf: {  	[tilespmem:v6+s30+$0x0] =	vst.idx.msk $0xffff, v7  }
0xe0: {  	v6 =	vld.idx.msk [tilespmem:v8+s29+$0x0], $0xffff  }
0xe1: {  	v7 =	vld.idx.msk [tilespmem:v10+s30+$0x0], $0xffff  }
0xe2: {  	s16 =	sadd.s32 $0xFFFFFFF8, s12  }
0xe3: {  	v8 =	vor.u32 s16, v0  }
0xe4: {  	v9 =	vshll.u32 v8, $0x3  }
0xe5: {  	v9 =	vor.u32 v1, v9;
	_ =	sdelay $0x1  }
0xe6: {  	v6 =	vmul.f32 v7, v6;
	_ =	sdelay $0x1  }
0xe7: {  	[tilespmem:v10+s30+$0x0] =	vst.idx.msk $0xffff, v6  }
0xe8: {  	v6 =	vld.idx.msk [tilespmem:v8+s29+$0x0], $0xffff  }
0xe9: {  	v7 =	vld.idx.msk [tilespmem:v9+s30+$0x0], $0xffff  }
0xea: {  	s16 =	sadd.s32 $0xFFFFFFFC, s12  }
0xeb: {  	v8 =	vor.u32 s16, v0  }
0xec: {  	v10 =	vshll.u32 v8, $0x3  }
0xed: {  	v10 =	vor.u32 v1, v10;
	_ =	sdelay $0x1  }
0xee: {  	v6 =	vmul.f32 v7, v6;
	_ =	sdelay $0x1  }
0xef: {  	[tilespmem:v9+s30+$0x0] =	vst.idx.msk $0xffff, v6  }
0xf0: {  	v7 =	vld.idx.msk [tilespmem:v8+s29+$0x0], $0xffff  }
0xf1: {  	v8 =	vld.idx.msk [tilespmem:v10+s30+$0x0], $0xffff;
	_ =	sdelay $0x1  }
0xf2: {  	v9 =	vor.u32 s12, v0  }
0xf3: {  	v6 =	vshll.u32 v9, $0x3  }
0xf4: {  	v6 =	vor.u32 v1, v6;
	_ =	sdelay $0x1  }
0xf5: {  	v7 =	vmul.f32 v8, v7;
	_ =	sdelay $0x1  }
0xf6: {  	[tilespmem:v10+s30+$0x0] =	vst.idx.msk $0xffff, v7  }
0xf7: {  	v7 =	vld.idx.msk [tilespmem:v9+s29+$0x0], $0xffff  }
.Ltmp1:
0xf8: {  	v9 =	vld.idx.msk [tilespmem:v6+s30+$0x0], $0xffff;
	(pc) =	sbr.rel @p0 .LBB2_5-.Ltmp1, $4  }
0xf9: {  	s12 =	sadd.s32 $0x10, s12  }
0xfa: {  	s16 =	sadd.s32 $0xFFFFFFF4, s12  }
0xfb: {  	v8 =	vor.u32 s16, v0  }
0xfc: {  	v10 =	vshll.u32 v8, $0x3  }
0xfd: {  	_ = 	snop  }
0xfe: {  	v10 =	vor.u32 v1, v10  }
0xff: {  	v7 =	vmul.f32 v9, v7;
	_ =	sdelay $0x1  }
0x100: {  	[tilespmem:v6+s30+$0x0] =	vst.idx.msk $0xffff, v7  }
0x101: {  	v6 =	vld.idx.msk [tilespmem:v8+s29+$0x0], $0xffff  }
0x102: {  	v7 =	vld.idx.msk [tilespmem:v10+s30+$0x0], $0xffff  }
0x103: {  	s13 =	sadd.s32 $0xFFFFFFF8, s12  }
0x104: {  	v58 =	vor.u32 s13, v0  }
0x105: {  	v59 =	vshll.u32 v58, $0x3  }
0x106: {  	v9 =	vor.u32 v1, v59  }
0x107: {  	v6 =	vmul.f32 v7, v6;
	_ =	sdelay $0x1  }
0x108: {  	[tilespmem:v10+s30+$0x0] =	vst.idx.msk $0xffff, v6  }
0x109: {  	v6 =	vld.idx.msk [tilespmem:v58+s29+$0x0], $0xffff  }
0x10a: {  	v7 =	vld.idx.msk [tilespmem:v9+s30+$0x0], $0xffff  }
0x10b: {  	s21 =	sadd.s32 $0xFFFFFFFC, s12  }
0x10c: {  	v60 =	vor.u32 s21, v0  }
0x10d: {  	v61 =	vshll.u32 v60, $0x3  }
0x10e: {  	v10 =	vor.u32 v1, v61  }
0x10f: {  	v6 =	vmul.f32 v7, v6;
	_ =	sdelay $0x1  }
0x110: {  	[tilespmem:v9+s30+$0x0] =	vst.idx.msk $0xffff, v6  }
0x111: {  	v6 =	vld.idx.msk [tilespmem:v60+s29+$0x0], $0xffff  }
0x112: {  	v7 =	vld.idx.msk [tilespmem:v10+s30+$0x0], $0xffff;
	_ =	sdelay $0x1  }
0x113: {  	v62 =	vor.u32 s12, v0  }
0x114: {  	v63 =	vshll.u32 v62, $0x3  }
0x115: {  	v9 =	vor.u32 v1, v63  }
0x116: {  	v6 =	vmul.f32 v7, v6;
	_ =	sdelay $0x1  }
0x117: {  	[tilespmem:v10+s30+$0x0] =	vst.idx.msk $0xffff, v6  }
0x118: {  	v6 =	vld.idx.msk [tilespmem:v62+s29+$0x0], $0xffff  }
0x119: {  	v7 =	vld.idx.msk [tilespmem:v9+s30+$0x0], $0xffff;
	_ =	sdelay $0x4  }
0x11a: {  	v6 =	vmul.f32 v7, v6;
	_ =	sdelay $0x1  }
0x11b: {  	[tilespmem:v9+s30+$0x0] =	vst.idx.msk $0xffff, v6  }
0x11c: {  	v6 =	vld.idx.msk [tilespmem:v2+s29+$0x0], $0xffff  }
0x11d: {  	v7 =	vld.idx.msk [tilespmem:v3+s30+$0x0], $0xffff;
	_ =	sdelay $0x4  }
0x11e: {  	v6 =	vmul.f32 v7, v6;
	_ =	sdelay $0x1  }
0x11f: {  	[tilespmem:v3+s30+$0x0] =	vst.idx.msk $0xffff, v6  }
0x120: {  	v6 =	vld.idx.msk [tilespmem:v4+s29+$0x0], $0xffff  }
0x121: {  	v7 =	vld.idx.msk [tilespmem:v5+s30+$0x0], $0xffff;
	_ =	sdelay $0x1  }
0x122: {  	s11 =	sadd.s32 $0x1, s11  }
0x123: {  	p0 =	sne.s32 s11, $0x32  }
.Ltmp2:
0x124: {  	_ = 	snop;
	(pc) =	sbr.rel @p0 .LBB2_2-.Ltmp2, $3  }
0x125: {  	v6 =	vmul.f32 v7, v6;
	_ =	sdelay $0x1  }
0x126: {  	[tilespmem:v5+s30+$0x0] =	vst.idx.msk $0xffff, v6  }
0x127: {  	[spmem:s4] =	stream.indirect.scatter.add.f32 [tilespmem:s30], [sflag:$0x4], $0x8, s28, s24, $0xb8;
	[tilespmem:$0x1DDF0] =	vst v63  }
0x128: {  	_ =	swait.ge [sflag:s8], $0x1F40  }
0x129: {  	[sflag:s8] =	ssyncset.done $0x0  }
0x12a: {  	[sflag:s8] =	ssyncadd.s32 $0xFFFFE0C0  }
0x12b: {  	[bflag:$0x0] =	sbarrier.arrive $0xFFFF  }
0x12c: {  	s11 =	rddreg [dreg:$0xa]  }
0x12d: {  	[hbm:s11], [sflag:s9] =	dma.local [spmem:s20], $0x1880  }
0x12e: {  	_ =	swait.ge [sflag:s19], $0x1880  }
0x12f: {  	s10 =	sadd.s32 $0x1, s10;
	s21 =	rddreg [dreg:$0xb]  }
0x130: {  	p0 =	sne.s32 s10, s21  }
.Ltmp3:
0x131: {  	_ = 	snop;
	(pc) =	sbr.rel @p0 .LBB2_1-.Ltmp3, $3  }
0x132: {  	_ =	sdelay $0x1  }
0x133: {  	[sflag:s19] =	ssyncset.done $0x0  }
0x134: {  	[sflag:s19] =	ssyncadd.s32 $0xFFFFE780  }
0x135: {  	_ =	sfence.sel $0x180000  }
0x136: {  	[bflag:$0x0] =	sbarrier.arrive $0xFFFF  }
0x137: {  	_ =	strace $0x9000004A  }
0x138: {  	s0 =	stileid.u32;
	[bflag:$0x2] =	sbarrier.arrive $0xFFFF  }
0x139: {  	p0 =	sne.s32 s0, $0x0;
	s0 =	rddreg [dreg:$0x4]  }
0x13a: {  	s0 =	sadd.s32 @!p0 $0x100000, s0  }
0x13b: {  	[sflag:s0] =	ssyncadd.tile.s32 @!p0 $0x1;
	_ =	shalt  }
.Lfunc_end2:
_tile_overlayer_lowered:
.L_overlay_start_2:
0x13c: {  	(tag) =	ssettag $0x2  }
0x13d: {  	s0 =	rddreg [dreg:$0x0];
	s2 =	stileid.u32  }
0x13e: {  	s1 =	rddreg [dreg:$0x1];
	p0 =	sne.s32 s2, $0x0  }
0x13f: {  	s3 =	rddreg [dreg:$0x2];
	[bflag:$0x3] =	sbarrier.arrive $0xFFFF;
	s2 =	simm.s32 @!p0 $0x1C05  }
0x140: {  	[timem:s3], [sflag:s2] =	dma.local @!p0 [hbm:s0], s1  }
0x141: {  	s0 =	simm.s32 @!p0 $0x5  }
0x142: {  	_ =	swait.ge @!p0 [sflag:s0], s1  }
0x143: {  	s1 =	ssub.s32 @!p0 $0x0, s1;
	[sflag:s0] =	ssyncset.done @!p0 $0x0  }
0x144: {  	[sflag:s0] =	ssyncadd.s32 @!p0 s1  }
0x145: {  	[bflag:$0x3] =	sbarrier.arrive $0xFFFF  }
0x146: {  	_ =	shalt  }

// kernel: kernel.14.cloned.1.call-start
scs
__scs_entry_jumppad:
0x0: {  	(pc) =	sbr.rel $0x88, $3  }
0x1: {  	(tag) =	ssettag $0x0;
	lr =	simm.s32 $0x1  }
0x2: {  	[smem:$0x3F9A] =	sst lr;
	_ =	strace $0xD0000000  }
0x3: {  	_ = 	snop  }
0x4: {  	_ = 	snop  }
0x5: {  	_ = 	snop  }
0x6: {  	_ = 	snop  }
0x7: {  	_ = 	snop  }
__scs_overlays_trampoline_lowered:
0x8: {  	[smem:$0x3FA9] =	sst s0  }
0x9: {  	[smem:$0x3FAA] =	sst s1  }
0xa: {  	[smem:$0x3FAB] =	sst s2  }
0xb: {  	[smem:$0x3FAC] =	sst s3  }
0xc: {  	[smem:$0x3FAD] =	sst s4  }
0xd: {  	[smem:$0x3FAE] =	sst s5  }
0xe: {  	[smem:$0x3FAF] =	sst s6  }
0xf: {  	[smem:$0x3FB0] =	sst s7  }
0x10: {  	[smem:$0x3FB1] =	sst s8  }
0x11: {  	[smem:$0x3FB2] =	sst s9;
	s0 =	simm.s32 @!p0 $0x0  }
0x12: {  	s1 =	sld [smem:$0x3F98];
	s0 =	simm.s32 @p0 $0x1  }
0x13: {  	[smem:$0x3FB3] =	sst s0;
	s0 =	simm.s32 @!p1 $0x0  }
0x14: {  	s2 =	sld [smem:$0x3F97];
	s0 =	simm.s32 @p1 $0x1  }
0x15: {  	[smem:$0x3FB4] =	sst s0;
	s0 =	simm.s32 @!p2 $0x0  }
0x16: {  	s3 =	sld [smem:$0x3FDB];
	s0 =	simm.s32 @p2 $0x1  }
0x17: {  	s4 =	simm.s32 $0x1BF5;
	[smem:$0x3FB6] =	sst s0  }
0x18: {  	s0 =	sld [smem:$0x3F99];
	_ =	swait.ge [sflag:s4], $0x0  }
0x19: {  	s7 =	sld [smem:$0x3F9A]  }
0x1a: {  	s8 =	sadd.s32 $0xFFFFE003, lr  }
0x1b: {  	s9 =	sadd.s32 $0xFFFFFEF7, lr;
	s5 =	simm.s32 $0xFFFFFFFF;
	p2 =	slt.u32 s8, $0xFFFFF086  }
0x1c: {  	p1 =	slt.u32 s9, $0xF7A;
	s5 =	simm.s32 @!p2 $0x0  }
0x1d: {  	s5 =	simm.s32 @p1 $0x1;
	p0 =	seq.s32 s7, s2  }
0x1e: {  	s7 =	smul.u32 @!p0 $0xF7A, s2;
	p2 =	seq.s32 @!p0 s5, $0x0  }
0x1f: {  	s9 =	smul.u32 $0xF7A, s1;
	s8 =	simm.s32 @!p0 $0x1BF5;
	p2 =	por !p2, p0  }
0x20: {  	[sflag:s8] =	ssyncset.s32 @!p0 $0xFFFFF086;
	s6 =	sadd.s32 @!p0 s3, s7;
	s7 =	simm.s32 @!p0 $0x108  }
0x21: {  	s3 =	sadd.s32 s3, s9;
	s6 =	sadd.s32 @!p0 $0x88, s6;
	s7 =	simm.s32 @p2 $0x1082  }
0x22: {  	[simem:s7], [sflag:s8] =	dma.local @!p0 [hbm:s6], $0xF7A  }
0x23: {  	s9 =	sor.u32 $0xD0000000, s2;
	s6 =	simm.s32 $0x108;
	_ =	swait.ge @!p0 [sflag:s8], $0x0  }
0x24: {  	s3 =	sadd.s32 $0x88, s3;
	s6 =	simm.s32 @!p1 $0x1082;
	[sflag:s4] =	ssyncset.s32 $0xFFFFF086  }
0x25: {  	[simem:s6], [sflag:s4] =	dma.local [hbm:s3], $0xF7A  }
0x26: {  	[smem:$0x3F9A] =	sst s1;
	(tag) =	ssettag s2;
	_ =	strace s9  }
0x27: {  	s1 =	sld [smem:$0x3FAA]  }
0x28: {  	s2 =	sld [smem:$0x3FAB]  }
0x29: {  	s4 =	sld [smem:$0x3FAD]  }
0x2a: {  	p0 =	seq.s32 s5, $0x0;
	s5 =	sld [smem:$0x3FAE]  }
0x2b: {  	s6 =	sld [smem:$0x3FAF]  }
0x2c: {  	s7 =	sld [smem:$0x3FB0]  }
0x2d: {  	s3 =	simm.s32 $0x108;
	s8 =	sld [smem:$0x3FB1]  }
0x2e: {  	s3 =	simm.s32 @!p0 $0x1082;
	s9 =	sld [smem:$0x3FB2]  }
0x2f: {  	lr =	sadd.s32 s0, s3;
	s0 =	sld [smem:$0x3FA9]  }
0x30: {  	s3 =	sld [smem:$0x3FAC]  }
0x31: {  	[smem:$0x3FB5] =	sst s10  }
0x32: {  	s10 =	sld [smem:$0x3FB3];
	_ =	sdelay $0x3  }
0x33: {  	p0 =	seq.s32 s10, $0x1;
	s10 =	sld [smem:$0x3FB5];
	_ =	sdelay $0x3  }
0x34: {  	[smem:$0x3FB5] =	sst s10  }
0x35: {  	s10 =	sld [smem:$0x3FB4];
	_ =	sdelay $0x3  }
0x36: {  	p1 =	seq.s32 s10, $0x1;
	s10 =	sld [smem:$0x3FB5];
	_ =	sdelay $0x3  }
0x37: {  	[smem:$0x3FB5] =	sst s10  }
0x38: {  	s10 =	sld [smem:$0x3FB6]  }
0x39: {  	_ = 	snop;
	(pc) =	sbr.ind lr, $3  }
0x3a: {  	_ = 	snop  }
0x3b: {  	_ = 	snop  }
0x3c: {  	p2 =	seq.s32 s10, $0x1;
	s10 =	sld [smem:$0x3FB5]  }
0x3d: {  	_ =	shalt  }
0x3e: {  	_ =	shalt  }
0x3f: {  	_ =	shalt  }
0x40: {  	_ =	shalt  }
0x41: {  	_ =	shalt  }
0x42: {  	_ =	shalt  }
0x43: {  	_ =	shalt  }
0x44: {  	_ =	shalt  }
0x45: {  	_ =	shalt  }
0x46: {  	_ =	shalt  }
0x47: {  	_ =	shalt  }
0x48: {  	_ =	shalt  }
0x49: {  	_ =	shalt  }
0x4a: {  	_ =	shalt  }
0x4b: {  	_ =	shalt  }
0x4c: {  	_ =	shalt  }
0x4d: {  	_ =	shalt  }
0x4e: {  	_ =	shalt  }
0x4f: {  	_ =	shalt  }
0x50: {  	_ =	shalt  }
0x51: {  	_ =	shalt  }
0x52: {  	_ =	shalt  }
0x53: {  	_ =	shalt  }
0x54: {  	_ =	shalt  }
0x55: {  	_ =	shalt  }
0x56: {  	_ =	shalt  }
0x57: {  	_ =	shalt  }
0x58: {  	_ =	shalt  }
0x59: {  	_ =	shalt  }
0x5a: {  	_ =	shalt  }
0x5b: {  	_ =	shalt  }
0x5c: {  	_ =	shalt  }
0x5d: {  	_ =	shalt  }
0x5e: {  	_ =	shalt  }
0x5f: {  	_ =	shalt  }
0x60: {  	_ =	shalt  }
0x61: {  	_ =	shalt  }
0x62: {  	_ =	shalt  }
0x63: {  	_ =	shalt  }
0x64: {  	_ =	shalt  }
0x65: {  	_ =	shalt  }
0x66: {  	_ =	shalt  }
0x67: {  	_ =	shalt  }
0x68: {  	_ =	shalt  }
0x69: {  	_ =	shalt  }
0x6a: {  	_ =	shalt  }
0x6b: {  	_ =	shalt  }
0x6c: {  	_ =	shalt  }
0x6d: {  	_ =	shalt  }
0x6e: {  	_ =	shalt  }
0x6f: {  	_ =	shalt  }
0x70: {  	_ =	shalt  }
0x71: {  	_ =	shalt  }
0x72: {  	_ =	shalt  }
0x73: {  	_ =	shalt  }
0x74: {  	_ =	shalt  }
0x75: {  	_ =	shalt  }
0x76: {  	_ =	shalt  }
0x77: {  	_ =	shalt  }
0x78: {  	_ =	shalt  }
0x79: {  	_ =	shalt  }
0x7a: {  	_ =	shalt  }
0x7b: {  	_ =	shalt  }
0x7c: {  	_ =	shalt  }
0x7d: {  	_ =	shalt  }
0x7e: {  	_ =	shalt  }
0x7f: {  	_ =	shalt  }
0x80: {  	_ =	shalt  }
0x81: {  	_ =	shalt  }
0x82: {  	_ =	shalt  }
0x83: {  	_ =	shalt  }
0x84: {  	_ =	shalt  }
0x85: {  	_ =	shalt  }
0x86: {  	_ =	shalt  }
0x87: {  	_ =	shalt  }
.Lfunc_end0:
.L_simem_size_0:
called_computation.2_lowered:
.L_overlay_start_0:
0x88: {  	s2 =	sld [smem:$0x3FD9]  }
0x89: {  	s3 =	sld [smem:$0x3FFE];
	_ =	sdelay $0x1  }
0x8a: {  	s1 =	srdreg.scid  }
0x8b: {  	s0 =	sand.u32 $0x1, s1  }
0x8c: {  	s17 =	sshll.u32 s0, $0xA;
	s2 =	sadd.s32 s3, s2  }
0x8d: {  	s2 =	sadd.s32 s2, s17  }
0x8e: {  	[smem:$0x3FC1] =	sst s2  }
0x8f: {  	_ = 	snop  }
0x90: {  	s2 =	sld [smem:$0x3FC7];
	(tm) =	ssettm $0x1  }
0x91: {  	s18 =	sld [smem:$0x3FFB];
	_ =	sdelay $0x3  }
0x92: {  	_ =	strace s18  }
0x93: {  	s3 =	sld [smem:$0x3FFC];
	_ =	sdelay $0x3  }
0x94: {  	_ =	strace s3  }
0x95: {  	s3 =	sld [smem:$0x3FFD];
	_ =	sdelay $0x3  }
0x96: {  	_ =	strace s3  }
0x97: {  	_ =	strace $0x8FFFFFFF  }
0x98: {  	s19 =	sld [smem:$0x3FDB];
	_ =	sdelay $0x1  }
0x99: {  	s4 =	simm.s32 $_scs_section_size  }
0x9a: {  	s5 =	simm.s32 $_size__tile_overlayer_lowered;
	s6 =	simm.s32 $_tile_overlayer_lowered  }
0x9b: {  	s22 =	simm.s32 $0x1BFF;
	s21 =	sshll.u32 s6, $0x1;
	s3 =	sadd.s32 s4, s19  }
0x9c: {  	s7 =	simm.s32 $0x0;
	s20 =	sshll.u32 s5, $0x1;
	s5 =	sadd.s32 s21, s3  }
0x9d: {  	[timem:s7], [sflag:s22] =	dma.local [hbm:s5], s20  }
0x9e: {  	_ =	swait.ge [sflag:s22], s20  }
0x9f: {  	s4 =	ssub.s32 $0x0, s20;
	[sflag:s22] =	ssyncset.done $0x0  }
0xa0: {  	[sflag:s22] =	ssyncadd.s32 s4;
	_ =	sdelay $0x1  }
0xa1: {  	s23 =	simm.s32 $0x1B8B  }
0xa2: {  	_ =	swait.ge [sflag:s23], $0x1  }
0xa3: {  	[sflag:s23] =	ssyncset.done $0x0  }
0xa4: {  	s25 =	simm.s32 $0x1B8E;
	s24 =	sld [smem:$0x3FFE];
	[sflag:s23] =	ssyncadd.s32 $0xFFFFFFFF  }
0xa5: {  	s26 =	simm.s32 $execute0_lowered;
	[smem:$0x3FD2] =	sst s25  }
0xa6: {  	s5 =	sshll.u32 s26, $0x1;
	_ =	strace $0x8000004C;
	[dreg:$0x1] =	wrdreg $0xFFFFFFFF  }
0xa7: {  	s28 =	simm.s32 $_size_execute0_lowered;
	s3 =	sadd.s32 s3, s5;
	[dreg:$0x0] =	wrdreg $0x0  }
0xa8: {  	s5 =	sshll.u32 s28, $0x1;
	[dreg:$0x2] =	wrdreg s3  }
0xa9: {  	[dreg:$0x3] =	wrdreg s5  }
0xaa: {  	[dreg:$0x4] =	wrdreg $0xC0  }
0xab: {  	_ =	task [dreg:s7], $0x5FFFF  }
0xac: {  	[dreg:$0x1] =	wrdreg $0xFFFFFFFF  }
0xad: {  	[dreg:$0x0] =	wrdreg $0x60  }
0xae: {  	[dreg:$0x2] =	wrdreg s24  }
0xaf: {  	[dreg:$0x3] =	wrdreg s2  }
0xb0: {  	[dreg:$0x4] =	wrdreg $0x0  }
0xb1: {  	[dreg:$0x5] =	wrdreg $0xC4000  }
0xb2: {  	[dreg:$0x6] =	wrdreg $0x9  }
0xb3: {  	_ =	task.clear_ibuf [dreg:s7], $0x7FFFF;
	_ =	strace $0x9000004C  }
0xb4: {  	s29 =	simm.s32 $0x9;
	_ =	strace $0x8000004E  }
0xb5: {  	_ =	swait.ge [sflag:s29], $0x1  }
0xb6: {  	[sflag:s29] =	ssyncadd.s32 $0xFFFFFFFF  }
0xb7: {  	_ =	strace $0x9000004E  }
0xb8: {  	_ =	sfence  }
0xb9: {  	s30 =	sld [smem:$0x0];
	_ =	sdelay $0x2  }
0xba: {  	s31 =	sshll.u32 s1, $0xD;
	s1 =	sshrl.u32 s1, $0x2  }
0xbb: {  	s3 =	sand.u32 $0x4000, s31;
	s1 =	sadd.s32 s1, s30  }
0xbc: {  	s0 =	sor.u32 s3, s0;
	s1 =	sshll.u32 s1, $0x11  }
0xbd: {  	s0 =	sor.u32 s1, s0  }
0xbe: {  	s0 =	sadd.s32 $0x8F2B, s0  }
0xbf: {  	[sflag:s0] =	ssyncadd.remote.s32 $0x1  }
0xc0: {  	_ =	sfence.sel $0xFFFF  }
0xc1: {  	[dreg:$0x0] =	wrdreg $0xFFFFFFFF;
	(pc) =	sbr.abs _section_cstart, $3  }
0xc2: {  	[dreg:$0x1] =	wrdreg $0xFFFFFFFF  }
0xc3: {  	_ =	task.clear_ibuf [dreg:s7], $0x2FFFF;
	_ =	strace $0x9FFFFFFF  }
0xc4: {  	(tm) =	ssettm $0x7FFFFFFF  }
0xc5: {  	_ =	shalt  }
tec
execute0_lowered:
.L_overlay_start_1:
0x0: {  	(tag) =	ssettag $0x1  }
0x1: {  	s0 =	rddreg [dreg:$0x0]  }
0x2: {  	s1 =	rddreg [dreg:$0x1]  }
0x3: {  	s3 =	rddreg [dreg:$0x2]  }
0x4: {  	s4 =	rddreg [dreg:$0x3]  }
0x5: {  	s12 =	stileid.u32;
	s2 =	srdreg.scid  }
0x6: {  	s5 =	simm.s32 $0x0;
	s28 =	simm.s32 $0x1B6E0;
	s29 =	simm.s32 $0x1BAC8  }
0x7: {  	v3 =	vimm.s32 $0x1F1B;
	s30 =	simm.s32 $0x1BEB0;
	s31 =	simm.s32 $0x1;
	s8 =	smul.u32 $0xC400, s12  }
0x8: {  	vm0 =	vcmask $0x300;
	v4 =	vimm.s32 $0x1F3B;
	vm1 =	vcmask $0x704;
	s2 =	sand.u32 $0x1, s2;
	[smem:$0x7FF] =	sst s5;
	s6 =	sadd.s32 $0x63600, s0  }
0x9: {  	vm15 =	vcmask $0xB08;
	vm4 =	vcmask $0xF0C;
	vm5 =	vcmask $0x1310;
	s7 =	sadd.s32 $0x1A00, s0;
	s20 =	sshll.u32 s12, $0x6;
	s9 =	smul.u32 $0xC4000, s2  }
0xa: {  	vm6 =	vcmask $0x1714;
	v3 =	vsel vm0, $0x1F00, v3;
	v4 =	vsel vm0, $0x1F20, v4;
	_ =	strace $0x8000004D;
	s11 =	ssub.s32 $0x2, s2;
	s2 =	sshll.u32 s2, $0x4  }
0xb: {  	vm7 =	vcmask $0x1B18;
	v3 =	vsel vm1, $0x1F01, v3;
	v4 =	vsel vm1, $0x1F21, v4;
	s10 =	sshrl.u32 s8, $0x3;
	s19 =	sshrl.u32 s11, $0x1;
	s2 =	sor.u32 s12, s2  }
0xc: {  	vm8 =	vcmask $0x1F1C;
	v3 =	vsel vm15, $0x1F02, v3;
	v4 =	vsel vm15, $0x1F22, v4;
	s21 =	sadd.s32 s8, s3;
	s10 =	sadd.s32 s10, s0;
	s9 =	sadd.s32 s8, s9  }
0xd: {  	vm9 =	vcmask $0x2320;
	v3 =	vsel vm4, $0x1F03, v3;
	v4 =	vsel vm4, $0x1F23, v4;
	s11 =	ssub.s32 s11, s19;
	s2 =	smul.u32 $0x186A0, s2;
	s8 =	sadd.s32 s8, s4  }
0xe: {  	vm10 =	vcmask $0x2724;
	s26 =	sshrl.u32 s21, $0x3;
	s19 =	simm.s32 $0x5;
	s9 =	sshrl.u32 s9, $0x3;
	v3 =	vsel vm5, $0x1F08, v3;
	v4 =	vsel vm5, $0x1F28, v4  }
0xf: {  	v1 =	vlaneseq.u32;
	s13 =	sadd.s32 $0x24D200, s10;
	s10 =	sadd.s32 $0x265A00, s10;
	[dreg:$0xc] =	wrdreg s26;
	v3 =	vsel vm6, $0x1F09, v3;
	v4 =	vsel vm6, $0x1F29, v4  }
0x10: {  	vm11 =	vcmask $0x2B28;
	s25 =	smax.u32 s11, $0x1;
	s26 =	simm.s32 $0x1B2F8;
	[dreg:$0x5] =	wrdreg s13;
	v3 =	vsel vm7, $0x1F0A, v3;
	v4 =	vsel vm7, $0x1F2A, v4  }
0x11: {  	vm12 =	vcmask $0x2F2C;
	s0 =	sadd.s32 s9, s0;
	s9 =	sor.u32 $0x1C05, s20;
	[dreg:$0x6] =	wrdreg s10;
	v3 =	vsel vm8, $0x1F0B, v3;
	v4 =	vsel vm8, $0x1F2B, v4  }
0x12: {  	vm13 =	vcmask $0x3330;
	s22 =	sshrl.u32 s2, $0x3;
	s13 =	sadd.s32 $0x3E8, s2;
	s15 =	sadd.s32 $0x7D0, s2;
	v3 =	vsel vm9, $0x1F10, v3;
	v4 =	vsel vm9, $0x1F30, v4  }
0x13: {  	vm14 =	vcmask $0x3734;
	[dreg:$0xb] =	wrdreg s25;
	s20 =	sshrl.u32 s8, $0x3;
	s23 =	sadd.s32 s6, s22;
	v3 =	vsel vm10, $0x1F11, v3;
	v4 =	vsel vm10, $0x1F31, v4  }
0x14: {  	v0 =	vshrl.u32 v1, $0x2;
	s25 =	simm.s32 $0x193B8;
	s24 =	sadd.s32 s7, s22;
	[dreg:$0x7] =	wrdreg s23;
	v3 =	vsel vm11, $0x1F12, v3;
	v4 =	vsel vm11, $0x1F32, v4  }
0x15: {  	v1 =	vand.u32 $0x3, v1;
	s2 =	simm.s32 $0x3;
	s10 =	sadd.s32 s1, s22;
	[dreg:$0x8] =	wrdreg s24;
	v3 =	vsel vm12, $0x1F13, v3;
	v4 =	vsel vm12, $0x1F33, v4  }
0x16: {  	v2 =	vor.u32 $0x3E0, v0;
	s8 =	simm.s32 $0x4;
	s0 =	sadd.s32 $0x27E200, s0;
	[dreg:$0x9] =	wrdreg s10;
	v3 =	vsel vm13, $0x1F18, v3;
	v4 =	vsel vm13, $0x1F38, v4  }
0x17: {  	vm15 =	vcmask $0x3B38;
	s22 =	simm.s32 $0x18BE8;
	[dreg:$0xa] =	wrdreg s0;
	s23 =	simm.s32 $0x18FD0;
	v3 =	vsel vm14, $0x1F19, v3;
	v5 =	vsel vm14, $0x1F39, v4  }
0x18: {  	s24 =	simm.s32 $0x3E8;
	s0 =	simm.s32 $0x2;
	s10 =	simm.s32 $0x0;
	v4 =	vor.u32 $0x3E4, v0;
	v3 =	vsel vm15, $0x1F1A, v3;
	v5 =	vsel vm15, $0x1F3A, v5  }
.LBB2_1:
0x19: {  	s11 =	rddreg [dreg:$0x5]  }
0x1a: {  	s12 =	rddreg [dreg:$0xc]  }
0x1b: {  	[spmem:s12], [sflag:s9] =	dma.local [hbm:s11], $0x1880  }
0x1c: {  	_ =	swait.ge [sflag:s19], $0x1880  }
0x1d: {  	[sflag:s19] =	ssyncset.done $0x0  }
0x1e: {  	s14 =	rddreg [dreg:$0x6];
	[sflag:s19] =	ssyncadd.s32 $0xFFFFE780  }
0x1f: {  	[spmem:s20], [sflag:s9] =	dma.local [hbm:s14], $0x1880  }
0x20: {  	_ =	swait.ge [sflag:s19], $0x1880  }
0x21: {  	[sflag:s19] =	ssyncset.done $0x0  }
0x22: {  	[sflag:s19] =	ssyncadd.s32 $0xFFFFE780  }
0x23: {  	[bflag:$0x0] =	sbarrier.arrive $0xFFFF  }
0x24: {  	s17 =	simm.s32 $0x18800;
	s16 =	rddreg [dreg:$0x7]  }
0x25: {  	[tilespmem:s17], [sflag:$0x5] =	stream.linear.gather [hbm4b:s16+s5], $0x3E8, $0x38;
	[tilespmem:$0x1DDF0] =	vst v63  }
0x26: {  	_ =	swait.ge [sflag:s19], $0x3E8  }
0x27: {  	[sflag:s19] =	ssyncset.done $0x0  }
0x28: {  	s18 =	rddreg [dreg:$0x8];
	[sflag:s19] =	ssyncadd.s32 $0xFFFFFC18  }
0x29: {  	[tilespmem:s22], [sflag:$0x5] =	stream.linear.gather [hbm4b:s18+s5], $0x3E8, $0x38;
	[tilespmem:$0x1DDF0] =	vst v63  }
0x2a: {  	_ =	swait.ge [sflag:s19], $0x3E8  }
0x2b: {  	[sflag:s19] =	ssyncset.done $0x0  }
0x2c: {  	s21 =	rddreg [dreg:$0x9];
	[sflag:s19] =	ssyncadd.s32 $0xFFFFFC18  }
0x2d: {  	[tilespmem:s23], [sflag:$0x5] =	stream.linear.gather [hbm4b:s21+s5], $0x3E8, $0x38;
	[tilespmem:$0x1DDF0] =	vst v63  }
0x2e: {  	_ =	swait.ge [sflag:s19], $0x3E8  }
0x2f: {  	[sflag:s19] =	ssyncset.done $0x0  }
0x30: {  	s11 =	simm.s32 $0x0;
	[sflag:s19] =	ssyncadd.s32 $0xFFFFFC18  }
0x31: {  	[tilespmem:s25], [sflag:$0x1] =	stream.indirect.gather [spmem:s3], $0x8, s17, s24, $0xb8;
	[tilespmem:$0x1DDF0] =	vst v63  }
.LBB2_2:
0x32: {  	p0 =	seq.s32 s11, $0x0;
	s12 =	smul.u32 $0x7D0, s11  }
0x33: {  	s14 =	simm.s32 @!p0 $0x4  }
0x34: {  	_ =	swait.ge @!p0 [sflag:s14], $0x1F40;
	s16 =	sadd.s32 s12, s13  }
0x35: {  	[sflag:s14] =	ssyncset.done @!p0 $0x0;
	s16 =	sshrl.u32 s16, $0x3  }
0x36: {  	[sflag:s14] =	ssyncadd.s32 @!p0 $0xFFFFE0C0;
	s21 =	sadd.s32 s6, s16  }
0x37: {  	[tilespmem:s26], [sflag:$0x5] =	stream.linear.gather [hbm4b:s21+s5], $0x3E8, $0x38;
	[tilespmem:$0x1DDF0] =	vst v63  }
0x38: {  	_ =	swait.ge [sflag:s19], $0x3E8  }
0x39: {  	[sflag:s19] =	ssyncset.done $0x0  }
0x3a: {  	s17 =	sadd.s32 s7, s16;
	[sflag:s19] =	ssyncadd.s32 $0xFFFFFC18  }
0x3b: {  	[tilespmem:s28], [sflag:$0x5] =	stream.linear.gather [hbm4b:s17+s5], $0x3E8, $0x38;
	[tilespmem:$0x1DDF0] =	vst v63  }
0x3c: {  	_ =	swait.ge [sflag:s19], $0x3E8  }
0x3d: {  	[sflag:s19] =	ssyncset.done $0x0  }
0x3e: {  	s18 =	sadd.s32 s1, s16;
	[sflag:s19] =	ssyncadd.s32 $0xFFFFFC18  }
0x3f: {  	[tilespmem:s29], [sflag:$0x5] =	stream.linear.gather [hbm4b:s18+s5], $0x3E8, $0x38;
	[tilespmem:$0x1DDF0] =	vst v63  }
0x40: {  	s21 =	simm.s32 $0x0;
	_ =	swait.ge [sflag:s19], $0x3E8  }
0x41: {  	v6 =	vor.u32 s21, v0;
	[sflag:s19] =	ssyncset.done $0x0  }
0x42: {  	v7 =	vshll.u32 v6, $0x3;
	[sflag:s19] =	ssyncadd.s32 $0xFFFFFC18  }
0x43: {  	v7 =	vor.u32 v1, v7;
	[tilespmem:s30], [sflag:$0x3] =	stream.indirect.gather [spmem:s3], $0x8, s26, s24, $0xb8;
	[tilespmem:$0x1DDF0] =	vst v63  }
0x44: {  	_ =	swait.ge [sflag:s31], $0x1F40  }
0x45: {  	[sflag:s31] =	ssyncset.done $0x0  }
0x46: {  	[sflag:s31] =	ssyncadd.s32 $0xFFFFE0C0  }
0x47: {  	v6 =	vld.idx.msk [tilespmem:v6+s23+$0x0], $0xffff  }
0x48: {  	v8 =	vld.idx.msk [tilespmem:v7+s25+$0x0], $0xffff  }
0x49: {  	s16 =	simm.s32 $0x4  }
0x4a: {  	v9 =	vor.u32 s16, v0  }
0x4b: {  	v10 =	vshll.u32 v9, $0x3  }
0x4c: {  	v10 =	vor.u32 v1, v10  }
0x4d: {  	v6 =	vmul.f32 v8, v6;
	_ =	sdelay $0x1  }
0x4e: {  	[tilespmem:v7+s25+$0x0] =	vst.idx.msk $0xffff, v6  }
0x4f: {  	v6 =	vld.idx.msk [tilespmem:v9+s23+$0x0], $0xffff  }
0x50: {  	v7 =	vld.idx.msk [tilespmem:v10+s25+$0x0], $0xffff  }
0x51: {  	s17 =	simm.s32 $0x8  }
0x52: {  	v8 =	vor.u32 s17, v0  }
0x53: {  	v9 =	vshll.u32 v8, $0x3  }
0x54: {  	v9 =	vor.u32 v1, v9  }
0x55: {  	v6 =	vmul.f32 v7, v6;
	_ =	sdelay $0x1  }
0x56: {  	[tilespmem:v10+s25+$0x0] =	vst.idx.msk $0xffff, v6  }
0x57: {  	v7 =	vld.idx.msk [tilespmem:v8+s23+$0x0], $0xffff  }
0x58: {  	v8 =	vld.idx.msk [tilespmem:v9+s25+$0x0], $0xffff  }
0x59: {  	s18 =	simm.s32 $0xC  }
0x5a: {  	v10 =	vor.u32 s18, v0  }
0x5b: {  	v6 =	vshll.u32 v10, $0x3  }
0x5c: {  	v6 =	vor.u32 v1, v6  }
0x5d: {  	v7 =	vmul.f32 v8, v7;
	_ =	sdelay $0x1  }
0x5e: {  	[tilespmem:v9+s25+$0x0] =	vst.idx.msk $0xffff, v7  }
0x5f: {  	v7 =	vld.idx.msk [tilespmem:v10+s23+$0x0], $0xffff  }
0x60: {  	v9 =	vld.idx.msk [tilespmem:v6+s25+$0x0], $0xffff  }
0x61: {  	s21 =	simm.s32 $0x10  }
0x62: {  	v8 =	vor.u32 s21, v0  }
0x63: {  	s14 =	simm.s32 $0x1C;
	s16 =	simm.s32 $0x4;
	v10 =	vshll.u32 v8, $0x3  }
.LBB2_3:
0x64: {  	s16 =	sadd.s32 $0x4, s16;
	v10 =	vor.u32 v1, v10  }
0x65: {  	v7 =	vmul.f32 v9, v7;
	p0 =	slt.u32 s16, $0xF4;
	_ =	sdelay $0x1  }
0x66: {  	[tilespmem:v6+s25+$0x0] =	vst.idx.msk $0xffff, v7  }
0x67: {  	v6 =	vld.idx.msk [tilespmem:v8+s23+$0x0], $0xffff  }
0x68: {  	v7 =	vld.idx.msk [tilespmem:v10+s25+$0x0], $0xffff  }
0x69: {  	s21 =	sadd.s32 $0xFFFFFFF8, s14  }
0x6a: {  	v8 =	vor.u32 s21, v0  }
0x6b: {  	v9 =	vshll.u32 v8, $0x3  }
0x6c: {  	v9 =	vor.u32 v1, v9;
	_ =	sdelay $0x1  }
0x6d: {  	v6 =	vmul.f32 v7, v6;
	_ =	sdelay $0x1  }
0x6e: {  	[tilespmem:v10+s25+$0x0] =	vst.idx.msk $0xffff, v6  }
0x6f: {  	v6 =	vld.idx.msk [tilespmem:v8+s23+$0x0], $0xffff  }
0x70: {  	v7 =	vld.idx.msk [tilespmem:v9+s25+$0x0], $0xffff  }
0x71: {  	s21 =	sadd.s32 $0xFFFFFFFC, s14  }
0x72: {  	v8 =	vor.u32 s21, v0  }
0x73: {  	v10 =	vshll.u32 v8, $0x3  }
0x74: {  	v10 =	vor.u32 v1, v10;
	_ =	sdelay $0x1  }
0x75: {  	v6 =	vmul.f32 v7, v6;
	_ =	sdelay $0x1  }
0x76: {  	[tilespmem:v9+s25+$0x0] =	vst.idx.msk $0xffff, v6  }
0x77: {  	v7 =	vld.idx.msk [tilespmem:v8+s23+$0x0], $0xffff  }
0x78: {  	v8 =	vld.idx.msk [tilespmem:v10+s25+$0x0], $0xffff;
	_ =	sdelay $0x1  }
0x79: {  	v9 =	vor.u32 s14, v0  }
0x7a: {  	v6 =	vshll.u32 v9, $0x3  }
0x7b: {  	v6 =	vor.u32 v1, v6;
	_ =	sdelay $0x1  }
0x7c: {  	v7 =	vmul.f32 v8, v7;
	_ =	sdelay $0x1  }
0x7d: {  	[tilespmem:v10+s25+$0x0] =	vst.idx.msk $0xffff, v7  }
0x7e: {  	v7 =	vld.idx.msk [tilespmem:v9+s23+$0x0], $0xffff  }
.Ltmp0:
0x7f: {  	v9 =	vld.idx.msk [tilespmem:v6+s25+$0x0], $0xffff;
	(pc) =	sbr.rel @p0 .LBB2_3-.Ltmp0, $4  }
0x80: {  	s14 =	sadd.s32 $0x10, s14  }
0x81: {  	s21 =	sadd.s32 $0xFFFFFFF4, s14  }
0x82: {  	v8 =	vor.u32 s21, v0  }
0x83: {  	v10 =	vshll.u32 v8, $0x3  }
0x84: {  	_ = 	snop  }
0x85: {  	v10 =	vor.u32 v1, v10  }
0x86: {  	v7 =	vmul.f32 v9, v7;
	_ =	sdelay $0x1  }
0x87: {  	[tilespmem:v6+s25+$0x0] =	vst.idx.msk $0xffff, v7  }
0x88: {  	v6 =	vld.idx.msk [tilespmem:v8+s23+$0x0], $0xffff  }
0x89: {  	v7 =	vld.idx.msk [tilespmem:v10+s25+$0x0], $0xffff  }
0x8a: {  	s16 =	sadd.s32 $0xFFFFFFF8, s14  }
0x8b: {  	v8 =	vor.u32 s16, v0  }
0x8c: {  	v9 =	vshll.u32 v8, $0x3  }
0x8d: {  	v9 =	vor.u32 v1, v9  }
0x8e: {  	v6 =	vmul.f32 v7, v6;
	_ =	sdelay $0x1  }
0x8f: {  	[tilespmem:v10+s25+$0x0] =	vst.idx.msk $0xffff, v6  }
0x90: {  	v6 =	vld.idx.msk [tilespmem:v8+s23+$0x0], $0xffff  }
0x91: {  	v7 =	vld.idx.msk [tilespmem:v9+s25+$0x0], $0xffff  }
0x92: {  	s17 =	sadd.s32 $0xFFFFFFFC, s14  }
0x93: {  	v8 =	vor.u32 s17, v0  }
0x94: {  	v10 =	vshll.u32 v8, $0x3  }
0x95: {  	v10 =	vor.u32 v1, v10  }
0x96: {  	v6 =	vmul.f32 v7, v6;
	_ =	sdelay $0x1  }
0x97: {  	[tilespmem:v9+s25+$0x0] =	vst.idx.msk $0xffff, v6  }
0x98: {  	v6 =	vld.idx.msk [tilespmem:v8+s23+$0x0], $0xffff  }
0x99: {  	v7 =	vld.idx.msk [tilespmem:v10+s25+$0x0], $0xffff;
	_ =	sdelay $0x1  }
0x9a: {  	v8 =	vor.u32 s14, v0  }
0x9b: {  	v9 =	vshll.u32 v8, $0x3  }
0x9c: {  	v9 =	vor.u32 v1, v9  }
0x9d: {  	v6 =	vmul.f32 v7, v6;
	_ =	sdelay $0x1  }
0x9e: {  	[tilespmem:v10+s25+$0x0] =	vst.idx.msk $0xffff, v6  }
0x9f: {  	v6 =	vld.idx.msk [tilespmem:v8+s23+$0x0], $0xffff  }
0xa0: {  	v7 =	vld.idx.msk [tilespmem:v9+s25+$0x0], $0xffff;
	_ =	sdelay $0x4  }
0xa1: {  	v6 =	vmul.f32 v7, v6;
	_ =	sdelay $0x1  }
0xa2: {  	[tilespmem:v9+s25+$0x0] =	vst.idx.msk $0xffff, v6  }
0xa3: {  	v6 =	vld.idx.msk [tilespmem:v2+s23+$0x0], $0xffff  }
0xa4: {  	v7 =	vld.idx.msk [tilespmem:v3+s25+$0x0], $0xffff;
	_ =	sdelay $0x4  }
0xa5: {  	v6 =	vmul.f32 v7, v6;
	_ =	sdelay $0x1  }
0xa6: {  	[tilespmem:v3+s25+$0x0] =	vst.idx.msk $0xffff, v6  }
0xa7: {  	v6 =	vld.idx.msk [tilespmem:v4+s23+$0x0], $0xffff  }
0xa8: {  	v7 =	vld.idx.msk [tilespmem:v5+s25+$0x0], $0xffff;
	_ =	sdelay $0x4  }
0xa9: {  	v6 =	vmul.f32 v7, v6;
	_ =	sdelay $0x1  }
0xaa: {  	p0 =	seq.s32 s11, $0x31;
	[tilespmem:v5+s25+$0x0] =	vst.idx.msk $0xffff, v6  }
0xab: {  	[spmem:s4] =	stream.indirect.scatter.add.f32 [tilespmem:s25], [sflag:$0x2], $0x8, s22, s24, $0xb8;
	[tilespmem:$0x1DDF0] =	vst v63  }
0xac: {  	s12 =	sadd.s32 @!p0 s12, s15;
	_ =	swait.ge [sflag:s0], $0x1F40  }
0xad: {  	s21 =	simm.s32 @!p0 $0x18800;
	s12 =	sshrl.u32 @!p0 s12, $0x3;
	[sflag:s0] =	ssyncset.done $0x0  }
0xae: {  	s16 =	simm.s32 @!p0 $0x0;
	s14 =	sadd.s32 @!p0 s6, s12;
	[sflag:s0] =	ssyncadd.s32 $0xFFFFE0C0  }
0xaf: {  	[tilespmem:s21], [sflag:$0x5] =	stream.linear.gather @!p0 [hbm4b:s14+s16], $0x3E8, $0x38;
	[tilespmem:$0x1DDF0] =	vst v63  }
0xb0: {  	s14 =	simm.s32 @!p0 $0x5  }
0xb1: {  	_ =	swait.ge @!p0 [sflag:s14], $0x3E8  }
0xb2: {  	[sflag:s14] =	ssyncset.done @!p0 $0x0  }
0xb3: {  	s18 =	simm.s32 @!p0 $0x18BE8;
	s17 =	sadd.s32 @!p0 s7, s12;
	[sflag:s14] =	ssyncadd.s32 @!p0 $0xFFFFFC18  }
0xb4: {  	[tilespmem:s18], [sflag:$0x5] =	stream.linear.gather @!p0 [hbm4b:s17+s16], $0x3E8, $0x38;
	[tilespmem:$0x1DDF0] =	vst v63  }
0xb5: {  	_ =	swait.ge @!p0 [sflag:s14], $0x3E8  }
0xb6: {  	[sflag:s14] =	ssyncset.done @!p0 $0x0  }
0xb7: {  	s12 =	sadd.s32 @!p0 s1, s12;
	s17 =	simm.s32 @!p0 $0x18FD0;
	[sflag:s14] =	ssyncadd.s32 @!p0 $0xFFFFFC18  }
0xb8: {  	[tilespmem:s17], [sflag:$0x5] =	stream.linear.gather @!p0 [hbm4b:s12+s16], $0x3E8, $0x38;
	[tilespmem:$0x1DDF0] =	vst v63  }
0xb9: {  	s18 =	simm.s32 $0x0;
	_ =	swait.ge @!p0 [sflag:s14], $0x3E8  }
0xba: {  	v6 =	vor.u32 s18, v0;
	[sflag:s14] =	ssyncset.done @!p0 $0x0  }
0xbb: {  	v7 =	vshll.u32 v6, $0x3;
	s12 =	simm.s32 @!p0 $0x3E8;
	[sflag:s14] =	ssyncadd.s32 @!p0 $0xFFFFFC18;
	s14 =	simm.s32 @!p0 $0x193B8  }
0xbc: {  	v7 =	vor.u32 v1, v7;
	[tilespmem:s14], [sflag:$0x1] =	stream.indirect.gather @!p0 [spmem:s3], $0x8, s21, s12, $0xb8;
	[tilespmem:$0x1DDF0] =	vst v63  }
0xbd: {  	_ =	swait.ge [sflag:s2], $0x1F40  }
0xbe: {  	[sflag:s2] =	ssyncset.done $0x0  }
0xbf: {  	[sflag:s2] =	ssyncadd.s32 $0xFFFFE0C0  }
0xc0: {  	v6 =	vld.idx.msk [tilespmem:v6+s29+$0x0], $0xffff  }
0xc1: {  	v8 =	vld.idx.msk [tilespmem:v7+s30+$0x0], $0xffff  }
0xc2: {  	s16 =	simm.s32 $0x4  }
0xc3: {  	v9 =	vor.u32 s16, v0  }
0xc4: {  	v10 =	vshll.u32 v9, $0x3  }
0xc5: {  	v10 =	vor.u32 v1, v10  }
0xc6: {  	v6 =	vmul.f32 v8, v6;
	_ =	sdelay $0x1  }
0xc7: {  	[tilespmem:v7+s30+$0x0] =	vst.idx.msk $0xffff, v6  }
0xc8: {  	v6 =	vld.idx.msk [tilespmem:v9+s29+$0x0], $0xffff  }
0xc9: {  	v7 =	vld.idx.msk [tilespmem:v10+s30+$0x0], $0xffff  }
0xca: {  	s17 =	simm.s32 $0x8  }
0xcb: {  	v8 =	vor.u32 s17, v0  }
0xcc: {  	v9 =	vshll.u32 v8, $0x3  }
0xcd: {  	v9 =	vor.u32 v1, v9  }
0xce: {  	v6 =	vmul.f32 v7, v6;
	_ =	sdelay $0x1  }
0xcf: {  	[tilespmem:v10+s30+$0x0] =	vst.idx.msk $0xffff, v6  }
0xd0: {  	v7 =	vld.idx.msk [tilespmem:v8+s29+$0x0], $0xffff  }
0xd1: {  	v8 =	vld.idx.msk [tilespmem:v9+s30+$0x0], $0xffff  }
0xd2: {  	s18 =	simm.s32 $0xC  }
0xd3: {  	v10 =	vor.u32 s18, v0  }
0xd4: {  	v6 =	vshll.u32 v10, $0x3  }
0xd5: {  	v6 =	vor.u32 v1, v6  }
0xd6: {  	v7 =	vmul.f32 v8, v7;
	_ =	sdelay $0x1  }
0xd7: {  	[tilespmem:v9+s30+$0x0] =	vst.idx.msk $0xffff, v7  }
0xd8: {  	v7 =	vld.idx.msk [tilespmem:v10+s29+$0x0], $0xffff  }
0xd9: {  	v9 =	vld.idx.msk [tilespmem:v6+s30+$0x0], $0xffff  }
0xda: {  	s21 =	simm.s32 $0x10  }
0xdb: {  	v8 =	vor.u32 s21, v0  }
0xdc: {  	s14 =	simm.s32 $0x4;
	s12 =	simm.s32 $0x1C;
	v10 =	vshll.u32 v8, $0x3  }
.LBB2_5:
0xdd: {  	s14 =	sadd.s32 $0x4, s14;
	v10 =	vor.u32 v1, v10  }
0xde: {  	v7 =	vmul.f32 v9, v7;
	p0 =	slt.u32 s14, $0xF4;
	_ =	sdelay $0x1  }
0xdf: {  	[tilespmem:v6+s30+$0x0] =	vst.idx.msk $0xffff, v7  }
0xe0: {  	v6 =	vld.idx.msk [tilespmem:v8+s29+$0x0], $0xffff  }
0xe1: {  	v7 =	vld.idx.msk [tilespmem:v10+s30+$0x0], $0xffff  }
0xe2: {  	s16 =	sadd.s32 $0xFFFFFFF8, s12  }
0xe3: {  	v8 =	vor.u32 s16, v0  }
0xe4: {  	v9 =	vshll.u32 v8, $0x3  }
0xe5: {  	v9 =	vor.u32 v1, v9;
	_ =	sdelay $0x1  }
0xe6: {  	v6 =	vmul.f32 v7, v6;
	_ =	sdelay $0x1  }
0xe7: {  	[tilespmem:v10+s30+$0x0] =	vst.idx.msk $0xffff, v6  }
0xe8: {  	v6 =	vld.idx.msk [tilespmem:v8+s29+$0x0], $0xffff  }
0xe9: {  	v7 =	vld.idx.msk [tilespmem:v9+s30+$0x0], $0xffff  }
0xea: {  	s16 =	sadd.s32 $0xFFFFFFFC, s12  }
0xeb: {  	v8 =	vor.u32 s16, v0  }
0xec: {  	v10 =	vshll.u32 v8, $0x3  }
0xed: {  	v10 =	vor.u32 v1, v10;
	_ =	sdelay $0x1  }
0xee: {  	v6 =	vmul.f32 v7, v6;
	_ =	sdelay $0x1  }
0xef: {  	[tilespmem:v9+s30+$0x0] =	vst.idx.msk $0xffff, v6  }
0xf0: {  	v7 =	vld.idx.msk [tilespmem:v8+s29+$0x0], $0xffff  }
0xf1: {  	v8 =	vld.idx.msk [tilespmem:v10+s30+$0x0], $0xffff;
	_ =	sdelay $0x1  }
0xf2: {  	v9 =	vor.u32 s12, v0  }
0xf3: {  	v6 =	vshll.u32 v9, $0x3  }
0xf4: {  	v6 =	vor.u32 v1, v6;
	_ =	sdelay $0x1  }
0xf5: {  	v7 =	vmul.f32 v8, v7;
	_ =	sdelay $0x1  }
0xf6: {  	[tilespmem:v10+s30+$0x0] =	vst.idx.msk $0xffff, v7  }
0xf7: {  	v7 =	vld.idx.msk [tilespmem:v9+s29+$0x0], $0xffff  }
.Ltmp1:
0xf8: {  	v9 =	vld.idx.msk [tilespmem:v6+s30+$0x0], $0xffff;
	(pc) =	sbr.rel @p0 .LBB2_5-.Ltmp1, $4  }
0xf9: {  	s12 =	sadd.s32 $0x10, s12  }
0xfa: {  	s16 =	sadd.s32 $0xFFFFFFF4, s12  }
0xfb: {  	v8 =	vor.u32 s16, v0  }
0xfc: {  	v10 =	vshll.u32 v8, $0x3  }
0xfd: {  	_ = 	snop  }
0xfe: {  	v10 =	vor.u32 v1, v10  }
0xff: {  	v7 =	vmul.f32 v9, v7;
	_ =	sdelay $0x1  }
0x100: {  	[tilespmem:v6+s30+$0x0] =	vst.idx.msk $0xffff, v7  }
0x101: {  	v6 =	vld.idx.msk [tilespmem:v8+s29+$0x0], $0xffff  }
0x102: {  	v7 =	vld.idx.msk [tilespmem:v10+s30+$0x0], $0xffff  }
0x103: {  	s14 =	sadd.s32 $0xFFFFFFF8, s12  }
0x104: {  	v58 =	vor.u32 s14, v0  }
0x105: {  	v59 =	vshll.u32 v58, $0x3  }
0x106: {  	v9 =	vor.u32 v1, v59  }
0x107: {  	v6 =	vmul.f32 v7, v6;
	_ =	sdelay $0x1  }
0x108: {  	[tilespmem:v10+s30+$0x0] =	vst.idx.msk $0xffff, v6  }
0x109: {  	v6 =	vld.idx.msk [tilespmem:v58+s29+$0x0], $0xffff  }
0x10a: {  	v7 =	vld.idx.msk [tilespmem:v9+s30+$0x0], $0xffff  }
0x10b: {  	s21 =	sadd.s32 $0xFFFFFFFC, s12  }
0x10c: {  	v60 =	vor.u32 s21, v0  }
0x10d: {  	v61 =	vshll.u32 v60, $0x3  }
0x10e: {  	v10 =	vor.u32 v1, v61  }
0x10f: {  	v6 =	vmul.f32 v7, v6;
	_ =	sdelay $0x1  }
0x110: {  	[tilespmem:v9+s30+$0x0] =	vst.idx.msk $0xffff, v6  }
0x111: {  	v6 =	vld.idx.msk [tilespmem:v60+s29+$0x0], $0xffff  }
0x112: {  	v7 =	vld.idx.msk [tilespmem:v10+s30+$0x0], $0xffff;
	_ =	sdelay $0x1  }
0x113: {  	v62 =	vor.u32 s12, v0  }
0x114: {  	v63 =	vshll.u32 v62, $0x3  }
0x115: {  	v9 =	vor.u32 v1, v63  }
0x116: {  	v6 =	vmul.f32 v7, v6;
	_ =	sdelay $0x1  }
0x117: {  	[tilespmem:v10+s30+$0x0] =	vst.idx.msk $0xffff, v6  }
0x118: {  	v6 =	vld.idx.msk [tilespmem:v62+s29+$0x0], $0xffff  }
0x119: {  	v7 =	vld.idx.msk [tilespmem:v9+s30+$0x0], $0xffff;
	_ =	sdelay $0x4  }
0x11a: {  	v6 =	vmul.f32 v7, v6;
	_ =	sdelay $0x1  }
0x11b: {  	[tilespmem:v9+s30+$0x0] =	vst.idx.msk $0xffff, v6  }
0x11c: {  	v6 =	vld.idx.msk [tilespmem:v2+s29+$0x0], $0xffff  }
0x11d: {  	v7 =	vld.idx.msk [tilespmem:v3+s30+$0x0], $0xffff;
	_ =	sdelay $0x4  }
0x11e: {  	v6 =	vmul.f32 v7, v6;
	_ =	sdelay $0x1  }
0x11f: {  	[tilespmem:v3+s30+$0x0] =	vst.idx.msk $0xffff, v6  }
0x120: {  	v6 =	vld.idx.msk [tilespmem:v4+s29+$0x0], $0xffff  }
0x121: {  	v7 =	vld.idx.msk [tilespmem:v5+s30+$0x0], $0xffff;
	_ =	sdelay $0x1  }
0x122: {  	s11 =	sadd.s32 $0x1, s11  }
0x123: {  	p0 =	sne.s32 s11, $0x32  }
.Ltmp2:
0x124: {  	_ = 	snop;
	(pc) =	sbr.rel @p0 .LBB2_2-.Ltmp2, $3  }
0x125: {  	v6 =	vmul.f32 v7, v6;
	_ =	sdelay $0x1  }
0x126: {  	[tilespmem:v5+s30+$0x0] =	vst.idx.msk $0xffff, v6  }
0x127: {  	[spmem:s4] =	stream.indirect.scatter.add.f32 [tilespmem:s30], [sflag:$0x4], $0x8, s28, s24, $0xb8;
	[tilespmem:$0x1DDF0] =	vst v63  }
0x128: {  	_ =	swait.ge [sflag:s8], $0x1F40  }
0x129: {  	[sflag:s8] =	ssyncset.done $0x0  }
0x12a: {  	[sflag:s8] =	ssyncadd.s32 $0xFFFFE0C0  }
0x12b: {  	[bflag:$0x0] =	sbarrier.arrive $0xFFFF  }
0x12c: {  	s11 =	rddreg [dreg:$0xa]  }
0x12d: {  	[hbm:s11], [sflag:s9] =	dma.local [spmem:s20], $0x1880  }
0x12e: {  	_ =	swait.ge [sflag:s19], $0x1880  }
0x12f: {  	s10 =	sadd.s32 $0x1, s10;
	s21 =	rddreg [dreg:$0xb]  }
0x130: {  	p0 =	sne.s32 s10, s21  }
.Ltmp3:
0x131: {  	_ = 	snop;
	(pc) =	sbr.rel @p0 .LBB2_1-.Ltmp3, $3  }
0x132: {  	_ =	sdelay $0x1  }
0x133: {  	[sflag:s19] =	ssyncset.done $0x0  }
0x134: {  	[sflag:s19] =	ssyncadd.s32 $0xFFFFE780  }
0x135: {  	_ =	sfence.sel $0x180000  }
0x136: {  	[bflag:$0x0] =	sbarrier.arrive $0xFFFF  }
0x137: {  	_ =	strace $0x9000004D  }
0x138: {  	s0 =	stileid.u32;
	[bflag:$0x2] =	sbarrier.arrive $0xFFFF  }
0x139: {  	p0 =	sne.s32 s0, $0x0;
	s0 =	rddreg [dreg:$0x4]  }
0x13a: {  	s0 =	sadd.s32 @!p0 $0x100000, s0  }
0x13b: {  	[sflag:s0] =	ssyncadd.tile.s32 @!p0 $0x1;
	_ =	shalt  }
.Lfunc_end2:
_tile_overlayer_lowered:
.L_overlay_start_2:
0x13c: {  	(tag) =	ssettag $0x2  }
0x13d: {  	s0 =	rddreg [dreg:$0x0];
	s2 =	stileid.u32  }
0x13e: {  	s1 =	rddreg [dreg:$0x1];
	p0 =	sne.s32 s2, $0x0  }
0x13f: {  	s3 =	rddreg [dreg:$0x2];
	[bflag:$0x3] =	sbarrier.arrive $0xFFFF;
	s2 =	simm.s32 @!p0 $0x1C05  }
0x140: {  	[timem:s3], [sflag:s2] =	dma.local @!p0 [hbm:s0], s1  }
0x141: {  	s0 =	simm.s32 @!p0 $0x5  }
0x142: {  	_ =	swait.ge @!p0 [sflag:s0], s1  }
0x143: {  	s1 =	ssub.s32 @!p0 $0x0, s1;
	[sflag:s0] =	ssyncset.done @!p0 $0x0  }
0x144: {  	[sflag:s0] =	ssyncadd.s32 @!p0 s1  }
0x145: {  	[bflag:$0x3] =	sbarrier.arrive $0xFFFF  }
0x146: {  	_ =	shalt  }

// kernel: kernel.8.cloned.1.call-start
scs
__scs_entry_jumppad:
0x0: {  	(pc) =	sbr.rel $0x88, $3  }
0x1: {  	(tag) =	ssettag $0x0;
	lr =	simm.s32 $0x1  }
0x2: {  	[smem:$0x3F9A] =	sst lr;
	_ =	strace $0xD0000000  }
0x3: {  	_ = 	snop  }
0x4: {  	_ = 	snop  }
0x5: {  	_ = 	snop  }
0x6: {  	_ = 	snop  }
0x7: {  	_ = 	snop  }
__scs_overlays_trampoline_lowered:
0x8: {  	[smem:$0x3FA9] =	sst s0  }
0x9: {  	[smem:$0x3FAA] =	sst s1  }
0xa: {  	[smem:$0x3FAB] =	sst s2  }
0xb: {  	[smem:$0x3FAC] =	sst s3  }
0xc: {  	[smem:$0x3FAD] =	sst s4  }
0xd: {  	[smem:$0x3FAE] =	sst s5  }
0xe: {  	[smem:$0x3FAF] =	sst s6  }
0xf: {  	[smem:$0x3FB0] =	sst s7  }
0x10: {  	[smem:$0x3FB1] =	sst s8  }
0x11: {  	[smem:$0x3FB2] =	sst s9;
	s0 =	simm.s32 @!p0 $0x0  }
0x12: {  	s1 =	sld [smem:$0x3F98];
	s0 =	simm.s32 @p0 $0x1  }
0x13: {  	[smem:$0x3FB3] =	sst s0;
	s0 =	simm.s32 @!p1 $0x0  }
0x14: {  	s2 =	sld [smem:$0x3F97];
	s0 =	simm.s32 @p1 $0x1  }
0x15: {  	[smem:$0x3FB4] =	sst s0;
	s0 =	simm.s32 @!p2 $0x0  }
0x16: {  	s3 =	sld [smem:$0x3FDB];
	s0 =	simm.s32 @p2 $0x1  }
0x17: {  	s4 =	simm.s32 $0x1BF5;
	[smem:$0x3FB6] =	sst s0  }
0x18: {  	s0 =	sld [smem:$0x3F99];
	_ =	swait.ge [sflag:s4], $0x0  }
0x19: {  	s7 =	sld [smem:$0x3F9A]  }
0x1a: {  	s8 =	sadd.s32 $0xFFFFE003, lr  }
0x1b: {  	s9 =	sadd.s32 $0xFFFFFEF7, lr;
	s5 =	simm.s32 $0xFFFFFFFF;
	p2 =	slt.u32 s8, $0xFFFFF086  }
0x1c: {  	p1 =	slt.u32 s9, $0xF7A;
	s5 =	simm.s32 @!p2 $0x0  }
0x1d: {  	s5 =	simm.s32 @p1 $0x1;
	p0 =	seq.s32 s7, s2  }
0x1e: {  	s7 =	smul.u32 @!p0 $0xF7A, s2;
	p2 =	seq.s32 @!p0 s5, $0x0  }
0x1f: {  	s9 =	smul.u32 $0xF7A, s1;
	s8 =	simm.s32 @!p0 $0x1BF5;
	p2 =	por !p2, p0  }
0x20: {  	[sflag:s8] =	ssyncset.s32 @!p0 $0xFFFFF086;
	s6 =	sadd.s32 @!p0 s3, s7;
	s7 =	simm.s32 @!p0 $0x108  }
0x21: {  	s3 =	sadd.s32 s3, s9;
	s6 =	sadd.s32 @!p0 $0x88, s6;
	s7 =	simm.s32 @p2 $0x1082  }
0x22: {  	[simem:s7], [sflag:s8] =	dma.local @!p0 [hbm:s6], $0xF7A  }
0x23: {  	s9 =	sor.u32 $0xD0000000, s2;
	s6 =	simm.s32 $0x108;
	_ =	swait.ge @!p0 [sflag:s8], $0x0  }
0x24: {  	s3 =	sadd.s32 $0x88, s3;
	s6 =	simm.s32 @!p1 $0x1082;
	[sflag:s4] =	ssyncset.s32 $0xFFFFF086  }
0x25: {  	[simem:s6], [sflag:s4] =	dma.local [hbm:s3], $0xF7A  }
0x26: {  	[smem:$0x3F9A] =	sst s1;
	(tag) =	ssettag s2;
	_ =	strace s9  }
0x27: {  	s1 =	sld [smem:$0x3FAA]  }
0x28: {  	s2 =	sld [smem:$0x3FAB]  }
0x29: {  	s4 =	sld [smem:$0x3FAD]  }
0x2a: {  	p0 =	seq.s32 s5, $0x0;
	s5 =	sld [smem:$0x3FAE]  }
0x2b: {  	s6 =	sld [smem:$0x3FAF]  }
0x2c: {  	s7 =	sld [smem:$0x3FB0]  }
0x2d: {  	s3 =	simm.s32 $0x108;
	s8 =	sld [smem:$0x3FB1]  }
0x2e: {  	s3 =	simm.s32 @!p0 $0x1082;
	s9 =	sld [smem:$0x3FB2]  }
0x2f: {  	lr =	sadd.s32 s0, s3;
	s0 =	sld [smem:$0x3FA9]  }
0x30: {  	s3 =	sld [smem:$0x3FAC]  }
0x31: {  	[smem:$0x3FB5] =	sst s10  }
0x32: {  	s10 =	sld [smem:$0x3FB3];
	_ =	sdelay $0x3  }
0x33: {  	p0 =	seq.s32 s10, $0x1;
	s10 =	sld [smem:$0x3FB5];
	_ =	sdelay $0x3  }
0x34: {  	[smem:$0x3FB5] =	sst s10  }
0x35: {  	s10 =	sld [smem:$0x3FB4];
	_ =	sdelay $0x3  }
0x36: {  	p1 =	seq.s32 s10, $0x1;
	s10 =	sld [smem:$0x3FB5];
	_ =	sdelay $0x3  }
0x37: {  	[smem:$0x3FB5] =	sst s10  }
0x38: {  	s10 =	sld [smem:$0x3FB6]  }
0x39: {  	_ = 	snop;
	(pc) =	sbr.ind lr, $3  }
0x3a: {  	_ = 	snop  }
0x3b: {  	_ = 	snop  }
0x3c: {  	p2 =	seq.s32 s10, $0x1;
	s10 =	sld [smem:$0x3FB5]  }
0x3d: {  	_ =	shalt  }
0x3e: {  	_ =	shalt  }
0x3f: {  	_ =	shalt  }
0x40: {  	_ =	shalt  }
0x41: {  	_ =	shalt  }
0x42: {  	_ =	shalt  }
0x43: {  	_ =	shalt  }
0x44: {  	_ =	shalt  }
0x45: {  	_ =	shalt  }
0x46: {  	_ =	shalt  }
0x47: {  	_ =	shalt  }
0x48: {  	_ =	shalt  }
0x49: {  	_ =	shalt  }
0x4a: {  	_ =	shalt  }
0x4b: {  	_ =	shalt  }
0x4c: {  	_ =	shalt  }
0x4d: {  	_ =	shalt  }
0x4e: {  	_ =	shalt  }
0x4f: {  	_ =	shalt  }
0x50: {  	_ =	shalt  }
0x51: {  	_ =	shalt  }
0x52: {  	_ =	shalt  }
0x53: {  	_ =	shalt  }
0x54: {  	_ =	shalt  }
0x55: {  	_ =	shalt  }
0x56: {  	_ =	shalt  }
0x57: {  	_ =	shalt  }
0x58: {  	_ =	shalt  }
0x59: {  	_ =	shalt  }
0x5a: {  	_ =	shalt  }
0x5b: {  	_ =	shalt  }
0x5c: {  	_ =	shalt  }
0x5d: {  	_ =	shalt  }
0x5e: {  	_ =	shalt  }
0x5f: {  	_ =	shalt  }
0x60: {  	_ =	shalt  }
0x61: {  	_ =	shalt  }
0x62: {  	_ =	shalt  }
0x63: {  	_ =	shalt  }
0x64: {  	_ =	shalt  }
0x65: {  	_ =	shalt  }
0x66: {  	_ =	shalt  }
0x67: {  	_ =	shalt  }
0x68: {  	_ =	shalt  }
0x69: {  	_ =	shalt  }
0x6a: {  	_ =	shalt  }
0x6b: {  	_ =	shalt  }
0x6c: {  	_ =	shalt  }
0x6d: {  	_ =	shalt  }
0x6e: {  	_ =	shalt  }
0x6f: {  	_ =	shalt  }
0x70: {  	_ =	shalt  }
0x71: {  	_ =	shalt  }
0x72: {  	_ =	shalt  }
0x73: {  	_ =	shalt  }
0x74: {  	_ =	shalt  }
0x75: {  	_ =	shalt  }
0x76: {  	_ =	shalt  }
0x77: {  	_ =	shalt  }
0x78: {  	_ =	shalt  }
0x79: {  	_ =	shalt  }
0x7a: {  	_ =	shalt  }
0x7b: {  	_ =	shalt  }
0x7c: {  	_ =	shalt  }
0x7d: {  	_ =	shalt  }
0x7e: {  	_ =	shalt  }
0x7f: {  	_ =	shalt  }
0x80: {  	_ =	shalt  }
0x81: {  	_ =	shalt  }
0x82: {  	_ =	shalt  }
0x83: {  	_ =	shalt  }
0x84: {  	_ =	shalt  }
0x85: {  	_ =	shalt  }
0x86: {  	_ =	shalt  }
0x87: {  	_ =	shalt  }
.Lfunc_end0:
.L_simem_size_0:
called_computation_lowered:
.L_overlay_start_0:
0x88: {  	s2 =	sld [smem:$0x3FD9]  }
0x89: {  	s3 =	sld [smem:$0x3FFE];
	_ =	sdelay $0x1  }
0x8a: {  	s1 =	srdreg.scid  }
0x8b: {  	s0 =	sand.u32 $0x1, s1  }
0x8c: {  	s17 =	sshll.u32 s0, $0xA;
	s2 =	sadd.s32 s3, s2  }
0x8d: {  	s2 =	sadd.s32 s2, s17  }
0x8e: {  	[smem:$0x3FC1] =	sst s2  }
0x8f: {  	_ = 	snop  }
0x90: {  	s2 =	sld [smem:$0x3FC7];
	(tm) =	ssettm $0x1  }
0x91: {  	s18 =	sld [smem:$0x3FFB];
	_ =	sdelay $0x3  }
0x92: {  	_ =	strace s18  }
0x93: {  	s3 =	sld [smem:$0x3FFC];
	_ =	sdelay $0x3  }
0x94: {  	_ =	strace s3  }
0x95: {  	s3 =	sld [smem:$0x3FFD];
	_ =	sdelay $0x3  }
0x96: {  	_ =	strace s3  }
0x97: {  	_ =	strace $0x8FFFFFFF  }
0x98: {  	s19 =	sld [smem:$0x3FDB];
	_ =	sdelay $0x1  }
0x99: {  	s4 =	simm.s32 $_scs_section_size  }
0x9a: {  	s5 =	simm.s32 $_size__tile_overlayer_lowered;
	s6 =	simm.s32 $_tile_overlayer_lowered  }
0x9b: {  	s22 =	simm.s32 $0x1BFF;
	s21 =	sshll.u32 s6, $0x1;
	s3 =	sadd.s32 s4, s19  }
0x9c: {  	s7 =	simm.s32 $0x0;
	s20 =	sshll.u32 s5, $0x1;
	s5 =	sadd.s32 s21, s3  }
0x9d: {  	[timem:s7], [sflag:s22] =	dma.local [hbm:s5], s20  }
0x9e: {  	_ =	swait.ge [sflag:s22], s20  }
0x9f: {  	s4 =	ssub.s32 $0x0, s20;
	[sflag:s22] =	ssyncset.done $0x0  }
0xa0: {  	[sflag:s22] =	ssyncadd.s32 s4;
	_ =	sdelay $0x1  }
0xa1: {  	s23 =	simm.s32 $0x1B8B  }
0xa2: {  	_ =	swait.ge [sflag:s23], $0x1  }
0xa3: {  	[sflag:s23] =	ssyncset.done $0x0  }
0xa4: {  	s25 =	simm.s32 $0x1B8E;
	s24 =	sld [smem:$0x3FFE];
	[sflag:s23] =	ssyncadd.s32 $0xFFFFFFFF  }
0xa5: {  	s26 =	simm.s32 $execute0_lowered;
	[smem:$0x3FD2] =	sst s25  }
0xa6: {  	s5 =	sshll.u32 s26, $0x1;
	_ =	strace $0x80000046;
	[dreg:$0x1] =	wrdreg $0xFFFFFFFF  }
0xa7: {  	s28 =	simm.s32 $_size_execute0_lowered;
	s3 =	sadd.s32 s3, s5;
	[dreg:$0x0] =	wrdreg $0x0  }
0xa8: {  	s5 =	sshll.u32 s28, $0x1;
	[dreg:$0x2] =	wrdreg s3  }
0xa9: {  	[dreg:$0x3] =	wrdreg s5  }
0xaa: {  	[dreg:$0x4] =	wrdreg $0xC0  }
0xab: {  	_ =	task [dreg:s7], $0x5FFFF  }
0xac: {  	[dreg:$0x1] =	wrdreg $0xFFFFFFFF  }
0xad: {  	[dreg:$0x0] =	wrdreg $0x60  }
0xae: {  	[dreg:$0x2] =	wrdreg s24  }
0xaf: {  	[dreg:$0x3] =	wrdreg s2  }
0xb0: {  	[dreg:$0x4] =	wrdreg $0x9  }
0xb1: {  	_ =	task.clear_ibuf [dreg:s7], $0x5FFFF;
	_ =	strace $0x90000046  }
0xb2: {  	s29 =	simm.s32 $0x9;
	_ =	strace $0x80000048  }
0xb3: {  	_ =	swait.ge [sflag:s29], $0x1  }
0xb4: {  	[sflag:s29] =	ssyncadd.s32 $0xFFFFFFFF  }
0xb5: {  	_ =	strace $0x90000048  }
0xb6: {  	_ =	sfence  }
0xb7: {  	s30 =	sld [smem:$0x0];
	_ =	sdelay $0x2  }
0xb8: {  	s31 =	sshll.u32 s1, $0xD;
	s1 =	sshrl.u32 s1, $0x2  }
0xb9: {  	s3 =	sand.u32 $0x4000, s31;
	s1 =	sadd.s32 s1, s30  }
0xba: {  	s0 =	sor.u32 s3, s0;
	s1 =	sshll.u32 s1, $0x11  }
0xbb: {  	s0 =	sor.u32 s1, s0  }
0xbc: {  	s0 =	sadd.s32 $0x8F2B, s0  }
0xbd: {  	[sflag:s0] =	ssyncadd.remote.s32 $0x1  }
0xbe: {  	_ =	sfence.sel $0xFFFF  }
0xbf: {  	[dreg:$0x0] =	wrdreg $0xFFFFFFFF;
	(pc) =	sbr.abs _section_cstart, $3  }
0xc0: {  	[dreg:$0x1] =	wrdreg $0xFFFFFFFF  }
0xc1: {  	_ =	task.clear_ibuf [dreg:s7], $0x2FFFF;
	_ =	strace $0x9FFFFFFF  }
0xc2: {  	(tm) =	ssettm $0x7FFFFFFF  }
0xc3: {  	_ =	shalt  }
tec
execute0_lowered:
.L_overlay_start_1:
0x0: {  	(tag) =	ssettag $0x1  }
0x1: {  	s5 =	rddreg [dreg:$0x0]  }
0x2: {  	s0 =	srdreg.scid;
	s2 =	rddreg [dreg:$0x1];
	s3 =	simm.s32 $0x0  }
0x3: {  	s12 =	simm.s32 $0x1;
	s13 =	simm.s32 $0x18FD0;
	s4 =	sand.u32 $0x1, s0  }
0x4: {  	s14 =	simm.s32 $0x197A0;
	s0 =	stileid.u32;
	s1 =	sshll.u32 s4, $0x4  }
0x5: {  	s15 =	simm.s32 $0x19F70;
	s16 =	simm.s32 $0x0;
	s6 =	sor.u32 s0, s1  }
0x6: {  	[smem:$0x7FF] =	sst s3;
	s8 =	ssub.s32 $0x2, s4;
	s7 =	smul.u32 $0x3100, s6  }
0x7: {  	s4 =	sadd.s32 $0x1A00, s5;
	s30 =	sshrl.u32 s8, $0x1;
	s9 =	smul.u32 $0x186A0, s6  }
0x8: {  	s1 =	rddreg [dreg:$0x2];
	_ =	strace $0x80000047;
	s11 =	ssub.s32 s8, s30  }
0x9: {  	s10 =	sadd.s32 s7, s5;
	s31 =	sshrl.u32 s9, $0x3;
	s7 =	sadd.s32 $0x7D0, s9  }
0xa: {  	s8 =	sadd.s32 $0xFA0, s9;
	s5 =	sadd.s32 s4, s31;
	s6 =	sadd.s32 s2, s31  }
0xb: {  	v0 =	vimm.f32 $0.0e+00;
	s9 =	sadd.s32 $0xC5200, s10;
	s10 =	smax.u32 s11, $0x1;
	s11 =	simm.s32 $0x18800  }
.LBB2_1:
0xc: {  	s17 =	simm.s32 $0x40  }
0xd: {  	[tilespmem:s17+$0xFFFFFFC0] =	vst v0  }
0xe: {  	[tilespmem:s17+$0x30] =	vst v0  }
0xf: {  	[tilespmem:s17+$0x20] =	vst v0  }
0x10: {  	[tilespmem:s17+$0x10] =	vst v0  }
0x11: {  	[tilespmem:s17+$0x0] =	vst v0  }
0x12: {  	[tilespmem:s17+$0xFFFFFFF0] =	vst v0  }
0x13: {  	s18 =	simm.s32 $0x0;
	[tilespmem:s17+$0xFFFFFFE0] =	vst v0  }
.LBB2_2:
0x14: {  	s18 =	sadd.s32 $0x8, s18;
	[tilespmem:s17+$0xFFFFFFD0] =	vst v0;
	s17 =	sadd.s32 $0x80, s17  }
0x15: {  	[tilespmem:s17+$0xFFFFFFC0] =	vst v0;
	p0 =	slt.u32 s18, $0x1878  }
0x16: {  	[tilespmem:s17+$0x30] =	vst v0  }
.Ltmp0:
0x17: {  	[tilespmem:s17+$0x20] =	vst v0;
	(pc) =	sbr.rel @p0 .LBB2_2-.Ltmp0, $4  }
0x18: {  	[tilespmem:s17+$0x10] =	vst v0  }
0x19: {  	[tilespmem:s17+$0x0] =	vst v0  }
0x1a: {  	[tilespmem:s17+$0xFFFFFFF0] =	vst v0  }
0x1b: {  	[tilespmem:s17+$0xFFFFFFE0] =	vst v0  }
0x1c: {  	[tilespmem:s17+$0xFFFFFFD0] =	vst v0;
	s17 =	simm.s32 $0x0  }
0x1d: {  	[tilespmem:s11], [sflag:$0x1] =	stream.linear.gather [hbm4b:s5+s17], $0x7D0, $0x38;
	[tilespmem:$0x1A740] =	vst v63  }
0x1e: {  	_ =	swait.ge [sflag:s12], $0x7D0  }
0x1f: {  	[sflag:s12] =	ssyncset.done $0x0  }
0x20: {  	[sflag:s12] =	ssyncadd.s32 $0xFFFFF830  }
0x21: {  	[tilespmem:s13], [sflag:$0x1] =	stream.linear.gather [hbm4b:s6+s17], $0x7D0, $0x38;
	[tilespmem:$0x1A740] =	vst v63  }
0x22: {  	_ =	swait.ge [sflag:s12], $0x7D0  }
0x23: {  	[sflag:s12] =	ssyncset.done $0x0  }
0x24: {  	[sflag:s12] =	ssyncadd.s32 $0xFFFFF830  }
.LBB2_4:
0x25: {  	s18 =	smul.u32 $0xFA0, s17;
	_ =	sdelay $0x1  }
0x26: {  	s19 =	sadd.s32 s18, s7  }
0x27: {  	s19 =	sshrl.u32 s19, $0x3  }
0x28: {  	s20 =	sadd.s32 s4, s19  }
0x29: {  	[tilespmem:s14], [sflag:$0x1] =	stream.linear.gather [hbm4b:s20+s3], $0x7D0, $0x38;
	[tilespmem:$0x1A740] =	vst v63  }
0x2a: {  	_ =	swait.ge [sflag:s12], $0x7D0  }
0x2b: {  	[sflag:s12] =	ssyncset.done $0x0  }
0x2c: {  	s19 =	sadd.s32 s2, s19;
	[sflag:s12] =	ssyncadd.s32 $0xFFFFF830  }
0x2d: {  	[tilespmem:s15], [sflag:$0x1] =	stream.linear.gather [hbm4b:s19+s3], $0x7D0, $0x38;
	[tilespmem:$0x1A740] =	vst v63  }
0x2e: {  	_ =	swait.ge [sflag:s12], $0x7D0  }
0x2f: {  	s21 =	simm.s32 $0x18FF0;
	[sflag:s12] =	ssyncset.done $0x0  }
0x30: {  	s20 =	simm.s32 $0x18820;
	s19 =	simm.s32 $0xFFFFFFFC;
	[sflag:s12] =	ssyncadd.s32 $0xFFFFF830  }
.LBB2_5:
0x31: {  	v1 =	vld [tilespmem:s20+$0xFFFFFFE0];
	_ =	sdelay $0x2  }
0x32: {  	v2 =	vld [tilespmem:s21+$0xFFFFFFE0];
	_ =	sdelay $0x4  }
0x33: {  	[tilespmem:v1+s3+$0x0] =	vst.idx.add.f32.msk $0xffff, v2  }
0x34: {  	v1 =	vld [tilespmem:s20+$0xFFFFFFF0];
	_ =	sdelay $0x2  }
0x35: {  	v2 =	vld [tilespmem:s21+$0xFFFFFFF0];
	_ =	sdelay $0x4  }
0x36: {  	[tilespmem:v1+s3+$0x0] =	vst.idx.add.f32.msk $0xffff, v2  }
0x37: {  	v1 =	vld [tilespmem:s20+$0x0];
	_ =	sdelay $0x2  }
0x38: {  	v2 =	vld [tilespmem:s21+$0x0];
	_ =	sdelay $0x4  }
0x39: {  	[tilespmem:v1+s3+$0x0] =	vst.idx.add.f32.msk $0xffff, v2  }
0x3a: {  	v1 =	vld [tilespmem:s20+$0x10];
	_ =	sdelay $0x1  }
0x3b: {  	s19 =	sadd.s32 $0x4, s19  }
0x3c: {  	p0 =	slt.u32 s19, $0x78;
	v2 =	vld [tilespmem:s21+$0x10]  }
.Ltmp1:
0x3d: {  	_ = 	snop;
	(pc) =	sbr.rel @p0 .LBB2_5-.Ltmp1, $2  }
0x3e: {  	_ =	sdelay $0x2  }
0x3f: {  	s20 =	sadd.s32 $0x40, s20;
	s21 =	sadd.s32 $0x40, s21;
	[tilespmem:v1+s3+$0x0] =	vst.idx.add.f32.msk $0xffff, v2  }
0x40: {  	v1 =	vld [tilespmem:$0x18FC0];
	_ =	sdelay $0x2  }
0x41: {  	v2 =	vld [tilespmem:$0x19790];
	_ =	sdelay $0x1  }
0x42: {  	p0 =	sgt.u32 s17, $0x17  }
0x43: {  	s18 =	sadd.s32 @!p0 s18, s8  }
0x44: {  	s18 =	sshrl.u32 @!p0 s18, $0x3  }
0x45: {  	s20 =	simm.s32 @!p0 $0x0;
	s21 =	simm.s32 @!p0 $0x18800;
	s19 =	sadd.s32 @!p0 s4, s18;
	[tilespmem:v1+s3+$0x0] =	vst.idx.add.f32.msk $0xffff, v2  }
0x46: {  	[tilespmem:s21], [sflag:$0x1] =	stream.linear.gather @!p0 [hbm4b:s19+s20], $0x7D0, $0x38;
	[tilespmem:$0x1A740] =	vst v63  }
0x47: {  	s19 =	simm.s32 @!p0 $0x1  }
0x48: {  	_ =	swait.ge @!p0 [sflag:s19], $0x7D0  }
0x49: {  	[sflag:s19] =	ssyncset.done @!p0 $0x0  }
0x4a: {  	s18 =	sadd.s32 @!p0 s2, s18;
	s21 =	simm.s32 @!p0 $0x18FD0;
	[sflag:s19] =	ssyncadd.s32 @!p0 $0xFFFFF830  }
0x4b: {  	[tilespmem:s21], [sflag:$0x1] =	stream.linear.gather @!p0 [hbm4b:s18+s20], $0x7D0, $0x38;
	[tilespmem:$0x1A740] =	vst v63  }
0x4c: {  	_ =	swait.ge @!p0 [sflag:s19], $0x7D0  }
0x4d: {  	s18 =	simm.s32 $0xFFFFFFFC;
	[sflag:s19] =	ssyncset.done @!p0 $0x0  }
0x4e: {  	s20 =	simm.s32 $0x19F90;
	[sflag:s19] =	ssyncadd.s32 @!p0 $0xFFFFF830;
	s19 =	simm.s32 $0x197C0  }
.LBB2_7:
0x4f: {  	v1 =	vld [tilespmem:s19+$0xFFFFFFE0];
	_ =	sdelay $0x2  }
0x50: {  	v2 =	vld [tilespmem:s20+$0xFFFFFFE0];
	_ =	sdelay $0x4  }
0x51: {  	[tilespmem:v1+s3+$0x0] =	vst.idx.add.f32.msk $0xffff, v2  }
0x52: {  	v1 =	vld [tilespmem:s19+$0xFFFFFFF0];
	_ =	sdelay $0x2  }
0x53: {  	v2 =	vld [tilespmem:s20+$0xFFFFFFF0];
	_ =	sdelay $0x4  }
0x54: {  	[tilespmem:v1+s3+$0x0] =	vst.idx.add.f32.msk $0xffff, v2  }
0x55: {  	v1 =	vld [tilespmem:s19+$0x0];
	_ =	sdelay $0x2  }
0x56: {  	v2 =	vld [tilespmem:s20+$0x0];
	_ =	sdelay $0x4  }
0x57: {  	[tilespmem:v1+s3+$0x0] =	vst.idx.add.f32.msk $0xffff, v2  }
0x58: {  	v1 =	vld [tilespmem:s19+$0x10];
	_ =	sdelay $0x1  }
0x59: {  	s18 =	sadd.s32 $0x4, s18  }
0x5a: {  	p0 =	slt.u32 s18, $0x78;
	v2 =	vld [tilespmem:s20+$0x10]  }
.Ltmp2:
0x5b: {  	_ = 	snop;
	(pc) =	sbr.rel @p0 .LBB2_7-.Ltmp2, $2  }
0x5c: {  	_ =	sdelay $0x2  }
0x5d: {  	s19 =	sadd.s32 $0x40, s19;
	s20 =	sadd.s32 $0x40, s20;
	[tilespmem:v1+s3+$0x0] =	vst.idx.add.f32.msk $0xffff, v2  }
0x5e: {  	v1 =	vld [tilespmem:$0x19F60];
	_ =	sdelay $0x1  }
0x5f: {  	s17 =	sadd.s32 $0x1, s17  }
0x60: {  	v2 =	vld [tilespmem:$0x1A730];
	p0 =	sne.s32 s17, $0x19  }
.Ltmp3:
0x61: {  	_ = 	snop;
	(pc) =	sbr.rel @p0 .LBB2_4-.Ltmp3, $2  }
0x62: {  	_ =	sdelay $0x2  }
0x63: {  	[tilespmem:v1+s3+$0x0] =	vst.idx.add.f32.msk $0xffff, v2  }
0x64: {  	s16 =	sadd.s32 $0x1, s16  }
0x65: {  	p0 =	sne.s32 s16, s10  }
.Ltmp4:
0x66: {  	_ = 	snop;
	(pc) =	sbr.rel @p0 .LBB2_1-.Ltmp4, $4  }
0x67: {  	[hbm4b:s9+s3] =	stream.linear.scatter [tilespmem:s3], [sflag:$0x1], $0x18800, $0x38;
	[tilespmem:$0x1A740] =	vst v63  }
0x68: {  	_ =	swait.ge [sflag:s12], $0x18800  }
0x69: {  	[sflag:s12] =	ssyncset.done $0x0  }
0x6a: {  	[sflag:s12] =	ssyncadd.s32 $0xFFFE7800  }
0x6b: {  	_ =	sfence.sel $0x180000  }
0x6c: {  	[bflag:$0x0] =	sbarrier.arrive $0xFFFF  }
0x6d: {  	p0 =	sne.s32 s0, $0x0;
	_ =	strace $0x90000047  }
0x6e: {  	s0 =	sadd.s32 @!p0 $0x100000, s1;
	[bflag:$0x2] =	sbarrier.arrive $0xFFFF  }
0x6f: {  	[sflag:s0] =	ssyncadd.tile.s32 @!p0 $0x1;
	_ =	shalt  }
.Lfunc_end2:
_tile_overlayer_lowered:
.L_overlay_start_2:
0x70: {  	(tag) =	ssettag $0x2  }
0x71: {  	s0 =	rddreg [dreg:$0x0];
	s2 =	stileid.u32  }
0x72: {  	s1 =	rddreg [dreg:$0x1];
	p0 =	sne.s32 s2, $0x0  }
0x73: {  	s3 =	rddreg [dreg:$0x2];
	[bflag:$0x3] =	sbarrier.arrive $0xFFFF;
	s2 =	simm.s32 @!p0 $0x1C01  }
0x74: {  	[timem:s3], [sflag:s2] =	dma.local @!p0 [hbm:s0], s1  }
0x75: {  	s0 =	simm.s32 @!p0 $0x1  }
0x76: {  	_ =	swait.ge @!p0 [sflag:s0], s1  }
0x77: {  	s1 =	ssub.s32 @!p0 $0x0, s1;
	[sflag:s0] =	ssyncset.done @!p0 $0x0  }
0x78: {  	[sflag:s0] =	ssyncadd.s32 @!p0 s1  }
0x79: {  	[bflag:$0x3] =	sbarrier.arrive $0xFFFF  }
0x7a: {  	_ =	shalt  }

</sc_bundles>
